<compile_context>
chip_gen: v7x
topology: tpu7x:2x2x1
jax: 0.10.2.dev20260603
libtpu: 0.0.44.dev20260713+nightly
codegen_flags: <defaults>
</compile_context>

<pallas_src>
import functools

import jax
import jax.numpy as jnp
from jax import lax
from jax.experimental import pallas as pl
from jax.experimental.pallas import tpu as pltpu
from jax.experimental.pallas import tpu_sc as plsc

N_NODES_PAD = 10240
NC = 2
NS = 16
NW = NC * NS
CHUNK = 128
ROWS_PER_SUB = N_NODES_PAD // NS

_mesh = plsc.VectorSubcoreMesh(core_axis_name="c", subcore_axis_name="s")


DEG_ROWS = N_NODES_PAD // CHUNK


def _sc_degree(dst_slab, zeros_deg, k_chunks):

    @functools.partial(
        pl.kernel,
        out_type=jax.ShapeDtypeStruct((NC, DEG_ROWS, CHUNK), jnp.float32),
        mesh=_mesh,
        compiler_params=pltpu.CompilerParams(needs_layout_passes=False),
        scratch_types=[
            pltpu.VMEM((k_chunks, CHUNK), jnp.int32),
            pltpu.VMEM((DEG_ROWS, CHUNK), jnp.float32),
            pltpu.VMEM_SHARED((DEG_ROWS, CHUNK), jnp.float32),
        ],
    )
    def k(dst_hbm, z_hbm, out_hbm, dst_v, hist, acc):
        c = lax.axis_index("c")
        s = lax.axis_index("s")
        wid = c * NS + s
        rows_sub = 8
        r0 = s * rows_sub

        @pl.when(s < DEG_ROWS // rows_sub)
        def _():
            pltpu.sync_copy(z_hbm.at[pl.ds(r0, rows_sub)],
                            acc.at[pl.ds(r0, rows_sub)])

        pltpu.sync_copy(dst_hbm.at[wid], dst_v)

        def zero_row(j, carry):
            for l in range(CHUNK // 16):
                hist[j, pl.ds(16 * l, 16)] = jnp.zeros((16,), jnp.float32)
            return carry

        lax.fori_loop(0, DEG_ROWS, zero_row, 0)

        ones = jnp.full((16,), 1.0, jnp.float32)

        def body(j, carry):
            for l in range(CHUNK // 16):
                d = dst_v[j, pl.ds(16 * l, 16)]
                plsc.addupdate_scatter(
                    hist,
                    [lax.shift_right_logical(d, 7), jnp.bitwise_and(d, 127)],
                    ones)
            return carry

        lax.fori_loop(0, k_chunks, body, 0)
        plsc.subcore_barrier()
        for i in range(DEG_ROWS // 16):
            idx = lax.iota(jnp.int32, 16) + 16 * i
            pltpu.sync_copy(hist.at[pl.ds(16 * i, 16)], acc.at[idx], add=True)
        plsc.subcore_barrier()

        @pl.when(s < DEG_ROWS // rows_sub)
        def _():
            pltpu.sync_copy(acc.at[pl.ds(r0, rows_sub)],
                            out_hbm.at[c, pl.ds(r0, rows_sub)])

    return k(dst_slab, zeros_deg)


def _sc_aggregate(table, ed_slab, k_chunks, feat):
    assert k_chunks % 4 == 0
    quads = k_chunks // 4

    @functools.partial(
        pl.kernel,
        out_type=jax.ShapeDtypeStruct((NC, N_NODES_PAD, feat), jnp.float32),
        mesh=_mesh,
        scratch_types=[
            pltpu.VMEM((2, 2, 2, CHUNK), jnp.int32),
            pltpu.VMEM((2, CHUNK, feat), jnp.float32),
            pltpu.VMEM_SHARED((N_NODES_PAD, feat), jnp.float32),
            pltpu.SemaphoreType.DMA,
            pltpu.SemaphoreType.DMA,
            pltpu.SemaphoreType.DMA,
        ],
    )
    def k(table_hbm, ed_hbm, out_hbm, ib, rows, acc, sem0, sem1, semi):
        c = lax.axis_index("c")
        s = lax.axis_index("s")
        wid = c * NS + s
        r0 = s * ROWS_PER_SUB
        pltpu.sync_copy(table_hbm.at[pl.ds(r0, ROWS_PER_SUB)],
                        acc.at[pl.ds(r0, ROWS_PER_SUB)])
        pltpu.sync_copy(ed_hbm.at[wid, pl.ds(0, 2)], ib.at[0])
        plsc.subcore_barrier()

        sems = (sem0, sem1)

        def g_start(b, p, cip):
            pltpu.async_copy(table_hbm.at[ib.at[p, cip, 0]], rows.at[b],
                             sems[b])

        def g_wait(b, p, cip):
            pltpu.make_async_copy(table_hbm.at[ib.at[p, cip, 0]], rows.at[b],
                                  sems[b]).wait()

        def s_start(b, p, cip):
            pltpu.async_copy(rows.at[b], acc.at[ib.at[p, cip, 1]], sems[b],
                             add=True)

        def s_wait(b, p, cip):
            pltpu.make_async_copy(rows.at[b], acc.at[ib.at[p, cip, 1]],
                                  sems[b]).wait()

        def i_start(j0, p):
            pltpu.async_copy(ed_hbm.at[wid, pl.ds(j0, 2)], ib.at[p], semi)

        def i_wait(j0, p):
            pltpu.make_async_copy(ed_hbm.at[wid, pl.ds(j0, 2)], ib.at[p],
                                  semi).wait()

        g_start(0, 0, 0)

        def body(u, carry):
            c0 = 4 * u
            g_wait(0, 0, 0)
            s_start(0, 0, 0)

            @pl.when(u > 0)
            def _():
                s_wait(1, 1, 1)

            i_start(c0 + 2, 1)
            g_start(1, 0, 1)
            g_wait(1, 0, 1)
            s_start(1, 0, 1)
            s_wait(0, 0, 0)
            i_wait(c0 + 2, 1)
            g_start(0, 1, 0)
            g_wait(0, 1, 0)
            s_start(0, 1, 0)
            s_wait(1, 0, 1)

            @pl.when(u + 1 < quads)
            def _():
                i_start(c0 + 4, 0)

            g_start(1, 1, 1)
            g_wait(1, 1, 1)
            s_start(1, 1, 1)
            s_wait(0, 1, 0)

            @pl.when(u + 1 < quads)
            def _():
                i_wait(c0 + 4, 0)
                g_start(0, 0, 0)

            return carry

        lax.fori_loop(0, quads, body, 0)
        s_wait(1, 1, 1)
        plsc.subcore_barrier()
        pltpu.sync_copy(acc.at[pl.ds(r0, ROWS_PER_SUB)],
                        out_hbm.at[c, pl.ds(r0, ROWS_PER_SUB)])

    return k(table, ed_slab)


def _dis_from(deg_ref):
    return lax.rsqrt(deg_ref[...] + 1.0)


def _tc_h1p(x, W1, degp):
    blk = 512
    hid = W1.shape[1]

    def body(x_ref, w_ref, d_ref, o_ref):
        dis = _dis_from(d_ref)
        h = jnp.dot(x_ref[...], w_ref[...], preferred_element_type=jnp.float32)
        o_ref[...] = h * dis

    return pl.pallas_call(
        body,
        grid=(N_NODES_PAD // blk,),
        in_specs=[
            pl.BlockSpec((blk, x.shape[1]), lambda i: (i, 0)),
            pl.BlockSpec((x.shape[1], hid), lambda i: (0, 0)),
            pl.BlockSpec((blk, 1), lambda i: (i, 0)),
        ],
        out_specs=pl.BlockSpec((blk, hid), lambda i: (i, 0)),
        out_shape=jax.ShapeDtypeStruct((N_NODES_PAD, hid), jnp.float32),
    )(x, W1, degp)


def _tc_hp2(a1, h1p, degp, b1):
    blk = 512
    hid = h1p.shape[1]

    def body(a_ref, h_ref, d_ref, b_ref, o_ref):
        dis = _dis_from(d_ref)
        tot = a_ref[0] + a_ref[1] - h_ref[...]
        o_ref[...] = jnp.maximum(tot * dis + b_ref[...], 0.0) * dis

    return pl.pallas_call(
        body,
        grid=(N_NODES_PAD // blk,),
        in_specs=[
            pl.BlockSpec((NC, blk, hid), lambda i: (0, i, 0)),
            pl.BlockSpec((blk, hid), lambda i: (i, 0)),
            pl.BlockSpec((blk, 1), lambda i: (i, 0)),
            pl.BlockSpec((1, hid), lambda i: (0, 0)),
        ],
        out_specs=pl.BlockSpec((blk, hid), lambda i: (i, 0)),
        out_shape=jax.ShapeDtypeStruct((N_NODES_PAD, hid), jnp.float32),
    )(a1, h1p, degp, b1.reshape(1, hid))


def _tc_final(a2, hp2, degp, W2, b2, n):
    blk = 512
    hid = hp2.shape[1]
    out_c = W2.shape[1]

    def body(a_ref, h_ref, d_ref, w_ref, b_ref, o_ref):
        dis = _dis_from(d_ref)
        tot = (a_ref[0] + a_ref[1] - h_ref[...]) * dis
        o_ref[...] = jnp.dot(tot, w_ref[...],
                             preferred_element_type=jnp.float32) + b_ref[...]

    return pl.pallas_call(
        body,
        grid=(N_NODES_PAD // blk,),
        in_specs=[
            pl.BlockSpec((NC, blk, hid), lambda i: (0, i, 0)),
            pl.BlockSpec((blk, hid), lambda i: (i, 0)),
            pl.BlockSpec((blk, 1), lambda i: (i, 0)),
            pl.BlockSpec((hid, out_c), lambda i: (0, 0)),
            pl.BlockSpec((1, out_c), lambda i: (0, 0)),
        ],
        out_specs=pl.BlockSpec((blk, out_c), lambda i: (i, 0)),
        out_shape=jax.ShapeDtypeStruct((n, out_c), jnp.float32),
    )(a2, hp2, degp, W2, b2.reshape(1, out_c))


def kernel(x, edge_index, W1, b1, W2, b2):
    n = x.shape[0]
    e = edge_index.shape[1]
    k_chunks = -(-e // (NW * CHUNK))
    k_chunks += (-k_chunks) % 4
    pad_e = NW * k_chunks * CHUNK

    src = edge_index[0].astype(jnp.int32)
    dst = edge_index[1].astype(jnp.int32)
    npad = pad_e - e
    pad_idx = n + (jnp.arange(npad, dtype=jnp.int32) % (N_NODES_PAD - n))
    src_slab = jnp.concatenate([src, pad_idx]).reshape(NW, k_chunks, CHUNK)
    dst_slab = jnp.concatenate([dst, pad_idx]).reshape(NW, k_chunks, CHUNK)
    ed_slab = jnp.stack([src_slab, dst_slab], axis=2)

    z_deg = jnp.zeros((DEG_ROWS, CHUNK), jnp.float32)

    degp = _sc_degree(dst_slab, z_deg, k_chunks)
    deg = (degp[0] + degp[1]).reshape(N_NODES_PAD, 1)
    h1p = _tc_h1p(x, W1, deg)
    a1 = _sc_aggregate(h1p, ed_slab, k_chunks, W1.shape[1])
    hp2 = _tc_hp2(a1, h1p, deg, b1)
    a2 = _sc_aggregate(hp2, ed_slab, k_chunks, W1.shape[1])
    return _tc_final(a2, hp2, deg, W2, b2, n)

# --- scband reference (transcript-rebuilt; emitter-appended) ---
"""Pipeline reference for scband-gcnencoder-18098992185810 (READ-ONLY COPY).

The authoritative reference and input builder live on the scoring server;
editing this copy changes nothing except your own understanding.
"""

import jax, jax.numpy as jnp
import numpy as np

N_NODES = 10000


def gcn_conv(x, edge_index, W, b):
    # x' = D^{-1/2} (A + I) D^{-1/2} X W + b  (GCNConv with add_self_loops=True)
    h = x @ W
    src = edge_index[0]
    dst = edge_index[1]
    loop = jnp.arange(N_NODES, dtype=edge_index.dtype)
    src = jnp.concatenate([src, loop])
    dst = jnp.concatenate([dst, loop])
    ones = jnp.ones(src.shape[0], dtype=h.dtype)
    deg = jnp.zeros(N_NODES, dtype=h.dtype).at[dst].add(ones)
    deg_inv_sqrt = jnp.where(deg > 0, jax.lax.rsqrt(deg), 0.0)
    norm = deg_inv_sqrt[src] * deg_inv_sqrt[dst]
    msg = h[src] * norm[:, None]
    out = jax.ops.segment_sum(msg, dst, num_segments=N_NODES)
    return out + b


def setup_inputs(seed: int = 0) -> dict:
    key = jax.random.key(seed)
    k1, k2, k3, k4, k5 = jax.random.split(key, 5)
    in_c = 128
    out_c = 64
    hid = out_c * 2
    x = jax.random.normal(k1, (N_NODES, in_c), dtype=jnp.float32)
    edge_index = jax.random.randint(k2, (2, 320000), 0, N_NODES, dtype=jnp.int64)
    W1 = jax.random.normal(k3, (in_c, hid), dtype=jnp.float32) * (1.0 / np.sqrt(in_c))
    b1 = jnp.zeros((hid,), dtype=jnp.float32)
    W2 = jax.random.normal(k4, (hid, out_c), dtype=jnp.float32) * (1.0 / np.sqrt(hid))
    b2 = jnp.zeros((out_c,), dtype=jnp.float32)
    return {"x": x, "edge_index": edge_index, "W1": W1, "b1": b1, "W2": W2, "b2": b2}


def reference(x, edge_index, W1, b1, W2, b2):
    h = gcn_conv(x, edge_index, W1, b1)
    h = jax.nn.relu(h)
    out = gcn_conv(h, edge_index, W2, b2)
    return out

if __name__ == "__main__":
    import jax
    _d = setup_inputs()
    print(jax.jit(kernel)(*tuple(_d.values())))

</pallas_src>

<mosaic_0001>
#map = affine_map<(d0, d1) -> (0, 0)>
#map1 = affine_map<(d0, d1) -> (0, 0, 0, 0)>
#map2 = affine_map<(d0, d1) -> (0, 0, 0)>
module attributes {stable_mosaic.version = 14 : i64} {
  func.func @k(%arg0: i32, %arg1: i32, %arg2: memref<10240x128xf32, #tpu.memory_space<hbm>>, %arg3: memref<32x80x2x128xi32, #tpu.memory_space<hbm>>, %arg4: memref<2x10240x128xf32, #tpu.memory_space<hbm>>, %arg5: memref<2x2x2x128xi32, #tpu.memory_space<vmem>>, %arg6: memref<2x128x128xf32, #tpu.memory_space<vmem>>, %arg7: memref<10240x128xf32, #tpu.memory_space<vmem_shared>>, %arg8: memref<!tpu.dma_semaphore, #tpu.memory_space<semaphore_mem>>, %arg9: memref<!tpu.dma_semaphore, #tpu.memory_space<semaphore_mem>>, %arg10: memref<!tpu.dma_semaphore, #tpu.memory_space<semaphore_mem>>) attributes {dimension_semantics = [#tpu.dimension_semantics<core_parallel>, #tpu.dimension_semantics<subcore_parallel>], iteration_bounds = array<i64: 2, 16>, scalar_prefetch = 0 : i64, scratch_operands = 6 : i64, tpu.core_type = #tpu.core_type<sc_vector_subcore>, window_params = [{transform_indices = #map}, {transform_indices = #map1}, {transform_indices = #map2}]} {
    %mul3A = arith.constant 16 : i32
    %mul3A_0 = arith.muli %arg0, %mul3A : i32
    %add3A = arith.addi %mul3A_0, %arg1 : i32
    %mul3A_1 = arith.constant 640 : i32
    %mul3A_2 = arith.muli %arg1, %mul3A_1 : i32
    "tpu.region"() ({
      %run_scoped3A_35 = tpu.sem_alloc : memref<!tpu.dma_semaphore, #tpu.memory_space<semaphore_mem>>
      %dma_start3A_36 = arith.constant 0 : i32
      %dma_start3A_37 = tpu.memref_slice %arg7[%mul3A_2, %dma_start3A_36] : memref<10240x128xf32, #tpu.memory_space<vmem_shared>> -> memref<640x128xf32, #tpu.memory_space<vmem_shared>>
      %dma_start3A_38 = arith.constant 0 : i32
      %dma_start3A_39 = tpu.memref_slice %arg2[%mul3A_2, %dma_start3A_38] : memref<10240x128xf32, #tpu.memory_space<hbm>> -> memref<640x128xf32, #tpu.memory_space<hbm>>
      tpu.enqueue_dma source(%dma_start3A_39 : memref<640x128xf32, #tpu.memory_space<hbm>>) target(%dma_start3A_37 : memref<640x128xf32, #tpu.memory_space<vmem_shared>>) target_semaphore(%run_scoped3A_35 : memref<!tpu.dma_semaphore, #tpu.memory_space<semaphore_mem>>)
      %dma_wait3A_40 = arith.constant 0 : i32
      %dma_wait3A_41 = tpu.memref_slice %arg7[%mul3A_2, %dma_wait3A_40] : memref<10240x128xf32, #tpu.memory_space<vmem_shared>> -> memref<640x128xf32, #tpu.memory_space<vmem_shared>>
      %dma_wait3A_42 = arith.constant 0 : i32
      %dma_wait3A_43 = tpu.memref_slice %arg2[%mul3A_2, %dma_wait3A_42] : memref<10240x128xf32, #tpu.memory_space<hbm>> -> memref<640x128xf32, #tpu.memory_space<hbm>>
      tpu.wait_dma2 semaphore(%run_scoped3A_35 : memref<!tpu.dma_semaphore, #tpu.memory_space<semaphore_mem>>) src(%dma_wait3A_43 : memref<640x128xf32, #tpu.memory_space<hbm>>) dst(%dma_wait3A_41 : memref<640x128xf32, #tpu.memory_space<vmem_shared>>)
      tpu.yield
    }) : () -> ()
    %run_scoped3A = arith.constant 0 : i32
    "tpu.region"() ({
      %run_scoped3A_35 = tpu.sem_alloc : memref<!tpu.dma_semaphore, #tpu.memory_space<semaphore_mem>>
      %dma_start3A_36 = arith.constant 0 : i32
      %dma_start3A_37 = arith.constant 0 : i32
      %dma_start3A_38 = arith.constant 0 : i32
      %dma_start3A_39 = tpu.memref_slice %arg5[%run_scoped3A, %dma_start3A_36, %dma_start3A_37, %dma_start3A_38] : memref<2x2x2x128xi32, #tpu.memory_space<vmem>> -> memref<1x2x2x128xi32, #tpu.memory_space<vmem>>
      %dma_start3A_40 = tpu.memref_squeeze %dma_start3A_39 : memref<1x2x2x128xi32, #tpu.memory_space<vmem>> -> memref<2x2x128xi32, #tpu.memory_space<vmem>>
      %dma_start3A_41 = arith.constant 0 : i32
      %dma_start3A_42 = arith.constant 0 : i32
      %dma_start3A_43 = arith.constant 0 : i32
      %dma_start3A_44 = tpu.memref_slice %arg3[%add3A, %dma_start3A_41, %dma_start3A_42, %dma_start3A_43] : memref<32x80x2x128xi32, #tpu.memory_space<hbm>> -> memref<1x2x2x128xi32, #tpu.memory_space<hbm>>
      %dma_start3A_45 = tpu.memref_squeeze %dma_start3A_44 : memref<1x2x2x128xi32, #tpu.memory_space<hbm>> -> memref<2x2x128xi32, #tpu.memory_space<hbm>>
      %dma_start3A_46 = arith.constant 0 : i32
      %dma_start3A_47 = arith.constant 0 : i32
      %dma_start3A_48 = arith.constant 0 : i32
      %dma_start3A_49 = tpu.memref_slice %arg5[%run_scoped3A, %dma_start3A_46, %dma_start3A_47, %dma_start3A_48] : memref<2x2x2x128xi32, #tpu.memory_space<vmem>> -> memref<1x2x2x128xi32, #tpu.memory_space<vmem>>
      %dma_start3A_50 = tpu.memref_squeeze %dma_start3A_49 : memref<1x2x2x128xi32, #tpu.memory_space<vmem>> -> memref<2x2x128xi32, #tpu.memory_space<vmem>>
      %dma_start3A_51 = arith.constant 0 : i32
      %dma_start3A_52 = arith.constant 0 : i32
      %dma_start3A_53 = arith.constant 0 : i32
      %dma_start3A_54 = tpu.memref_slice %arg3[%add3A, %dma_start3A_51, %dma_start3A_52, %dma_start3A_53] : memref<32x80x2x128xi32, #tpu.memory_space<hbm>> -> memref<1x2x2x128xi32, #tpu.memory_space<hbm>>
      %dma_start3A_55 = tpu.memref_squeeze %dma_start3A_54 : memref<1x2x2x128xi32, #tpu.memory_space<hbm>> -> memref<2x2x128xi32, #tpu.memory_space<hbm>>
      tpu.enqueue_dma source(%dma_start3A_55 : memref<2x2x128xi32, #tpu.memory_space<hbm>>) target(%dma_start3A_50 : memref<2x2x128xi32, #tpu.memory_space<vmem>>) target_semaphore(%run_scoped3A_35 : memref<!tpu.dma_semaphore, #tpu.memory_space<semaphore_mem>>)
      %dma_wait3A_56 = arith.constant 0 : i32
      %dma_wait3A_57 = arith.constant 0 : i32
      %dma_wait3A_58 = arith.constant 0 : i32
      %dma_wait3A_59 = tpu.memref_slice %arg5[%run_scoped3A, %dma_wait3A_56, %dma_wait3A_57, %dma_wait3A_58] : memref<2x2x2x128xi32, #tpu.memory_space<vmem>> -> memref<1x2x2x128xi32, #tpu.memory_space<vmem>>
      %dma_wait3A_60 = tpu.memref_squeeze %dma_wait3A_59 : memref<1x2x2x128xi32, #tpu.memory_space<vmem>> -> memref<2x2x128xi32, #tpu.memory_space<vmem>>
      %dma_wait3A_61 = arith.constant 0 : i32
      %dma_wait3A_62 = arith.constant 0 : i32
      %dma_wait3A_63 = arith.constant 0 : i32
      %dma_wait3A_64 = tpu.memref_slice %arg3[%add3A, %dma_wait3A_61, %dma_wait3A_62, %dma_wait3A_63] : memref<32x80x2x128xi32, #tpu.memory_space<hbm>> -> memref<1x2x2x128xi32, #tpu.memory_space<hbm>>
      %dma_wait3A_65 = tpu.memref_squeeze %dma_wait3A_64 : memref<1x2x2x128xi32, #tpu.memory_space<hbm>> -> memref<2x2x128xi32, #tpu.memory_space<hbm>>
      %dma_wait3A_66 = arith.constant 0 : i32
      %dma_wait3A_67 = arith.constant 0 : i32
      %dma_wait3A_68 = arith.constant 0 : i32
      %dma_wait3A_69 = tpu.memref_slice %arg5[%run_scoped3A, %dma_wait3A_66, %dma_wait3A_67, %dma_wait3A_68] : memref<2x2x2x128xi32, #tpu.memory_space<vmem>> -> memref<1x2x2x128xi32, #tpu.memory_space<vmem>>
      %dma_wait3A_70 = tpu.memref_squeeze %dma_wait3A_69 : memref<1x2x2x128xi32, #tpu.memory_space<vmem>> -> memref<2x2x128xi32, #tpu.memory_space<vmem>>
      %dma_wait3A_71 = arith.constant 0 : i32
      %dma_wait3A_72 = arith.constant 0 : i32
      %dma_wait3A_73 = arith.constant 0 : i32
      %dma_wait3A_74 = tpu.memref_slice %arg3[%add3A, %dma_wait3A_71, %dma_wait3A_72, %dma_wait3A_73] : memref<32x80x2x128xi32, #tpu.memory_space<hbm>> -> memref<1x2x2x128xi32, #tpu.memory_space<hbm>>
      %dma_wait3A_75 = tpu.memref_squeeze %dma_wait3A_74 : memref<1x2x2x128xi32, #tpu.memory_space<hbm>> -> memref<2x2x128xi32, #tpu.memory_space<hbm>>
      tpu.wait_dma2 semaphore(%run_scoped3A_35 : memref<!tpu.dma_semaphore, #tpu.memory_space<semaphore_mem>>) src(%dma_wait3A_75 : memref<2x2x128xi32, #tpu.memory_space<hbm>>) dst(%dma_wait3A_70 : memref<2x2x128xi32, #tpu.memory_space<vmem>>)
      tpu.yield
    }) : () -> ()
    %barrier3A = arith.constant 0 : index
    tpu.barrier barrier_id(%barrier3A)
    %dma_start3A = arith.constant 0 : i32
    %dma_start3A_3 = arith.constant 0 : i32
    %dma_start3A_4 = arith.constant 0 : i32
    %dma_start3A_5 = arith.constant 0 : i32
    %dma_start3A_6 = arith.constant 0 : i32
    %dma_start3A_7 = arith.constant 0 : i32
    %dma_start3A_8 = tpu.memref_slice %arg6[%dma_start3A_5, %dma_start3A_6, %dma_start3A_7] : memref<2x128x128xf32, #tpu.memory_space<vmem>> -> memref<1x128x128xf32, #tpu.memory_space<vmem>>
    %dma_start3A_9 = tpu.memref_squeeze %dma_start3A_8 : memref<1x128x128xf32, #tpu.memory_space<vmem>> -> memref<128x128xf32, #tpu.memory_space<vmem>>
    %dma_start3A_10 = arith.constant 0 : i32
    %dma_start3A_11 = tpu.memref_slice %arg5[%dma_start3A, %dma_start3A_3, %dma_start3A_4, %dma_start3A_10] : memref<2x2x2x128xi32, #tpu.memory_space<vmem>> -> memref<1x1x1x128xi32, #tpu.memory_space<vmem>>
    %dma_start3A_12 = tpu.memref_squeeze %dma_start3A_11 : memref<1x1x1x128xi32, #tpu.memory_space<vmem>> -> memref<128xi32, #tpu.memory_space<vmem>>
    %dma_start3A_13 = arith.constant 0 : i32
    %dma_start3A_14 = arith.constant 0 : i32
    %dma_start3A_15 = tpu.memref_slice %arg2[%dma_start3A_13, %dma_start3A_14] : memref<10240x128xf32, #tpu.memory_space<hbm>> -> memref<10240x128xf32, #tpu.memory_space<hbm>>
    tpu.enqueue_indirect_dma source(%dma_start3A_15 : memref<10240x128xf32, #tpu.memory_space<hbm>>) target(%dma_start3A_9 : memref<128x128xf32, #tpu.memory_space<vmem>>) offsets(%dma_start3A_12 : memref<128xi32, #tpu.memory_space<vmem>>) semaphore(%arg8 : memref<!tpu.dma_semaphore, #tpu.memory_space<semaphore_mem>>)
    %scan3A = arith.constant 0 : i32
    %scan3A_16 = arith.constant 0 : i32
    %scan3A_17 = arith.constant 20 : i32
    %scan3A_18 = arith.addi %scan3A_16, %scan3A_17 : i32
    %scan3A_19 = arith.constant 1 : i32
    scf.for %scan3A_35 = %scan3A_16 to %scan3A_18 step %scan3A_19  : i32 {
      %mul3A_36 = arith.constant 4 : i32
      %mul3A_37 = arith.muli %mul3A_36, %scan3A_35 : i32
      %dma_wait3A_38 = arith.constant 0 : i32
      %dma_wait3A_39 = arith.constant 0 : i32
      %dma_wait3A_40 = arith.constant 0 : i32
      %dma_wait3A_41 = arith.constant 0 : i32
      %dma_wait3A_42 = arith.constant 0 : i32
      %dma_wait3A_43 = arith.constant 0 : i32
      %dma_wait3A_44 = tpu.memref_slice %arg6[%dma_wait3A_41, %dma_wait3A_42, %dma_wait3A_43] : memref<2x128x128xf32, #tpu.memory_space<vmem>> -> memref<1x128x128xf32, #tpu.memory_space<vmem>>
      %dma_wait3A_45 = tpu.memref_squeeze %dma_wait3A_44 : memref<1x128x128xf32, #tpu.memory_space<vmem>> -> memref<128x128xf32, #tpu.memory_space<vmem>>
      %dma_wait3A_46 = arith.constant 0 : i32
      %dma_wait3A_47 = tpu.memref_slice %arg5[%dma_wait3A_38, %dma_wait3A_39, %dma_wait3A_40, %dma_wait3A_46] : memref<2x2x2x128xi32, #tpu.memory_space<vmem>> -> memref<1x1x1x128xi32, #tpu.memory_space<vmem>>
      %dma_wait3A_48 = tpu.memref_squeeze %dma_wait3A_47 : memref<1x1x1x128xi32, #tpu.memory_space<vmem>> -> memref<128xi32, #tpu.memory_space<vmem>>
      %dma_wait3A_49 = arith.constant 0 : i32
      %dma_wait3A_50 = arith.constant 0 : i32
      %dma_wait3A_51 = tpu.memref_slice %arg2[%dma_wait3A_49, %dma_wait3A_50] : memref<10240x128xf32, #tpu.memory_space<hbm>> -> memref<10240x128xf32, #tpu.memory_space<hbm>>
      tpu.wait_indirect_dma semaphore(%arg8 : memref<!tpu.dma_semaphore, #tpu.memory_space<semaphore_mem>>) src(%dma_wait3A_51 : memref<10240x128xf32, #tpu.memory_space<hbm>>) dst(%dma_wait3A_45 : memref<128x128xf32, #tpu.memory_space<vmem>>)
      %dma_start3A_52 = arith.constant 0 : i32
      %dma_start3A_53 = arith.constant 0 : i32
      %dma_start3A_54 = arith.constant 0 : i32
      %dma_start3A_55 = arith.constant 1 : i32
      %dma_start3A_56 = arith.constant 0 : i32
      %dma_start3A_57 = arith.constant 0 : i32
      %dma_start3A_58 = tpu.memref_slice %arg6[%dma_start3A_52, %dma_start3A_56, %dma_start3A_57] : memref<2x128x128xf32, #tpu.memory_space<vmem>> -> memref<1x128x128xf32, #tpu.memory_space<vmem>>
      %dma_start3A_59 = tpu.memref_squeeze %dma_start3A_58 : memref<1x128x128xf32, #tpu.memory_space<vmem>> -> memref<128x128xf32, #tpu.memory_space<vmem>>
      %dma_start3A_60 = arith.constant 0 : i32
      %dma_start3A_61 = tpu.memref_slice %arg5[%dma_start3A_53, %dma_start3A_54, %dma_start3A_55, %dma_start3A_60] : memref<2x2x2x128xi32, #tpu.memory_space<vmem>> -> memref<1x1x1x128xi32, #tpu.memory_space<vmem>>
      %dma_start3A_62 = tpu.memref_squeeze %dma_start3A_61 : memref<1x1x1x128xi32, #tpu.memory_space<vmem>> -> memref<128xi32, #tpu.memory_space<vmem>>
      %dma_start3A_63 = arith.constant 0 : i32
      %dma_start3A_64 = arith.constant 0 : i32
      %dma_start3A_65 = tpu.memref_slice %arg7[%dma_start3A_63, %dma_start3A_64] : memref<10240x128xf32, #tpu.memory_space<vmem_shared>> -> memref<10240x128xf32, #tpu.memory_space<vmem_shared>>
      tpu.enqueue_indirect_dma source(%dma_start3A_59 : memref<128x128xf32, #tpu.memory_space<vmem>>) target(%dma_start3A_65 : memref<10240x128xf32, #tpu.memory_space<vmem_shared>>) offsets(%dma_start3A_62 : memref<128xi32, #tpu.memory_space<vmem>>) semaphore(%arg8 : memref<!tpu.dma_semaphore, #tpu.memory_space<semaphore_mem>>) {add = true}
      %gt3A = arith.constant 0 : i32
      %gt3A_66 = arith.cmpi sgt, %scan3A_35, %gt3A : i32
      %convert_element_type3A = arith.extui %gt3A_66 : i1 to i32
      %cond3A = arith.constant 0 : i32
      %cond3A_67 = arith.cmpi ne, %convert_element_type3A, %cond3A : i32
      scf.if %cond3A_67 {
        %dma_wait3A_291 = arith.constant 1 : i32
        %dma_wait3A_292 = arith.constant 1 : i32
        %dma_wait3A_293 = arith.constant 1 : i32
        %dma_wait3A_294 = arith.constant 1 : i32
        %dma_wait3A_295 = arith.constant 0 : i32
        %dma_wait3A_296 = arith.constant 0 : i32
        %dma_wait3A_297 = tpu.memref_slice %arg6[%dma_wait3A_291, %dma_wait3A_295, %dma_wait3A_296] : memref<2x128x128xf32, #tpu.memory_space<vmem>> -> memref<1x128x128xf32, #tpu.memory_space<vmem>>
        %dma_wait3A_298 = tpu.memref_squeeze %dma_wait3A_297 : memref<1x128x128xf32, #tpu.memory_space<vmem>> -> memref<128x128xf32, #tpu.memory_space<vmem>>
        %dma_wait3A_299 = arith.constant 0 : i32
        %dma_wait3A_300 = tpu.memref_slice %arg5[%dma_wait3A_292, %dma_wait3A_293, %dma_wait3A_294, %dma_wait3A_299] : memref<2x2x2x128xi32, #tpu.memory_space<vmem>> -> memref<1x1x1x128xi32, #tpu.memory_space<vmem>>
        %dma_wait3A_301 = tpu.memref_squeeze %dma_wait3A_300 : memref<1x1x1x128xi32, #tpu.memory_space<vmem>> -> memref<128xi32, #tpu.memory_space<vmem>>
        %dma_wait3A_302 = arith.constant 0 : i32
        %dma_wait3A_303 = arith.constant 0 : i32
        %dma_wait3A_304 = tpu.memref_slice %arg7[%dma_wait3A_302, %dma_wait3A_303] : memref<10240x128xf32, #tpu.memory_space<vmem_shared>> -> memref<10240x128xf32, #tpu.memory_space<vmem_shared>>
        tpu.wait_indirect_dma semaphore(%arg9 : memref<!tpu.dma_semaphore, #tpu.memory_space<semaphore_mem>>) src(%dma_wait3A_298 : memref<128x128xf32, #tpu.memory_space<vmem>>) dst(%dma_wait3A_304 : memref<10240x128xf32, #tpu.memory_space<vmem_shared>>)
      } else {
      }
      %add3A_68 = arith.constant 2 : i32
      %add3A_69 = arith.addi %mul3A_37, %add3A_68 : i32
      %dma_start3A_70 = arith.constant 1 : i32
      %dma_start3A_71 = arith.constant 0 : i32
      %dma_start3A_72 = arith.constant 0 : i32
      %dma_start3A_73 = arith.constant 0 : i32
      %dma_start3A_74 = tpu.memref_slice %arg5[%dma_start3A_70, %dma_start3A_71, %dma_start3A_72, %dma_start3A_73] : memref<2x2x2x128xi32, #tpu.memory_space<vmem>> -> memref<1x2x2x128xi32, #tpu.memory_space<vmem>>
      %dma_start3A_75 = tpu.memref_squeeze %dma_start3A_74 : memref<1x2x2x128xi32, #tpu.memory_space<vmem>> -> memref<2x2x128xi32, #tpu.memory_space<vmem>>
      %dma_start3A_76 = arith.constant 0 : i32
      %dma_start3A_77 = arith.constant 0 : i32
      %dma_start3A_78 = tpu.memref_slice %arg3[%add3A, %add3A_69, %dma_start3A_76, %dma_start3A_77] : memref<32x80x2x128xi32, #tpu.memory_space<hbm>> -> memref<1x2x2x128xi32, #tpu.memory_space<hbm>>
      %dma_start3A_79 = tpu.memref_squeeze %dma_start3A_78 : memref<1x2x2x128xi32, #tpu.memory_space<hbm>> -> memref<2x2x128xi32, #tpu.memory_space<hbm>>
      %dma_start3A_80 = arith.constant 0 : i32
      %dma_start3A_81 = arith.constant 0 : i32
      %dma_start3A_82 = arith.constant 0 : i32
      %dma_start3A_83 = tpu.memref_slice %arg5[%dma_start3A_70, %dma_start3A_80, %dma_start3A_81, %dma_start3A_82] : memref<2x2x2x128xi32, #tpu.memory_space<vmem>> -> memref<1x2x2x128xi32, #tpu.memory_space<vmem>>
      %dma_start3A_84 = tpu.memref_squeeze %dma_start3A_83 : memref<1x2x2x128xi32, #tpu.memory_space<vmem>> -> memref<2x2x128xi32, #tpu.memory_space<vmem>>
      %dma_start3A_85 = arith.constant 0 : i32
      %dma_start3A_86 = arith.constant 0 : i32
      %dma_start3A_87 = tpu.memref_slice %arg3[%add3A, %add3A_69, %dma_start3A_85, %dma_start3A_86] : memref<32x80x2x128xi32, #tpu.memory_space<hbm>> -> memref<1x2x2x128xi32, #tpu.memory_space<hbm>>
      %dma_start3A_88 = tpu.memref_squeeze %dma_start3A_87 : memref<1x2x2x128xi32, #tpu.memory_space<hbm>> -> memref<2x2x128xi32, #tpu.memory_space<hbm>>
      tpu.enqueue_dma source(%dma_start3A_88 : memref<2x2x128xi32, #tpu.memory_space<hbm>>) target(%dma_start3A_84 : memref<2x2x128xi32, #tpu.memory_space<vmem>>) target_semaphore(%arg10 : memref<!tpu.dma_semaphore, #tpu.memory_space<semaphore_mem>>)
      %dma_start3A_89 = arith.constant 0 : i32
      %dma_start3A_90 = arith.constant 1 : i32
      %dma_start3A_91 = arith.constant 0 : i32
      %dma_start3A_92 = arith.constant 1 : i32
      %dma_start3A_93 = arith.constant 0 : i32
      %dma_start3A_94 = arith.constant 0 : i32
      %dma_start3A_95 = tpu.memref_slice %arg6[%dma_start3A_92, %dma_start3A_93, %dma_start3A_94] : memref<2x128x128xf32, #tpu.memory_space<vmem>> -> memref<1x128x128xf32, #tpu.memory_space<vmem>>
      %dma_start3A_96 = tpu.memref_squeeze %dma_start3A_95 : memref<1x128x128xf32, #tpu.memory_space<vmem>> -> memref<128x128xf32, #tpu.memory_space<vmem>>
      %dma_start3A_97 = arith.constant 0 : i32
      %dma_start3A_98 = tpu.memref_slice %arg5[%dma_start3A_89, %dma_start3A_90, %dma_start3A_91, %dma_start3A_97] : memref<2x2x2x128xi32, #tpu.memory_space<vmem>> -> memref<1x1x1x128xi32, #tpu.memory_space<vmem>>
      %dma_start3A_99 = tpu.memref_squeeze %dma_start3A_98 : memref<1x1x1x128xi32, #tpu.memory_space<vmem>> -> memref<128xi32, #tpu.memory_space<vmem>>
      %dma_start3A_100 = arith.constant 0 : i32
      %dma_start3A_101 = arith.constant 0 : i32
      %dma_start3A_102 = tpu.memref_slice %arg2[%dma_start3A_100, %dma_start3A_101] : memref<10240x128xf32, #tpu.memory_space<hbm>> -> memref<10240x128xf32, #tpu.memory_space<hbm>>
      tpu.enqueue_indirect_dma source(%dma_start3A_102 : memref<10240x128xf32, #tpu.memory_space<hbm>>) target(%dma_start3A_96 : memref<128x128xf32, #tpu.memory_space<vmem>>) offsets(%dma_start3A_99 : memref<128xi32, #tpu.memory_space<vmem>>) semaphore(%arg9 : memref<!tpu.dma_semaphore, #tpu.memory_space<semaphore_mem>>)
      %dma_wait3A_103 = arith.constant 0 : i32
      %dma_wait3A_104 = arith.constant 1 : i32
      %dma_wait3A_105 = arith.constant 0 : i32
      %dma_wait3A_106 = arith.constant 1 : i32
      %dma_wait3A_107 = arith.constant 0 : i32
      %dma_wait3A_108 = arith.constant 0 : i32
      %dma_wait3A_109 = tpu.memref_slice %arg6[%dma_wait3A_106, %dma_wait3A_107, %dma_wait3A_108] : memref<2x128x128xf32, #tpu.memory_space<vmem>> -> memref<1x128x128xf32, #tpu.memory_space<vmem>>
      %dma_wait3A_110 = tpu.memref_squeeze %dma_wait3A_109 : memref<1x128x128xf32, #tpu.memory_space<vmem>> -> memref<128x128xf32, #tpu.memory_space<vmem>>
      %dma_wait3A_111 = arith.constant 0 : i32
      %dma_wait3A_112 = tpu.memref_slice %arg5[%dma_wait3A_103, %dma_wait3A_104, %dma_wait3A_105, %dma_wait3A_111] : memref<2x2x2x128xi32, #tpu.memory_space<vmem>> -> memref<1x1x1x128xi32, #tpu.memory_space<vmem>>
      %dma_wait3A_113 = tpu.memref_squeeze %dma_wait3A_112 : memref<1x1x1x128xi32, #tpu.memory_space<vmem>> -> memref<128xi32, #tpu.memory_space<vmem>>
      %dma_wait3A_114 = arith.constant 0 : i32
      %dma_wait3A_115 = arith.constant 0 : i32
      %dma_wait3A_116 = tpu.memref_slice %arg2[%dma_wait3A_114, %dma_wait3A_115] : memref<10240x128xf32, #tpu.memory_space<hbm>> -> memref<10240x128xf32, #tpu.memory_space<hbm>>
      tpu.wait_indirect_dma semaphore(%arg9 : memref<!tpu.dma_semaphore, #tpu.memory_space<semaphore_mem>>) src(%dma_wait3A_116 : memref<10240x128xf32, #tpu.memory_space<hbm>>) dst(%dma_wait3A_110 : memref<128x128xf32, #tpu.memory_space<vmem>>)
      %dma_start3A_117 = arith.constant 1 : i32
      %dma_start3A_118 = arith.constant 0 : i32
      %dma_start3A_119 = arith.constant 1 : i32
      %dma_start3A_120 = arith.constant 1 : i32
      %dma_start3A_121 = arith.constant 0 : i32
      %dma_start3A_122 = arith.constant 0 : i32
      %dma_start3A_123 = tpu.memref_slice %arg6[%dma_start3A_117, %dma_start3A_121, %dma_start3A_122] : memref<2x128x128xf32, #tpu.memory_space<vmem>> -> memref<1x128x128xf32, #tpu.memory_space<vmem>>
      %dma_start3A_124 = tpu.memref_squeeze %dma_start3A_123 : memref<1x128x128xf32, #tpu.memory_space<vmem>> -> memref<128x128xf32, #tpu.memory_space<vmem>>
      %dma_start3A_125 = arith.constant 0 : i32
      %dma_start3A_126 = tpu.memref_slice %arg5[%dma_start3A_118, %dma_start3A_119, %dma_start3A_120, %dma_start3A_125] : memref<2x2x2x128xi32, #tpu.memory_space<vmem>> -> memref<1x1x1x128xi32, #tpu.memory_space<vmem>>
      %dma_start3A_127 = tpu.memref_squeeze %dma_start3A_126 : memref<1x1x1x128xi32, #tpu.memory_space<vmem>> -> memref<128xi32, #tpu.memory_space<vmem>>
      %dma_start3A_128 = arith.constant 0 : i32
      %dma_start3A_129 = arith.constant 0 : i32
      %dma_start3A_130 = tpu.memref_slice %arg7[%dma_start3A_128, %dma_start3A_129] : memref<10240x128xf32, #tpu.memory_space<vmem_shared>> -> memref<10240x128xf32, #tpu.memory_space<vmem_shared>>
      tpu.enqueue_indirect_dma source(%dma_start3A_124 : memref<128x128xf32, #tpu.memory_space<vmem>>) target(%dma_start3A_130 : memref<10240x128xf32, #tpu.memory_space<vmem_shared>>) offsets(%dma_start3A_127 : memref<128xi32, #tpu.memory_space<vmem>>) semaphore(%arg9 : memref<!tpu.dma_semaphore, #tpu.memory_space<semaphore_mem>>) {add = true}
      %dma_wait3A_131 = arith.constant 0 : i32
      %dma_wait3A_132 = arith.constant 0 : i32
      %dma_wait3A_133 = arith.constant 0 : i32
      %dma_wait3A_134 = arith.constant 1 : i32
      %dma_wait3A_135 = arith.constant 0 : i32
      %dma_wait3A_136 = arith.constant 0 : i32
      %dma_wait3A_137 = tpu.memref_slice %arg6[%dma_wait3A_131, %dma_wait3A_135, %dma_wait3A_136] : memref<2x128x128xf32, #tpu.memory_space<vmem>> -> memref<1x128x128xf32, #tpu.memory_space<vmem>>
      %dma_wait3A_138 = tpu.memref_squeeze %dma_wait3A_137 : memref<1x128x128xf32, #tpu.memory_space<vmem>> -> memref<128x128xf32, #tpu.memory_space<vmem>>
      %dma_wait3A_139 = arith.constant 0 : i32
      %dma_wait3A_140 = tpu.memref_slice %arg5[%dma_wait3A_132, %dma_wait3A_133, %dma_wait3A_134, %dma_wait3A_139] : memref<2x2x2x128xi32, #tpu.memory_space<vmem>> -> memref<1x1x1x128xi32, #tpu.memory_space<vmem>>
      %dma_wait3A_141 = tpu.memref_squeeze %dma_wait3A_140 : memref<1x1x1x128xi32, #tpu.memory_space<vmem>> -> memref<128xi32, #tpu.memory_space<vmem>>
      %dma_wait3A_142 = arith.constant 0 : i32
      %dma_wait3A_143 = arith.constant 0 : i32
      %dma_wait3A_144 = tpu.memref_slice %arg7[%dma_wait3A_142, %dma_wait3A_143] : memref<10240x128xf32, #tpu.memory_space<vmem_shared>> -> memref<10240x128xf32, #tpu.memory_space<vmem_shared>>
      tpu.wait_indirect_dma semaphore(%arg8 : memref<!tpu.dma_semaphore, #tpu.memory_space<semaphore_mem>>) src(%dma_wait3A_138 : memref<128x128xf32, #tpu.memory_space<vmem>>) dst(%dma_wait3A_144 : memref<10240x128xf32, #tpu.memory_space<vmem_shared>>)
      %add3A_145 = arith.constant 2 : i32
      %add3A_146 = arith.addi %mul3A_37, %add3A_145 : i32
      %dma_wait3A_147 = arith.constant 1 : i32
      %dma_wait3A_148 = arith.constant 0 : i32
      %dma_wait3A_149 = arith.constant 0 : i32
      %dma_wait3A_150 = arith.constant 0 : i32
      %dma_wait3A_151 = tpu.memref_slice %arg5[%dma_wait3A_147, %dma_wait3A_148, %dma_wait3A_149, %dma_wait3A_150] : memref<2x2x2x128xi32, #tpu.memory_space<vmem>> -> memref<1x2x2x128xi32, #tpu.memory_space<vmem>>
      %dma_wait3A_152 = tpu.memref_squeeze %dma_wait3A_151 : memref<1x2x2x128xi32, #tpu.memory_space<vmem>> -> memref<2x2x128xi32, #tpu.memory_space<vmem>>
      %dma_wait3A_153 = arith.constant 0 : i32
      %dma_wait3A_154 = arith.constant 0 : i32
      %dma_wait3A_155 = tpu.memref_slice %arg3[%add3A, %add3A_146, %dma_wait3A_153, %dma_wait3A_154] : memref<32x80x2x128xi32, #tpu.memory_space<hbm>> -> memref<1x2x2x128xi32, #tpu.memory_space<hbm>>
      %dma_wait3A_156 = tpu.memref_squeeze %dma_wait3A_155 : memref<1x2x2x128xi32, #tpu.memory_space<hbm>> -> memref<2x2x128xi32, #tpu.memory_space<hbm>>
      %dma_wait3A_157 = arith.constant 0 : i32
      %dma_wait3A_158 = arith.constant 0 : i32
      %dma_wait3A_159 = arith.constant 0 : i32
      %dma_wait3A_160 = tpu.memref_slice %arg5[%dma_wait3A_147, %dma_wait3A_157, %dma_wait3A_158, %dma_wait3A_159] : memref<2x2x2x128xi32, #tpu.memory_space<vmem>> -> memref<1x2x2x128xi32, #tpu.memory_space<vmem>>
      %dma_wait3A_161 = tpu.memref_squeeze %dma_wait3A_160 : memref<1x2x2x128xi32, #tpu.memory_space<vmem>> -> memref<2x2x128xi32, #tpu.memory_space<vmem>>
      %dma_wait3A_162 = arith.constant 0 : i32
      %dma_wait3A_163 = arith.constant 0 : i32
      %dma_wait3A_164 = tpu.memref_slice %arg3[%add3A, %add3A_146, %dma_wait3A_162, %dma_wait3A_163] : memref<32x80x2x128xi32, #tpu.memory_space<hbm>> -> memref<1x2x2x128xi32, #tpu.memory_space<hbm>>
      %dma_wait3A_165 = tpu.memref_squeeze %dma_wait3A_164 : memref<1x2x2x128xi32, #tpu.memory_space<hbm>> -> memref<2x2x128xi32, #tpu.memory_space<hbm>>
      tpu.wait_dma2 semaphore(%arg10 : memref<!tpu.dma_semaphore, #tpu.memory_space<semaphore_mem>>) src(%dma_wait3A_165 : memref<2x2x128xi32, #tpu.memory_space<hbm>>) dst(%dma_wait3A_161 : memref<2x2x128xi32, #tpu.memory_space<vmem>>)
      %dma_start3A_166 = arith.constant 1 : i32
      %dma_start3A_167 = arith.constant 0 : i32
      %dma_start3A_168 = arith.constant 0 : i32
      %dma_start3A_169 = arith.constant 0 : i32
      %dma_start3A_170 = arith.constant 0 : i32
      %dma_start3A_171 = arith.constant 0 : i32
      %dma_start3A_172 = tpu.memref_slice %arg6[%dma_start3A_169, %dma_start3A_170, %dma_start3A_171] : memref<2x128x128xf32, #tpu.memory_space<vmem>> -> memref<1x128x128xf32, #tpu.memory_space<vmem>>
      %dma_start3A_173 = tpu.memref_squeeze %dma_start3A_172 : memref<1x128x128xf32, #tpu.memory_space<vmem>> -> memref<128x128xf32, #tpu.memory_space<vmem>>
      %dma_start3A_174 = arith.constant 0 : i32
      %dma_start3A_175 = tpu.memref_slice %arg5[%dma_start3A_166, %dma_start3A_167, %dma_start3A_168, %dma_start3A_174] : memref<2x2x2x128xi32, #tpu.memory_space<vmem>> -> memref<1x1x1x128xi32, #tpu.memory_space<vmem>>
      %dma_start3A_176 = tpu.memref_squeeze %dma_start3A_175 : memref<1x1x1x128xi32, #tpu.memory_space<vmem>> -> memref<128xi32, #tpu.memory_space<vmem>>
      %dma_start3A_177 = arith.constant 0 : i32
      %dma_start3A_178 = arith.constant 0 : i32
      %dma_start3A_179 = tpu.memref_slice %arg2[%dma_start3A_177, %dma_start3A_178] : memref<10240x128xf32, #tpu.memory_space<hbm>> -> memref<10240x128xf32, #tpu.memory_space<hbm>>
      tpu.enqueue_indirect_dma source(%dma_start3A_179 : memref<10240x128xf32, #tpu.memory_space<hbm>>) target(%dma_start3A_173 : memref<128x128xf32, #tpu.memory_space<vmem>>) offsets(%dma_start3A_176 : memref<128xi32, #tpu.memory_space<vmem>>) semaphore(%arg8 : memref<!tpu.dma_semaphore, #tpu.memory_space<semaphore_mem>>)
      %dma_wait3A_180 = arith.constant 1 : i32
      %dma_wait3A_181 = arith.constant 0 : i32
      %dma_wait3A_182 = arith.constant 0 : i32
      %dma_wait3A_183 = arith.constant 0 : i32
      %dma_wait3A_184 = arith.constant 0 : i32
      %dma_wait3A_185 = arith.constant 0 : i32
      %dma_wait3A_186 = tpu.memref_slice %arg6[%dma_wait3A_183, %dma_wait3A_184, %dma_wait3A_185] : memref<2x128x128xf32, #tpu.memory_space<vmem>> -> memref<1x128x128xf32, #tpu.memory_space<vmem>>
      %dma_wait3A_187 = tpu.memref_squeeze %dma_wait3A_186 : memref<1x128x128xf32, #tpu.memory_space<vmem>> -> memref<128x128xf32, #tpu.memory_space<vmem>>
      %dma_wait3A_188 = arith.constant 0 : i32
      %dma_wait3A_189 = tpu.memref_slice %arg5[%dma_wait3A_180, %dma_wait3A_181, %dma_wait3A_182, %dma_wait3A_188] : memref<2x2x2x128xi32, #tpu.memory_space<vmem>> -> memref<1x1x1x128xi32, #tpu.memory_space<vmem>>
      %dma_wait3A_190 = tpu.memref_squeeze %dma_wait3A_189 : memref<1x1x1x128xi32, #tpu.memory_space<vmem>> -> memref<128xi32, #tpu.memory_space<vmem>>
      %dma_wait3A_191 = arith.constant 0 : i32
      %dma_wait3A_192 = arith.constant 0 : i32
      %dma_wait3A_193 = tpu.memref_slice %arg2[%dma_wait3A_191, %dma_wait3A_192] : memref<10240x128xf32, #tpu.memory_space<hbm>> -> memref<10240x128xf32, #tpu.memory_space<hbm>>
      tpu.wait_indirect_dma semaphore(%arg8 : memref<!tpu.dma_semaphore, #tpu.memory_space<semaphore_mem>>) src(%dma_wait3A_193 : memref<10240x128xf32, #tpu.memory_space<hbm>>) dst(%dma_wait3A_187 : memref<128x128xf32, #tpu.memory_space<vmem>>)
      %dma_start3A_194 = arith.constant 0 : i32
      %dma_start3A_195 = arith.constant 1 : i32
      %dma_start3A_196 = arith.constant 0 : i32
      %dma_start3A_197 = arith.constant 1 : i32
      %dma_start3A_198 = arith.constant 0 : i32
      %dma_start3A_199 = arith.constant 0 : i32
      %dma_start3A_200 = tpu.memref_slice %arg6[%dma_start3A_194, %dma_start3A_198, %dma_start3A_199] : memref<2x128x128xf32, #tpu.memory_space<vmem>> -> memref<1x128x128xf32, #tpu.memory_space<vmem>>
      %dma_start3A_201 = tpu.memref_squeeze %dma_start3A_200 : memref<1x128x128xf32, #tpu.memory_space<vmem>> -> memref<128x128xf32, #tpu.memory_space<vmem>>
      %dma_start3A_202 = arith.constant 0 : i32
      %dma_start3A_203 = tpu.memref_slice %arg5[%dma_start3A_195, %dma_start3A_196, %dma_start3A_197, %dma_start3A_202] : memref<2x2x2x128xi32, #tpu.memory_space<vmem>> -> memref<1x1x1x128xi32, #tpu.memory_space<vmem>>
      %dma_start3A_204 = tpu.memref_squeeze %dma_start3A_203 : memref<1x1x1x128xi32, #tpu.memory_space<vmem>> -> memref<128xi32, #tpu.memory_space<vmem>>
      %dma_start3A_205 = arith.constant 0 : i32
      %dma_start3A_206 = arith.constant 0 : i32
      %dma_start3A_207 = tpu.memref_slice %arg7[%dma_start3A_205, %dma_start3A_206] : memref<10240x128xf32, #tpu.memory_space<vmem_shared>> -> memref<10240x128xf32, #tpu.memory_space<vmem_shared>>
      tpu.enqueue_indirect_dma source(%dma_start3A_201 : memref<128x128xf32, #tpu.memory_space<vmem>>) target(%dma_start3A_207 : memref<10240x128xf32, #tpu.memory_space<vmem_shared>>) offsets(%dma_start3A_204 : memref<128xi32, #tpu.memory_space<vmem>>) semaphore(%arg8 : memref<!tpu.dma_semaphore, #tpu.memory_space<semaphore_mem>>) {add = true}
      %dma_wait3A_208 = arith.constant 1 : i32
      %dma_wait3A_209 = arith.constant 0 : i32
      %dma_wait3A_210 = arith.constant 1 : i32
      %dma_wait3A_211 = arith.constant 1 : i32
      %dma_wait3A_212 = arith.constant 0 : i32
      %dma_wait3A_213 = arith.constant 0 : i32
      %dma_wait3A_214 = tpu.memref_slice %arg6[%dma_wait3A_208, %dma_wait3A_212, %dma_wait3A_213] : memref<2x128x128xf32, #tpu.memory_space<vmem>> -> memref<1x128x128xf32, #tpu.memory_space<vmem>>
      %dma_wait3A_215 = tpu.memref_squeeze %dma_wait3A_214 : memref<1x128x128xf32, #tpu.memory_space<vmem>> -> memref<128x128xf32, #tpu.memory_space<vmem>>
      %dma_wait3A_216 = arith.constant 0 : i32
      %dma_wait3A_217 = tpu.memref_slice %arg5[%dma_wait3A_209, %dma_wait3A_210, %dma_wait3A_211, %dma_wait3A_216] : memref<2x2x2x128xi32, #tpu.memory_space<vmem>> -> memref<1x1x1x128xi32, #tpu.memory_space<vmem>>
      %dma_wait3A_218 = tpu.memref_squeeze %dma_wait3A_217 : memref<1x1x1x128xi32, #tpu.memory_space<vmem>> -> memref<128xi32, #tpu.memory_space<vmem>>
      %dma_wait3A_219 = arith.constant 0 : i32
      %dma_wait3A_220 = arith.constant 0 : i32
      %dma_wait3A_221 = tpu.memref_slice %arg7[%dma_wait3A_219, %dma_wait3A_220] : memref<10240x128xf32, #tpu.memory_space<vmem_shared>> -> memref<10240x128xf32, #tpu.memory_space<vmem_shared>>
      tpu.wait_indirect_dma semaphore(%arg9 : memref<!tpu.dma_semaphore, #tpu.memory_space<semaphore_mem>>) src(%dma_wait3A_215 : memref<128x128xf32, #tpu.memory_space<vmem>>) dst(%dma_wait3A_221 : memref<10240x128xf32, #tpu.memory_space<vmem_shared>>)
      %add3A_222 = arith.constant 1 : i32
      %add3A_223 = arith.addi %scan3A_35, %add3A_222 : i32
      %lt3A = arith.constant 20 : i32
      %lt3A_224 = arith.cmpi slt, %add3A_223, %lt3A : i32
      %convert_element_type3A_225 = arith.extui %lt3A_224 : i1 to i32
      %cond3A_226 = arith.constant 0 : i32
      %cond3A_227 = arith.cmpi ne, %convert_element_type3A_225, %cond3A_226 : i32
      scf.if %cond3A_227 {
        %add3A_291 = arith.constant 4 : i32
        %add3A_292 = arith.addi %mul3A_37, %add3A_291 : i32
        %dma_start3A_293 = arith.constant 0 : i32
        %dma_start3A_294 = arith.constant 0 : i32
        %dma_start3A_295 = arith.constant 0 : i32
        %dma_start3A_296 = arith.constant 0 : i32
        %dma_start3A_297 = tpu.memref_slice %arg5[%dma_start3A_293, %dma_start3A_294, %dma_start3A_295, %dma_start3A_296] : memref<2x2x2x128xi32, #tpu.memory_space<vmem>> -> memref<1x2x2x128xi32, #tpu.memory_space<vmem>>
        %dma_start3A_298 = tpu.memref_squeeze %dma_start3A_297 : memref<1x2x2x128xi32, #tpu.memory_space<vmem>> -> memref<2x2x128xi32, #tpu.memory_space<vmem>>
        %dma_start3A_299 = arith.constant 0 : i32
        %dma_start3A_300 = arith.constant 0 : i32
        %dma_start3A_301 = tpu.memref_slice %arg3[%add3A, %add3A_292, %dma_start3A_299, %dma_start3A_300] : memref<32x80x2x128xi32, #tpu.memory_space<hbm>> -> memref<1x2x2x128xi32, #tpu.memory_space<hbm>>
        %dma_start3A_302 = tpu.memref_squeeze %dma_start3A_301 : memref<1x2x2x128xi32, #tpu.memory_space<hbm>> -> memref<2x2x128xi32, #tpu.memory_space<hbm>>
        %dma_start3A_303 = arith.constant 0 : i32
        %dma_start3A_304 = arith.constant 0 : i32
        %dma_start3A_305 = arith.constant 0 : i32
        %dma_start3A_306 = tpu.memref_slice %arg5[%dma_start3A_293, %dma_start3A_303, %dma_start3A_304, %dma_start3A_305] : memref<2x2x2x128xi32, #tpu.memory_space<vmem>> -> memref<1x2x2x128xi32, #tpu.memory_space<vmem>>
        %dma_start3A_307 = tpu.memref_squeeze %dma_start3A_306 : memref<1x2x2x128xi32, #tpu.memory_space<vmem>> -> memref<2x2x128xi32, #tpu.memory_space<vmem>>
        %dma_start3A_308 = arith.constant 0 : i32
        %dma_start3A_309 = arith.constant 0 : i32
        %dma_start3A_310 = tpu.memref_slice %arg3[%add3A, %add3A_292, %dma_start3A_308, %dma_start3A_309] : memref<32x80x2x128xi32, #tpu.memory_space<hbm>> -> memref<1x2x2x128xi32, #tpu.memory_space<hbm>>
        %dma_start3A_311 = tpu.memref_squeeze %dma_start3A_310 : memref<1x2x2x128xi32, #tpu.memory_space<hbm>> -> memref<2x2x128xi32, #tpu.memory_space<hbm>>
        tpu.enqueue_dma source(%dma_start3A_311 : memref<2x2x128xi32, #tpu.memory_space<hbm>>) target(%dma_start3A_307 : memref<2x2x128xi32, #tpu.memory_space<vmem>>) target_semaphore(%arg10 : memref<!tpu.dma_semaphore, #tpu.memory_space<semaphore_mem>>)
      } else {
      }
      %dma_start3A_228 = arith.constant 1 : i32
      %dma_start3A_229 = arith.constant 1 : i32
      %dma_start3A_230 = arith.constant 0 : i32
      %dma_start3A_231 = arith.constant 1 : i32
      %dma_start3A_232 = arith.constant 0 : i32
      %dma_start3A_233 = arith.constant 0 : i32
      %dma_start3A_234 = tpu.memref_slice %arg6[%dma_start3A_231, %dma_start3A_232, %dma_start3A_233] : memref<2x128x128xf32, #tpu.memory_space<vmem>> -> memref<1x128x128xf32, #tpu.memory_space<vmem>>
      %dma_start3A_235 = tpu.memref_squeeze %dma_start3A_234 : memref<1x128x128xf32, #tpu.memory_space<vmem>> -> memref<128x128xf32, #tpu.memory_space<vmem>>
      %dma_start3A_236 = arith.constant 0 : i32
      %dma_start3A_237 = tpu.memref_slice %arg5[%dma_start3A_228, %dma_start3A_229, %dma_start3A_230, %dma_start3A_236] : memref<2x2x2x128xi32, #tpu.memory_space<vmem>> -> memref<1x1x1x128xi32, #tpu.memory_space<vmem>>
      %dma_start3A_238 = tpu.memref_squeeze %dma_start3A_237 : memref<1x1x1x128xi32, #tpu.memory_space<vmem>> -> memref<128xi32, #tpu.memory_space<vmem>>
      %dma_start3A_239 = arith.constant 0 : i32
      %dma_start3A_240 = arith.constant 0 : i32
      %dma_start3A_241 = tpu.memref_slice %arg2[%dma_start3A_239, %dma_start3A_240] : memref<10240x128xf32, #tpu.memory_space<hbm>> -> memref<10240x128xf32, #tpu.memory_space<hbm>>
      tpu.enqueue_indirect_dma source(%dma_start3A_241 : memref<10240x128xf32, #tpu.memory_space<hbm>>) target(%dma_start3A_235 : memref<128x128xf32, #tpu.memory_space<vmem>>) offsets(%dma_start3A_238 : memref<128xi32, #tpu.memory_space<vmem>>) semaphore(%arg9 : memref<!tpu.dma_semaphore, #tpu.memory_space<semaphore_mem>>)
      %dma_wait3A_242 = arith.constant 1 : i32
      %dma_wait3A_243 = arith.constant 1 : i32
      %dma_wait3A_244 = arith.constant 0 : i32
      %dma_wait3A_245 = arith.constant 1 : i32
      %dma_wait3A_246 = arith.constant 0 : i32
      %dma_wait3A_247 = arith.constant 0 : i32
      %dma_wait3A_248 = tpu.memref_slice %arg6[%dma_wait3A_245, %dma_wait3A_246, %dma_wait3A_247] : memref<2x128x128xf32, #tpu.memory_space<vmem>> -> memref<1x128x128xf32, #tpu.memory_space<vmem>>
      %dma_wait3A_249 = tpu.memref_squeeze %dma_wait3A_248 : memref<1x128x128xf32, #tpu.memory_space<vmem>> -> memref<128x128xf32, #tpu.memory_space<vmem>>
      %dma_wait3A_250 = arith.constant 0 : i32
      %dma_wait3A_251 = tpu.memref_slice %arg5[%dma_wait3A_242, %dma_wait3A_243, %dma_wait3A_244, %dma_wait3A_250] : memref<2x2x2x128xi32, #tpu.memory_space<vmem>> -> memref<1x1x1x128xi32, #tpu.memory_space<vmem>>
      %dma_wait3A_252 = tpu.memref_squeeze %dma_wait3A_251 : memref<1x1x1x128xi32, #tpu.memory_space<vmem>> -> memref<128xi32, #tpu.memory_space<vmem>>
      %dma_wait3A_253 = arith.constant 0 : i32
      %dma_wait3A_254 = arith.constant 0 : i32
      %dma_wait3A_255 = tpu.memref_slice %arg2[%dma_wait3A_253, %dma_wait3A_254] : memref<10240x128xf32, #tpu.memory_space<hbm>> -> memref<10240x128xf32, #tpu.memory_space<hbm>>
      tpu.wait_indirect_dma semaphore(%arg9 : memref<!tpu.dma_semaphore, #tpu.memory_space<semaphore_mem>>) src(%dma_wait3A_255 : memref<10240x128xf32, #tpu.memory_space<hbm>>) dst(%dma_wait3A_249 : memref<128x128xf32, #tpu.memory_space<vmem>>)
      %dma_start3A_256 = arith.constant 1 : i32
      %dma_start3A_257 = arith.constant 1 : i32
      %dma_start3A_258 = arith.constant 1 : i32
      %dma_start3A_259 = arith.constant 1 : i32
      %dma_start3A_260 = arith.constant 0 : i32
      %dma_start3A_261 = arith.constant 0 : i32
      %dma_start3A_262 = tpu.memref_slice %arg6[%dma_start3A_256, %dma_start3A_260, %dma_start3A_261] : memref<2x128x128xf32, #tpu.memory_space<vmem>> -> memref<1x128x128xf32, #tpu.memory_space<vmem>>
      %dma_start3A_263 = tpu.memref_squeeze %dma_start3A_262 : memref<1x128x128xf32, #tpu.memory_space<vmem>> -> memref<128x128xf32, #tpu.memory_space<vmem>>
      %dma_start3A_264 = arith.constant 0 : i32
      %dma_start3A_265 = tpu.memref_slice %arg5[%dma_start3A_257, %dma_start3A_258, %dma_start3A_259, %dma_start3A_264] : memref<2x2x2x128xi32, #tpu.memory_space<vmem>> -> memref<1x1x1x128xi32, #tpu.memory_space<vmem>>
      %dma_start3A_266 = tpu.memref_squeeze %dma_start3A_265 : memref<1x1x1x128xi32, #tpu.memory_space<vmem>> -> memref<128xi32, #tpu.memory_space<vmem>>
      %dma_start3A_267 = arith.constant 0 : i32
      %dma_start3A_268 = arith.constant 0 : i32
      %dma_start3A_269 = tpu.memref_slice %arg7[%dma_start3A_267, %dma_start3A_268] : memref<10240x128xf32, #tpu.memory_space<vmem_shared>> -> memref<10240x128xf32, #tpu.memory_space<vmem_shared>>
      tpu.enqueue_indirect_dma source(%dma_start3A_263 : memref<128x128xf32, #tpu.memory_space<vmem>>) target(%dma_start3A_269 : memref<10240x128xf32, #tpu.memory_space<vmem_shared>>) offsets(%dma_start3A_266 : memref<128xi32, #tpu.memory_space<vmem>>) semaphore(%arg9 : memref<!tpu.dma_semaphore, #tpu.memory_space<semaphore_mem>>) {add = true}
      %dma_wait3A_270 = arith.constant 0 : i32
      %dma_wait3A_271 = arith.constant 1 : i32
      %dma_wait3A_272 = arith.constant 0 : i32
      %dma_wait3A_273 = arith.constant 1 : i32
      %dma_wait3A_274 = arith.constant 0 : i32
      %dma_wait3A_275 = arith.constant 0 : i32
      %dma_wait3A_276 = tpu.memref_slice %arg6[%dma_wait3A_270, %dma_wait3A_274, %dma_wait3A_275] : memref<2x128x128xf32, #tpu.memory_space<vmem>> -> memref<1x128x128xf32, #tpu.memory_space<vmem>>
      %dma_wait3A_277 = tpu.memref_squeeze %dma_wait3A_276 : memref<1x128x128xf32, #tpu.memory_space<vmem>> -> memref<128x128xf32, #tpu.memory_space<vmem>>
      %dma_wait3A_278 = arith.constant 0 : i32
      %dma_wait3A_279 = tpu.memref_slice %arg5[%dma_wait3A_271, %dma_wait3A_272, %dma_wait3A_273, %dma_wait3A_278] : memref<2x2x2x128xi32, #tpu.memory_space<vmem>> -> memref<1x1x1x128xi32, #tpu.memory_space<vmem>>
      %dma_wait3A_280 = tpu.memref_squeeze %dma_wait3A_279 : memref<1x1x1x128xi32, #tpu.memory_space<vmem>> -> memref<128xi32, #tpu.memory_space<vmem>>
      %dma_wait3A_281 = arith.constant 0 : i32
      %dma_wait3A_282 = arith.constant 0 : i32
      %dma_wait3A_283 = tpu.memref_slice %arg7[%dma_wait3A_281, %dma_wait3A_282] : memref<10240x128xf32, #tpu.memory_space<vmem_shared>> -> memref<10240x128xf32, #tpu.memory_space<vmem_shared>>
      tpu.wait_indirect_dma semaphore(%arg8 : memref<!tpu.dma_semaphore, #tpu.memory_space<semaphore_mem>>) src(%dma_wait3A_277 : memref<128x128xf32, #tpu.memory_space<vmem>>) dst(%dma_wait3A_283 : memref<10240x128xf32, #tpu.memory_space<vmem_shared>>)
      %add3A_284 = arith.constant 1 : i32
      %add3A_285 = arith.addi %scan3A_35, %add3A_284 : i32
      %lt3A_286 = arith.constant 20 : i32
      %lt3A_287 = arith.cmpi slt, %add3A_285, %lt3A_286 : i32
      %convert_element_type3A_288 = arith.extui %lt3A_287 : i1 to i32
      %cond3A_289 = arith.constant 0 : i32
      %cond3A_290 = arith.cmpi ne, %convert_element_type3A_288, %cond3A_289 : i32
      scf.if %cond3A_290 {
        %add3A_291 = arith.constant 4 : i32
        %add3A_292 = arith.addi %mul3A_37, %add3A_291 : i32
        %dma_wait3A_293 = arith.constant 0 : i32
        %dma_wait3A_294 = arith.constant 0 : i32
        %dma_wait3A_295 = arith.constant 0 : i32
        %dma_wait3A_296 = arith.constant 0 : i32
        %dma_wait3A_297 = tpu.memref_slice %arg5[%dma_wait3A_293, %dma_wait3A_294, %dma_wait3A_295, %dma_wait3A_296] : memref<2x2x2x128xi32, #tpu.memory_space<vmem>> -> memref<1x2x2x128xi32, #tpu.memory_space<vmem>>
        %dma_wait3A_298 = tpu.memref_squeeze %dma_wait3A_297 : memref<1x2x2x128xi32, #tpu.memory_space<vmem>> -> memref<2x2x128xi32, #tpu.memory_space<vmem>>
        %dma_wait3A_299 = arith.constant 0 : i32
        %dma_wait3A_300 = arith.constant 0 : i32
        %dma_wait3A_301 = tpu.memref_slice %arg3[%add3A, %add3A_292, %dma_wait3A_299, %dma_wait3A_300] : memref<32x80x2x128xi32, #tpu.memory_space<hbm>> -> memref<1x2x2x128xi32, #tpu.memory_space<hbm>>
        %dma_wait3A_302 = tpu.memref_squeeze %dma_wait3A_301 : memref<1x2x2x128xi32, #tpu.memory_space<hbm>> -> memref<2x2x128xi32, #tpu.memory_space<hbm>>
        %dma_wait3A_303 = arith.constant 0 : i32
        %dma_wait3A_304 = arith.constant 0 : i32
        %dma_wait3A_305 = arith.constant 0 : i32
        %dma_wait3A_306 = tpu.memref_slice %arg5[%dma_wait3A_293, %dma_wait3A_303, %dma_wait3A_304, %dma_wait3A_305] : memref<2x2x2x128xi32, #tpu.memory_space<vmem>> -> memref<1x2x2x128xi32, #tpu.memory_space<vmem>>
        %dma_wait3A_307 = tpu.memref_squeeze %dma_wait3A_306 : memref<1x2x2x128xi32, #tpu.memory_space<vmem>> -> memref<2x2x128xi32, #tpu.memory_space<vmem>>
        %dma_wait3A_308 = arith.constant 0 : i32
        %dma_wait3A_309 = arith.constant 0 : i32
        %dma_wait3A_310 = tpu.memref_slice %arg3[%add3A, %add3A_292, %dma_wait3A_308, %dma_wait3A_309] : memref<32x80x2x128xi32, #tpu.memory_space<hbm>> -> memref<1x2x2x128xi32, #tpu.memory_space<hbm>>
        %dma_wait3A_311 = tpu.memref_squeeze %dma_wait3A_310 : memref<1x2x2x128xi32, #tpu.memory_space<hbm>> -> memref<2x2x128xi32, #tpu.memory_space<hbm>>
        tpu.wait_dma2 semaphore(%arg10 : memref<!tpu.dma_semaphore, #tpu.memory_space<semaphore_mem>>) src(%dma_wait3A_311 : memref<2x2x128xi32, #tpu.memory_space<hbm>>) dst(%dma_wait3A_307 : memref<2x2x128xi32, #tpu.memory_space<vmem>>)
        %dma_start3A_312 = arith.constant 0 : i32
        %dma_start3A_313 = arith.constant 0 : i32
        %dma_start3A_314 = arith.constant 0 : i32
        %dma_start3A_315 = arith.constant 0 : i32
        %dma_start3A_316 = arith.constant 0 : i32
        %dma_start3A_317 = arith.constant 0 : i32
        %dma_start3A_318 = tpu.memref_slice %arg6[%dma_start3A_315, %dma_start3A_316, %dma_start3A_317] : memref<2x128x128xf32, #tpu.memory_space<vmem>> -> memref<1x128x128xf32, #tpu.memory_space<vmem>>
        %dma_start3A_319 = tpu.memref_squeeze %dma_start3A_318 : memref<1x128x128xf32, #tpu.memory_space<vmem>> -> memref<128x128xf32, #tpu.memory_space<vmem>>
        %dma_start3A_320 = arith.constant 0 : i32
        %dma_start3A_321 = tpu.memref_slice %arg5[%dma_start3A_312, %dma_start3A_313, %dma_start3A_314, %dma_start3A_320] : memref<2x2x2x128xi32, #tpu.memory_space<vmem>> -> memref<1x1x1x128xi32, #tpu.memory_space<vmem>>
        %dma_start3A_322 = tpu.memref_squeeze %dma_start3A_321 : memref<1x1x1x128xi32, #tpu.memory_space<vmem>> -> memref<128xi32, #tpu.memory_space<vmem>>
        %dma_start3A_323 = arith.constant 0 : i32
        %dma_start3A_324 = arith.constant 0 : i32
        %dma_start3A_325 = tpu.memref_slice %arg2[%dma_start3A_323, %dma_start3A_324] : memref<10240x128xf32, #tpu.memory_space<hbm>> -> memref<10240x128xf32, #tpu.memory_space<hbm>>
        tpu.enqueue_indirect_dma source(%dma_start3A_325 : memref<10240x128xf32, #tpu.memory_space<hbm>>) target(%dma_start3A_319 : memref<128x128xf32, #tpu.memory_space<vmem>>) offsets(%dma_start3A_322 : memref<128xi32, #tpu.memory_space<vmem>>) semaphore(%arg8 : memref<!tpu.dma_semaphore, #tpu.memory_space<semaphore_mem>>)
      } else {
      }
    }
    %scan3A_20 = arith.constant 20 : i32
    %dma_wait3A = arith.constant 1 : i32
    %dma_wait3A_21 = arith.constant 1 : i32
    %dma_wait3A_22 = arith.constant 1 : i32
    %dma_wait3A_23 = arith.constant 1 : i32
    %dma_wait3A_24 = arith.constant 0 : i32
    %dma_wait3A_25 = arith.constant 0 : i32
    %dma_wait3A_26 = tpu.memref_slice %arg6[%dma_wait3A, %dma_wait3A_24, %dma_wait3A_25] : memref<2x128x128xf32, #tpu.memory_space<vmem>> -> memref<1x128x128xf32, #tpu.memory_space<vmem>>
    %dma_wait3A_27 = tpu.memref_squeeze %dma_wait3A_26 : memref<1x128x128xf32, #tpu.memory_space<vmem>> -> memref<128x128xf32, #tpu.memory_space<vmem>>
    %dma_wait3A_28 = arith.constant 0 : i32
    %dma_wait3A_29 = tpu.memref_slice %arg5[%dma_wait3A_21, %dma_wait3A_22, %dma_wait3A_23, %dma_wait3A_28] : memref<2x2x2x128xi32, #tpu.memory_space<vmem>> -> memref<1x1x1x128xi32, #tpu.memory_space<vmem>>
    %dma_wait3A_30 = tpu.memref_squeeze %dma_wait3A_29 : memref<1x1x1x128xi32, #tpu.memory_space<vmem>> -> memref<128xi32, #tpu.memory_space<vmem>>
    %dma_wait3A_31 = arith.constant 0 : i32
    %dma_wait3A_32 = arith.constant 0 : i32
    %dma_wait3A_33 = tpu.memref_slice %arg7[%dma_wait3A_31, %dma_wait3A_32] : memref<10240x128xf32, #tpu.memory_space<vmem_shared>> -> memref<10240x128xf32, #tpu.memory_space<vmem_shared>>
    tpu.wait_indirect_dma semaphore(%arg9 : memref<!tpu.dma_semaphore, #tpu.memory_space<semaphore_mem>>) src(%dma_wait3A_27 : memref<128x128xf32, #tpu.memory_space<vmem>>) dst(%dma_wait3A_33 : memref<10240x128xf32, #tpu.memory_space<vmem_shared>>)
    %barrier3A_34 = arith.constant 0 : index
    tpu.barrier barrier_id(%barrier3A_34)
    "tpu.region"() ({
      %run_scoped3A_35 = tpu.sem_alloc : memref<!tpu.dma_semaphore, #tpu.memory_space<semaphore_mem>>
      %dma_start3A_36 = arith.constant 0 : i32
      %dma_start3A_37 = tpu.memref_slice %arg4[%arg0, %mul3A_2, %dma_start3A_36] : memref<2x10240x128xf32, #tpu.memory_space<hbm>> -> memref<1x640x128xf32, #tpu.memory_space<hbm>>
      %dma_start3A_38 = tpu.memref_squeeze %dma_start3A_37 : memref<1x640x128xf32, #tpu.memory_space<hbm>> -> memref<640x128xf32, #tpu.memory_space<hbm>>
      %dma_start3A_39 = arith.constant 0 : i32
      %dma_start3A_40 = tpu.memref_slice %arg7[%mul3A_2, %dma_start3A_39] : memref<10240x128xf32, #tpu.memory_space<vmem_shared>> -> memref<640x128xf32, #tpu.memory_space<vmem_shared>>
      tpu.enqueue_dma source(%dma_start3A_40 : memref<640x128xf32, #tpu.memory_space<vmem_shared>>) target(%dma_start3A_38 : memref<640x128xf32, #tpu.memory_space<hbm>>) target_semaphore(%run_scoped3A_35 : memref<!tpu.dma_semaphore, #tpu.memory_space<semaphore_mem>>)
      %dma_wait3A_41 = arith.constant 0 : i32
      %dma_wait3A_42 = tpu.memref_slice %arg4[%arg0, %mul3A_2, %dma_wait3A_41] : memref<2x10240x128xf32, #tpu.memory_space<hbm>> -> memref<1x640x128xf32, #tpu.memory_space<hbm>>
      %dma_wait3A_43 = tpu.memref_squeeze %dma_wait3A_42 : memref<1x640x128xf32, #tpu.memory_space<hbm>> -> memref<640x128xf32, #tpu.memory_space<hbm>>
      %dma_wait3A_44 = arith.constant 0 : i32
      %dma_wait3A_45 = tpu.memref_slice %arg7[%mul3A_2, %dma_wait3A_44] : memref<10240x128xf32, #tpu.memory_space<vmem_shared>> -> memref<640x128xf32, #tpu.memory_space<vmem_shared>>
      tpu.wait_dma2 semaphore(%run_scoped3A_35 : memref<!tpu.dma_semaphore, #tpu.memory_space<semaphore_mem>>) src(%dma_wait3A_45 : memref<640x128xf32, #tpu.memory_space<vmem_shared>>) dst(%dma_wait3A_43 : memref<640x128xf32, #tpu.memory_space<hbm>>)
      tpu.yield
    }) : () -> ()
    return
  }
}

#map = affine_map<(d0, d1) -> (0, 0, 0)>
#map1 = affine_map<(d0, d1) -> (0, 0)>
module attributes {stable_mosaic.version = 14 : i64} {
  func.func @k(%arg0: i32, %arg1: i32, %arg2: memref<32x80x128xi32, #tpu.memory_space<hbm>>, %arg3: memref<80x128xf32, #tpu.memory_space<hbm>>, %arg4: memref<2x80x128xf32, #tpu.memory_space<hbm>>, %arg5: memref<80x128xi32, #tpu.memory_space<vmem>>, %arg6: memref<80x128xf32, #tpu.memory_space<vmem>>, %arg7: memref<80x128xf32, #tpu.memory_space<vmem_shared>>) attributes {dimension_semantics = [#tpu.dimension_semantics<core_parallel>, #tpu.dimension_semantics<subcore_parallel>], iteration_bounds = array<i64: 2, 16>, scalar_prefetch = 0 : i64, scratch_operands = 3 : i64, tpu.core_type = #tpu.core_type<sc_vector_subcore>, window_params = [{transform_indices = #map}, {transform_indices = #map1}, {transform_indices = #map}]} {
    %mul3A = arith.constant 16 : i32
    %mul3A_0 = arith.muli %arg0, %mul3A : i32
    %add3A = arith.addi %mul3A_0, %arg1 : i32
    %mul3A_1 = arith.constant 8 : i32
    %mul3A_2 = arith.muli %arg1, %mul3A_1 : i32
    %lt3A = arith.constant 10 : i32
    %lt3A_3 = arith.cmpi slt, %arg1, %lt3A : i32
    %convert_element_type3A = arith.extui %lt3A_3 : i1 to i32
    %cond3A = arith.constant 0 : i32
    %cond3A_4 = arith.cmpi ne, %convert_element_type3A, %cond3A : i32
    scf.if %cond3A_4 {
      "tpu.region"() ({
        %run_scoped3A = tpu.sem_alloc : memref<!tpu.dma_semaphore, #tpu.memory_space<semaphore_mem>>
        %dma_start3A = arith.constant 0 : i32
        %dma_start3A_42 = tpu.memref_slice %arg7[%mul3A_2, %dma_start3A] : memref<80x128xf32, #tpu.memory_space<vmem_shared>> -> memref<8x128xf32, #tpu.memory_space<vmem_shared>>
        %dma_start3A_43 = arith.constant 0 : i32
        %dma_start3A_44 = tpu.memref_slice %arg3[%mul3A_2, %dma_start3A_43] : memref<80x128xf32, #tpu.memory_space<hbm>> -> memref<8x128xf32, #tpu.memory_space<hbm>>
        tpu.enqueue_dma source(%dma_start3A_44 : memref<8x128xf32, #tpu.memory_space<hbm>>) target(%dma_start3A_42 : memref<8x128xf32, #tpu.memory_space<vmem_shared>>) target_semaphore(%run_scoped3A : memref<!tpu.dma_semaphore, #tpu.memory_space<semaphore_mem>>)
        %dma_wait3A = arith.constant 0 : i32
        %dma_wait3A_45 = tpu.memref_slice %arg7[%mul3A_2, %dma_wait3A] : memref<80x128xf32, #tpu.memory_space<vmem_shared>> -> memref<8x128xf32, #tpu.memory_space<vmem_shared>>
        %dma_wait3A_46 = arith.constant 0 : i32
        %dma_wait3A_47 = tpu.memref_slice %arg3[%mul3A_2, %dma_wait3A_46] : memref<80x128xf32, #tpu.memory_space<hbm>> -> memref<8x128xf32, #tpu.memory_space<hbm>>
        tpu.wait_dma2 semaphore(%run_scoped3A : memref<!tpu.dma_semaphore, #tpu.memory_space<semaphore_mem>>) src(%dma_wait3A_47 : memref<8x128xf32, #tpu.memory_space<hbm>>) dst(%dma_wait3A_45 : memref<8x128xf32, #tpu.memory_space<vmem_shared>>)
        tpu.yield
      }) : () -> ()
    } else {
    }
    "tpu.region"() ({
      %run_scoped3A = tpu.sem_alloc : memref<!tpu.dma_semaphore, #tpu.memory_space<semaphore_mem>>
      %dma_start3A = arith.constant 0 : i32
      %dma_start3A_42 = arith.constant 0 : i32
      %dma_start3A_43 = tpu.memref_slice %arg2[%add3A, %dma_start3A, %dma_start3A_42] : memref<32x80x128xi32, #tpu.memory_space<hbm>> -> memref<1x80x128xi32, #tpu.memory_space<hbm>>
      %dma_start3A_44 = tpu.memref_squeeze %dma_start3A_43 : memref<1x80x128xi32, #tpu.memory_space<hbm>> -> memref<80x128xi32, #tpu.memory_space<hbm>>
      %dma_start3A_45 = arith.constant 0 : i32
      %dma_start3A_46 = arith.constant 0 : i32
      %dma_start3A_47 = tpu.memref_slice %arg2[%add3A, %dma_start3A_45, %dma_start3A_46] : memref<32x80x128xi32, #tpu.memory_space<hbm>> -> memref<1x80x128xi32, #tpu.memory_space<hbm>>
      %dma_start3A_48 = tpu.memref_squeeze %dma_start3A_47 : memref<1x80x128xi32, #tpu.memory_space<hbm>> -> memref<80x128xi32, #tpu.memory_space<hbm>>
      tpu.enqueue_dma source(%dma_start3A_48 : memref<80x128xi32, #tpu.memory_space<hbm>>) target(%arg5 : memref<80x128xi32, #tpu.memory_space<vmem>>) target_semaphore(%run_scoped3A : memref<!tpu.dma_semaphore, #tpu.memory_space<semaphore_mem>>)
      %dma_wait3A = arith.constant 0 : i32
      %dma_wait3A_49 = arith.constant 0 : i32
      %dma_wait3A_50 = tpu.memref_slice %arg2[%add3A, %dma_wait3A, %dma_wait3A_49] : memref<32x80x128xi32, #tpu.memory_space<hbm>> -> memref<1x80x128xi32, #tpu.memory_space<hbm>>
      %dma_wait3A_51 = tpu.memref_squeeze %dma_wait3A_50 : memref<1x80x128xi32, #tpu.memory_space<hbm>> -> memref<80x128xi32, #tpu.memory_space<hbm>>
      %dma_wait3A_52 = arith.constant 0 : i32
      %dma_wait3A_53 = arith.constant 0 : i32
      %dma_wait3A_54 = tpu.memref_slice %arg2[%add3A, %dma_wait3A_52, %dma_wait3A_53] : memref<32x80x128xi32, #tpu.memory_space<hbm>> -> memref<1x80x128xi32, #tpu.memory_space<hbm>>
      %dma_wait3A_55 = tpu.memref_squeeze %dma_wait3A_54 : memref<1x80x128xi32, #tpu.memory_space<hbm>> -> memref<80x128xi32, #tpu.memory_space<hbm>>
      tpu.wait_dma2 semaphore(%run_scoped3A : memref<!tpu.dma_semaphore, #tpu.memory_space<semaphore_mem>>) src(%dma_wait3A_55 : memref<80x128xi32, #tpu.memory_space<hbm>>) dst(%arg5 : memref<80x128xi32, #tpu.memory_space<vmem>>)
      tpu.yield
    }) : () -> ()
    %scan3A = arith.constant 0 : i32
    %scan3A_5 = arith.constant 0 : i32
    %scan3A_6 = arith.constant 80 : i32
    %scan3A_7 = arith.addi %scan3A_5, %scan3A_6 : i32
    %scan3A_8 = arith.constant 1 : i32
    scf.for %scan3A_42 = %scan3A_5 to %scan3A_7 step %scan3A_8  : i32 {
      %broadcast_in_dim3A_43 = arith.constant 0.000000e+00 : f32
      %broadcast_in_dim3A_44 = vector.broadcast %broadcast_in_dim3A_43 : f32 to vector<16xf32>
      %swap3A = arith.index_cast %scan3A_42 : i32 to index
      %swap3A_45 = arith.constant 0 : index
      %swap3A_46 = tpu.vector_load %arg6[%swap3A, %swap3A_45] {strides = array<i32>} : memref<80x128xf32, #tpu.memory_space<vmem>>, vector<16xf32>,
      tpu.vector_store %arg6[%swap3A, %swap3A_45], %broadcast_in_dim3A_44 {strides = array<i32>} : memref<80x128xf32, #tpu.memory_space<vmem>>, vector<16xf32>,
      %broadcast_in_dim3A_47 = arith.constant 0.000000e+00 : f32
      %broadcast_in_dim3A_48 = vector.broadcast %broadcast_in_dim3A_47 : f32 to vector<16xf32>
      %swap3A_49 = arith.index_cast %scan3A_42 : i32 to index
      %swap3A_50 = arith.constant 16 : index
      %swap3A_51 = tpu.vector_load %arg6[%swap3A_49, %swap3A_50] {strides = array<i32>} : memref<80x128xf32, #tpu.memory_space<vmem>>, vector<16xf32>,
      tpu.vector_store %arg6[%swap3A_49, %swap3A_50], %broadcast_in_dim3A_48 {strides = array<i32>} : memref<80x128xf32, #tpu.memory_space<vmem>>, vector<16xf32>,
      %broadcast_in_dim3A_52 = arith.constant 0.000000e+00 : f32
      %broadcast_in_dim3A_53 = vector.broadcast %broadcast_in_dim3A_52 : f32 to vector<16xf32>
      %swap3A_54 = arith.index_cast %scan3A_42 : i32 to index
      %swap3A_55 = arith.constant 32 : index
      %swap3A_56 = tpu.vector_load %arg6[%swap3A_54, %swap3A_55] {strides = array<i32>} : memref<80x128xf32, #tpu.memory_space<vmem>>, vector<16xf32>,
      tpu.vector_store %arg6[%swap3A_54, %swap3A_55], %broadcast_in_dim3A_53 {strides = array<i32>} : memref<80x128xf32, #tpu.memory_space<vmem>>, vector<16xf32>,
      %broadcast_in_dim3A_57 = arith.constant 0.000000e+00 : f32
      %broadcast_in_dim3A_58 = vector.broadcast %broadcast_in_dim3A_57 : f32 to vector<16xf32>
      %swap3A_59 = arith.index_cast %scan3A_42 : i32 to index
      %swap3A_60 = arith.constant 48 : index
      %swap3A_61 = tpu.vector_load %arg6[%swap3A_59, %swap3A_60] {strides = array<i32>} : memref<80x128xf32, #tpu.memory_space<vmem>>, vector<16xf32>,
      tpu.vector_store %arg6[%swap3A_59, %swap3A_60], %broadcast_in_dim3A_58 {strides = array<i32>} : memref<80x128xf32, #tpu.memory_space<vmem>>, vector<16xf32>,
      %broadcast_in_dim3A_62 = arith.constant 0.000000e+00 : f32
      %broadcast_in_dim3A_63 = vector.broadcast %broadcast_in_dim3A_62 : f32 to vector<16xf32>
      %swap3A_64 = arith.index_cast %scan3A_42 : i32 to index
      %swap3A_65 = arith.constant 64 : index
      %swap3A_66 = tpu.vector_load %arg6[%swap3A_64, %swap3A_65] {strides = array<i32>} : memref<80x128xf32, #tpu.memory_space<vmem>>, vector<16xf32>,
      tpu.vector_store %arg6[%swap3A_64, %swap3A_65], %broadcast_in_dim3A_63 {strides = array<i32>} : memref<80x128xf32, #tpu.memory_space<vmem>>, vector<16xf32>,
      %broadcast_in_dim3A_67 = arith.constant 0.000000e+00 : f32
      %broadcast_in_dim3A_68 = vector.broadcast %broadcast_in_dim3A_67 : f32 to vector<16xf32>
      %swap3A_69 = arith.index_cast %scan3A_42 : i32 to index
      %swap3A_70 = arith.constant 80 : index
      %swap3A_71 = tpu.vector_load %arg6[%swap3A_69, %swap3A_70] {strides = array<i32>} : memref<80x128xf32, #tpu.memory_space<vmem>>, vector<16xf32>,
      tpu.vector_store %arg6[%swap3A_69, %swap3A_70], %broadcast_in_dim3A_68 {strides = array<i32>} : memref<80x128xf32, #tpu.memory_space<vmem>>, vector<16xf32>,
      %broadcast_in_dim3A_72 = arith.constant 0.000000e+00 : f32
      %broadcast_in_dim3A_73 = vector.broadcast %broadcast_in_dim3A_72 : f32 to vector<16xf32>
      %swap3A_74 = arith.index_cast %scan3A_42 : i32 to index
      %swap3A_75 = arith.constant 96 : index
      %swap3A_76 = tpu.vector_load %arg6[%swap3A_74, %swap3A_75] {strides = array<i32>} : memref<80x128xf32, #tpu.memory_space<vmem>>, vector<16xf32>,
      tpu.vector_store %arg6[%swap3A_74, %swap3A_75], %broadcast_in_dim3A_73 {strides = array<i32>} : memref<80x128xf32, #tpu.memory_space<vmem>>, vector<16xf32>,
      %broadcast_in_dim3A_77 = arith.constant 0.000000e+00 : f32
      %broadcast_in_dim3A_78 = vector.broadcast %broadcast_in_dim3A_77 : f32 to vector<16xf32>
      %swap3A_79 = arith.index_cast %scan3A_42 : i32 to index
      %swap3A_80 = arith.constant 112 : index
      %swap3A_81 = tpu.vector_load %arg6[%swap3A_79, %swap3A_80] {strides = array<i32>} : memref<80x128xf32, #tpu.memory_space<vmem>>, vector<16xf32>,
      tpu.vector_store %arg6[%swap3A_79, %swap3A_80], %broadcast_in_dim3A_78 {strides = array<i32>} : memref<80x128xf32, #tpu.memory_space<vmem>>, vector<16xf32>,
    }
    %scan3A_9 = arith.constant 80 : i32
    %broadcast_in_dim3A = arith.constant 1.000000e+00 : f32
    %broadcast_in_dim3A_10 = vector.broadcast %broadcast_in_dim3A : f32 to vector<16xf32>
    %scan3A_11 = arith.constant 0 : i32
    %scan3A_12 = arith.constant 0 : i32
    %scan3A_13 = arith.constant 80 : i32
    %scan3A_14 = arith.addi %scan3A_12, %scan3A_13 : i32
    %scan3A_15 = arith.constant 1 : i32
    scf.for %scan3A_42 = %scan3A_12 to %scan3A_14 step %scan3A_15  : i32 {
      %get3A = arith.index_cast %scan3A_42 : i32 to index
      %get3A_43 = arith.constant 0 : index
      %get3A_44 = tpu.vector_load %arg5[%get3A, %get3A_43] {strides = array<i32>} : memref<80x128xi32, #tpu.memory_space<vmem>>, vector<16xi32>,
      %shift_right_logical3A = arith.constant 7 : i32
      %shift_right_logical3A_45 = vector.broadcast %shift_right_logical3A : i32 to vector<16xi32>
      %shift_right_logical3A_46 = arith.shrui %get3A_44, %shift_right_logical3A_45 : vector<16xi32>
      %and3A = arith.constant 127 : i32
      %and3A_47 = vector.broadcast %and3A : i32 to vector<16xi32>
      %and3A_48 = arith.andi %get3A_44, %and3A_47 : vector<16xi32>
      tpu.vector_store_idx %arg6[%shift_right_logical3A_46, %and3A_48], %broadcast_in_dim3A_10 {add = true} : memref<80x128xf32, #tpu.memory_space<vmem>>[vector<16xi32>, vector<16xi32>], vector<16xf32>,
      %get3A_49 = arith.index_cast %scan3A_42 : i32 to index
      %get3A_50 = arith.constant 16 : index
      %get3A_51 = tpu.vector_load %arg5[%get3A_49, %get3A_50] {strides = array<i32>} : memref<80x128xi32, #tpu.memory_space<vmem>>, vector<16xi32>,
      %shift_right_logical3A_52 = arith.constant 7 : i32
      %shift_right_logical3A_53 = vector.broadcast %shift_right_logical3A_52 : i32 to vector<16xi32>
      %shift_right_logical3A_54 = arith.shrui %get3A_51, %shift_right_logical3A_53 : vector<16xi32>
      %and3A_55 = arith.constant 127 : i32
      %and3A_56 = vector.broadcast %and3A_55 : i32 to vector<16xi32>
      %and3A_57 = arith.andi %get3A_51, %and3A_56 : vector<16xi32>
      tpu.vector_store_idx %arg6[%shift_right_logical3A_54, %and3A_57], %broadcast_in_dim3A_10 {add = true} : memref<80x128xf32, #tpu.memory_space<vmem>>[vector<16xi32>, vector<16xi32>], vector<16xf32>,
      %get3A_58 = arith.index_cast %scan3A_42 : i32 to index
      %get3A_59 = arith.constant 32 : index
      %get3A_60 = tpu.vector_load %arg5[%get3A_58, %get3A_59] {strides = array<i32>} : memref<80x128xi32, #tpu.memory_space<vmem>>, vector<16xi32>,
      %shift_right_logical3A_61 = arith.constant 7 : i32
      %shift_right_logical3A_62 = vector.broadcast %shift_right_logical3A_61 : i32 to vector<16xi32>
      %shift_right_logical3A_63 = arith.shrui %get3A_60, %shift_right_logical3A_62 : vector<16xi32>
      %and3A_64 = arith.constant 127 : i32
      %and3A_65 = vector.broadcast %and3A_64 : i32 to vector<16xi32>
      %and3A_66 = arith.andi %get3A_60, %and3A_65 : vector<16xi32>
      tpu.vector_store_idx %arg6[%shift_right_logical3A_63, %and3A_66], %broadcast_in_dim3A_10 {add = true} : memref<80x128xf32, #tpu.memory_space<vmem>>[vector<16xi32>, vector<16xi32>], vector<16xf32>,
      %get3A_67 = arith.index_cast %scan3A_42 : i32 to index
      %get3A_68 = arith.constant 48 : index
      %get3A_69 = tpu.vector_load %arg5[%get3A_67, %get3A_68] {strides = array<i32>} : memref<80x128xi32, #tpu.memory_space<vmem>>, vector<16xi32>,
      %shift_right_logical3A_70 = arith.constant 7 : i32
      %shift_right_logical3A_71 = vector.broadcast %shift_right_logical3A_70 : i32 to vector<16xi32>
      %shift_right_logical3A_72 = arith.shrui %get3A_69, %shift_right_logical3A_71 : vector<16xi32>
      %and3A_73 = arith.constant 127 : i32
      %and3A_74 = vector.broadcast %and3A_73 : i32 to vector<16xi32>
      %and3A_75 = arith.andi %get3A_69, %and3A_74 : vector<16xi32>
      tpu.vector_store_idx %arg6[%shift_right_logical3A_72, %and3A_75], %broadcast_in_dim3A_10 {add = true} : memref<80x128xf32, #tpu.memory_space<vmem>>[vector<16xi32>, vector<16xi32>], vector<16xf32>,
      %get3A_76 = arith.index_cast %scan3A_42 : i32 to index
      %get3A_77 = arith.constant 64 : index
      %get3A_78 = tpu.vector_load %arg5[%get3A_76, %get3A_77] {strides = array<i32>} : memref<80x128xi32, #tpu.memory_space<vmem>>, vector<16xi32>,
      %shift_right_logical3A_79 = arith.constant 7 : i32
      %shift_right_logical3A_80 = vector.broadcast %shift_right_logical3A_79 : i32 to vector<16xi32>
      %shift_right_logical3A_81 = arith.shrui %get3A_78, %shift_right_logical3A_80 : vector<16xi32>
      %and3A_82 = arith.constant 127 : i32
      %and3A_83 = vector.broadcast %and3A_82 : i32 to vector<16xi32>
      %and3A_84 = arith.andi %get3A_78, %and3A_83 : vector<16xi32>
      tpu.vector_store_idx %arg6[%shift_right_logical3A_81, %and3A_84], %broadcast_in_dim3A_10 {add = true} : memref<80x128xf32, #tpu.memory_space<vmem>>[vector<16xi32>, vector<16xi32>], vector<16xf32>,
      %get3A_85 = arith.index_cast %scan3A_42 : i32 to index
      %get3A_86 = arith.constant 80 : index
      %get3A_87 = tpu.vector_load %arg5[%get3A_85, %get3A_86] {strides = array<i32>} : memref<80x128xi32, #tpu.memory_space<vmem>>, vector<16xi32>,
      %shift_right_logical3A_88 = arith.constant 7 : i32
      %shift_right_logical3A_89 = vector.broadcast %shift_right_logical3A_88 : i32 to vector<16xi32>
      %shift_right_logical3A_90 = arith.shrui %get3A_87, %shift_right_logical3A_89 : vector<16xi32>
      %and3A_91 = arith.constant 127 : i32
      %and3A_92 = vector.broadcast %and3A_91 : i32 to vector<16xi32>
      %and3A_93 = arith.andi %get3A_87, %and3A_92 : vector<16xi32>
      tpu.vector_store_idx %arg6[%shift_right_logical3A_90, %and3A_93], %broadcast_in_dim3A_10 {add = true} : memref<80x128xf32, #tpu.memory_space<vmem>>[vector<16xi32>, vector<16xi32>], vector<16xf32>,
      %get3A_94 = arith.index_cast %scan3A_42 : i32 to index
      %get3A_95 = arith.constant 96 : index
      %get3A_96 = tpu.vector_load %arg5[%get3A_94, %get3A_95] {strides = array<i32>} : memref<80x128xi32, #tpu.memory_space<vmem>>, vector<16xi32>,
      %shift_right_logical3A_97 = arith.constant 7 : i32
      %shift_right_logical3A_98 = vector.broadcast %shift_right_logical3A_97 : i32 to vector<16xi32>
      %shift_right_logical3A_99 = arith.shrui %get3A_96, %shift_right_logical3A_98 : vector<16xi32>
      %and3A_100 = arith.constant 127 : i32
      %and3A_101 = vector.broadcast %and3A_100 : i32 to vector<16xi32>
      %and3A_102 = arith.andi %get3A_96, %and3A_101 : vector<16xi32>
      tpu.vector_store_idx %arg6[%shift_right_logical3A_99, %and3A_102], %broadcast_in_dim3A_10 {add = true} : memref<80x128xf32, #tpu.memory_space<vmem>>[vector<16xi32>, vector<16xi32>], vector<16xf32>,
      %get3A_103 = arith.index_cast %scan3A_42 : i32 to index
      %get3A_104 = arith.constant 112 : index
      %get3A_105 = tpu.vector_load %arg5[%get3A_103, %get3A_104] {strides = array<i32>} : memref<80x128xi32, #tpu.memory_space<vmem>>, vector<16xi32>,
      %shift_right_logical3A_106 = arith.constant 7 : i32
      %shift_right_logical3A_107 = vector.broadcast %shift_right_logical3A_106 : i32 to vector<16xi32>
      %shift_right_logical3A_108 = arith.shrui %get3A_105, %shift_right_logical3A_107 : vector<16xi32>
      %and3A_109 = arith.constant 127 : i32
      %and3A_110 = vector.broadcast %and3A_109 : i32 to vector<16xi32>
      %and3A_111 = arith.andi %get3A_105, %and3A_110 : vector<16xi32>
      tpu.vector_store_idx %arg6[%shift_right_logical3A_108, %and3A_111], %broadcast_in_dim3A_10 {add = true} : memref<80x128xf32, #tpu.memory_space<vmem>>[vector<16xi32>, vector<16xi32>], vector<16xf32>,
    }
    %scan3A_16 = arith.constant 80 : i32
    %barrier3A = arith.constant 0 : index
    tpu.barrier barrier_id(%barrier3A)
    %iota3A = tpu.iota {dimensions = array<i32: 0>} : vector<16xi32>
    %add3A_17 = arith.constant 0 : i32
    %add3A_18 = vector.broadcast %add3A_17 : i32 to vector<16xi32>
    %add3A_19 = arith.addi %iota3A, %add3A_18 : vector<16xi32>
    "tpu.region"() ({
      %run_scoped3A = tpu.sem_alloc : memref<!tpu.dma_semaphore, #tpu.memory_space<semaphore_mem>>
      %dma_start3A = arith.constant 0 : i32
      %dma_start3A_42 = arith.constant 0 : i32
      %dma_start3A_43 = tpu.memref_slice %arg6[%dma_start3A, %dma_start3A_42] : memref<80x128xf32, #tpu.memory_space<vmem>> -> memref<16x128xf32, #tpu.memory_space<vmem>>
      %dma_start3A_44 = arith.constant 0 : i32
      %dma_start3A_45 = arith.constant 0 : i32
      %dma_start3A_46 = tpu.memref_slice %arg7[%dma_start3A_44, %dma_start3A_45] : memref<80x128xf32, #tpu.memory_space<vmem_shared>> -> memref<80x128xf32, #tpu.memory_space<vmem_shared>>
      tpu.enqueue_indirect_dma source(%dma_start3A_43 : memref<16x128xf32, #tpu.memory_space<vmem>>) target(%dma_start3A_46 : memref<80x128xf32, #tpu.memory_space<vmem_shared>>) offsets(%add3A_19 : vector<16xi32>) semaphore(%run_scoped3A : memref<!tpu.dma_semaphore, #tpu.memory_space<semaphore_mem>>) {add = true}
      %dma_wait3A = arith.constant 0 : i32
      %dma_wait3A_47 = arith.constant 0 : i32
      %dma_wait3A_48 = tpu.memref_slice %arg6[%dma_wait3A, %dma_wait3A_47] : memref<80x128xf32, #tpu.memory_space<vmem>> -> memref<16x128xf32, #tpu.memory_space<vmem>>
      %dma_wait3A_49 = arith.constant 0 : i32
      %dma_wait3A_50 = arith.constant 0 : i32
      %dma_wait3A_51 = tpu.memref_slice %arg7[%dma_wait3A_49, %dma_wait3A_50] : memref<80x128xf32, #tpu.memory_space<vmem_shared>> -> memref<80x128xf32, #tpu.memory_space<vmem_shared>>
      tpu.wait_indirect_dma semaphore(%run_scoped3A : memref<!tpu.dma_semaphore, #tpu.memory_space<semaphore_mem>>) src(%dma_wait3A_48 : memref<16x128xf32, #tpu.memory_space<vmem>>) dst(%dma_wait3A_51 : memref<80x128xf32, #tpu.memory_space<vmem_shared>>)
      tpu.yield
    }) : () -> ()
    %iota3A_20 = tpu.iota {dimensions = array<i32: 0>} : vector<16xi32>
    %add3A_21 = arith.constant 16 : i32
    %add3A_22 = vector.broadcast %add3A_21 : i32 to vector<16xi32>
    %add3A_23 = arith.addi %iota3A_20, %add3A_22 : vector<16xi32>
    "tpu.region"() ({
      %run_scoped3A = tpu.sem_alloc : memref<!tpu.dma_semaphore, #tpu.memory_space<semaphore_mem>>
      %dma_start3A = arith.constant 16 : i32
      %dma_start3A_42 = arith.constant 0 : i32
      %dma_start3A_43 = tpu.memref_slice %arg6[%dma_start3A, %dma_start3A_42] : memref<80x128xf32, #tpu.memory_space<vmem>> -> memref<16x128xf32, #tpu.memory_space<vmem>>
      %dma_start3A_44 = arith.constant 0 : i32
      %dma_start3A_45 = arith.constant 0 : i32
      %dma_start3A_46 = tpu.memref_slice %arg7[%dma_start3A_44, %dma_start3A_45] : memref<80x128xf32, #tpu.memory_space<vmem_shared>> -> memref<80x128xf32, #tpu.memory_space<vmem_shared>>
      tpu.enqueue_indirect_dma source(%dma_start3A_43 : memref<16x128xf32, #tpu.memory_space<vmem>>) target(%dma_start3A_46 : memref<80x128xf32, #tpu.memory_space<vmem_shared>>) offsets(%add3A_23 : vector<16xi32>) semaphore(%run_scoped3A : memref<!tpu.dma_semaphore, #tpu.memory_space<semaphore_mem>>) {add = true}
      %dma_wait3A = arith.constant 16 : i32
      %dma_wait3A_47 = arith.constant 0 : i32
      %dma_wait3A_48 = tpu.memref_slice %arg6[%dma_wait3A, %dma_wait3A_47] : memref<80x128xf32, #tpu.memory_space<vmem>> -> memref<16x128xf32, #tpu.memory_space<vmem>>
      %dma_wait3A_49 = arith.constant 0 : i32
      %dma_wait3A_50 = arith.constant 0 : i32
      %dma_wait3A_51 = tpu.memref_slice %arg7[%dma_wait3A_49, %dma_wait3A_50] : memref<80x128xf32, #tpu.memory_space<vmem_shared>> -> memref<80x128xf32, #tpu.memory_space<vmem_shared>>
      tpu.wait_indirect_dma semaphore(%run_scoped3A : memref<!tpu.dma_semaphore, #tpu.memory_space<semaphore_mem>>) src(%dma_wait3A_48 : memref<16x128xf32, #tpu.memory_space<vmem>>) dst(%dma_wait3A_51 : memref<80x128xf32, #tpu.memory_space<vmem_shared>>)
      tpu.yield
    }) : () -> ()
    %iota3A_24 = tpu.iota {dimensions = array<i32: 0>} : vector<16xi32>
    %add3A_25 = arith.constant 32 : i32
    %add3A_26 = vector.broadcast %add3A_25 : i32 to vector<16xi32>
    %add3A_27 = arith.addi %iota3A_24, %add3A_26 : vector<16xi32>
    "tpu.region"() ({
      %run_scoped3A = tpu.sem_alloc : memref<!tpu.dma_semaphore, #tpu.memory_space<semaphore_mem>>
      %dma_start3A = arith.constant 32 : i32
      %dma_start3A_42 = arith.constant 0 : i32
      %dma_start3A_43 = tpu.memref_slice %arg6[%dma_start3A, %dma_start3A_42] : memref<80x128xf32, #tpu.memory_space<vmem>> -> memref<16x128xf32, #tpu.memory_space<vmem>>
      %dma_start3A_44 = arith.constant 0 : i32
      %dma_start3A_45 = arith.constant 0 : i32
      %dma_start3A_46 = tpu.memref_slice %arg7[%dma_start3A_44, %dma_start3A_45] : memref<80x128xf32, #tpu.memory_space<vmem_shared>> -> memref<80x128xf32, #tpu.memory_space<vmem_shared>>
      tpu.enqueue_indirect_dma source(%dma_start3A_43 : memref<16x128xf32, #tpu.memory_space<vmem>>) target(%dma_start3A_46 : memref<80x128xf32, #tpu.memory_space<vmem_shared>>) offsets(%add3A_27 : vector<16xi32>) semaphore(%run_scoped3A : memref<!tpu.dma_semaphore, #tpu.memory_space<semaphore_mem>>) {add = true}
      %dma_wait3A = arith.constant 32 : i32
      %dma_wait3A_47 = arith.constant 0 : i32
      %dma_wait3A_48 = tpu.memref_slice %arg6[%dma_wait3A, %dma_wait3A_47] : memref<80x128xf32, #tpu.memory_space<vmem>> -> memref<16x128xf32, #tpu.memory_space<vmem>>
      %dma_wait3A_49 = arith.constant 0 : i32
      %dma_wait3A_50 = arith.constant 0 : i32
      %dma_wait3A_51 = tpu.memref_slice %arg7[%dma_wait3A_49, %dma_wait3A_50] : memref<80x128xf32, #tpu.memory_space<vmem_shared>> -> memref<80x128xf32, #tpu.memory_space<vmem_shared>>
      tpu.wait_indirect_dma semaphore(%run_scoped3A : memref<!tpu.dma_semaphore, #tpu.memory_space<semaphore_mem>>) src(%dma_wait3A_48 : memref<16x128xf32, #tpu.memory_space<vmem>>) dst(%dma_wait3A_51 : memref<80x128xf32, #tpu.memory_space<vmem_shared>>)
      tpu.yield
    }) : () -> ()
    %iota3A_28 = tpu.iota {dimensions = array<i32: 0>} : vector<16xi32>
    %add3A_29 = arith.constant 48 : i32
    %add3A_30 = vector.broadcast %add3A_29 : i32 to vector<16xi32>
    %add3A_31 = arith.addi %iota3A_28, %add3A_30 : vector<16xi32>
    "tpu.region"() ({
      %run_scoped3A = tpu.sem_alloc : memref<!tpu.dma_semaphore, #tpu.memory_space<semaphore_mem>>
      %dma_start3A = arith.constant 48 : i32
      %dma_start3A_42 = arith.constant 0 : i32
      %dma_start3A_43 = tpu.memref_slice %arg6[%dma_start3A, %dma_start3A_42] : memref<80x128xf32, #tpu.memory_space<vmem>> -> memref<16x128xf32, #tpu.memory_space<vmem>>
      %dma_start3A_44 = arith.constant 0 : i32
      %dma_start3A_45 = arith.constant 0 : i32
      %dma_start3A_46 = tpu.memref_slice %arg7[%dma_start3A_44, %dma_start3A_45] : memref<80x128xf32, #tpu.memory_space<vmem_shared>> -> memref<80x128xf32, #tpu.memory_space<vmem_shared>>
      tpu.enqueue_indirect_dma source(%dma_start3A_43 : memref<16x128xf32, #tpu.memory_space<vmem>>) target(%dma_start3A_46 : memref<80x128xf32, #tpu.memory_space<vmem_shared>>) offsets(%add3A_31 : vector<16xi32>) semaphore(%run_scoped3A : memref<!tpu.dma_semaphore, #tpu.memory_space<semaphore_mem>>) {add = true}
      %dma_wait3A = arith.constant 48 : i32
      %dma_wait3A_47 = arith.constant 0 : i32
      %dma_wait3A_48 = tpu.memref_slice %arg6[%dma_wait3A, %dma_wait3A_47] : memref<80x128xf32, #tpu.memory_space<vmem>> -> memref<16x128xf32, #tpu.memory_space<vmem>>
      %dma_wait3A_49 = arith.constant 0 : i32
      %dma_wait3A_50 = arith.constant 0 : i32
      %dma_wait3A_51 = tpu.memref_slice %arg7[%dma_wait3A_49, %dma_wait3A_50] : memref<80x128xf32, #tpu.memory_space<vmem_shared>> -> memref<80x128xf32, #tpu.memory_space<vmem_shared>>
      tpu.wait_indirect_dma semaphore(%run_scoped3A : memref<!tpu.dma_semaphore, #tpu.memory_space<semaphore_mem>>) src(%dma_wait3A_48 : memref<16x128xf32, #tpu.memory_space<vmem>>) dst(%dma_wait3A_51 : memref<80x128xf32, #tpu.memory_space<vmem_shared>>)
      tpu.yield
    }) : () -> ()
    %iota3A_32 = tpu.iota {dimensions = array<i32: 0>} : vector<16xi32>
    %add3A_33 = arith.constant 64 : i32
    %add3A_34 = vector.broadcast %add3A_33 : i32 to vector<16xi32>
    %add3A_35 = arith.addi %iota3A_32, %add3A_34 : vector<16xi32>
    "tpu.region"() ({
      %run_scoped3A = tpu.sem_alloc : memref<!tpu.dma_semaphore, #tpu.memory_space<semaphore_mem>>
      %dma_start3A = arith.constant 64 : i32
      %dma_start3A_42 = arith.constant 0 : i32
      %dma_start3A_43 = tpu.memref_slice %arg6[%dma_start3A, %dma_start3A_42] : memref<80x128xf32, #tpu.memory_space<vmem>> -> memref<16x128xf32, #tpu.memory_space<vmem>>
      %dma_start3A_44 = arith.constant 0 : i32
      %dma_start3A_45 = arith.constant 0 : i32
      %dma_start3A_46 = tpu.memref_slice %arg7[%dma_start3A_44, %dma_start3A_45] : memref<80x128xf32, #tpu.memory_space<vmem_shared>> -> memref<80x128xf32, #tpu.memory_space<vmem_shared>>
      tpu.enqueue_indirect_dma source(%dma_start3A_43 : memref<16x128xf32, #tpu.memory_space<vmem>>) target(%dma_start3A_46 : memref<80x128xf32, #tpu.memory_space<vmem_shared>>) offsets(%add3A_35 : vector<16xi32>) semaphore(%run_scoped3A : memref<!tpu.dma_semaphore, #tpu.memory_space<semaphore_mem>>) {add = true}
      %dma_wait3A = arith.constant 64 : i32
      %dma_wait3A_47 = arith.constant 0 : i32
      %dma_wait3A_48 = tpu.memref_slice %arg6[%dma_wait3A, %dma_wait3A_47] : memref<80x128xf32, #tpu.memory_space<vmem>> -> memref<16x128xf32, #tpu.memory_space<vmem>>
      %dma_wait3A_49 = arith.constant 0 : i32
      %dma_wait3A_50 = arith.constant 0 : i32
      %dma_wait3A_51 = tpu.memref_slice %arg7[%dma_wait3A_49, %dma_wait3A_50] : memref<80x128xf32, #tpu.memory_space<vmem_shared>> -> memref<80x128xf32, #tpu.memory_space<vmem_shared>>
      tpu.wait_indirect_dma semaphore(%run_scoped3A : memref<!tpu.dma_semaphore, #tpu.memory_space<semaphore_mem>>) src(%dma_wait3A_48 : memref<16x128xf32, #tpu.memory_space<vmem>>) dst(%dma_wait3A_51 : memref<80x128xf32, #tpu.memory_space<vmem_shared>>)
      tpu.yield
    }) : () -> ()
    %barrier3A_36 = arith.constant 0 : index
    tpu.barrier barrier_id(%barrier3A_36)
    %lt3A_37 = arith.constant 10 : i32
    %lt3A_38 = arith.cmpi slt, %arg1, %lt3A_37 : i32
    %convert_element_type3A_39 = arith.extui %lt3A_38 : i1 to i32
    %cond3A_40 = arith.constant 0 : i32
    %cond3A_41 = arith.cmpi ne, %convert_element_type3A_39, %cond3A_40 : i32
    scf.if %cond3A_41 {
      "tpu.region"() ({
        %run_scoped3A = tpu.sem_alloc : memref<!tpu.dma_semaphore, #tpu.memory_space<semaphore_mem>>
        %dma_start3A = arith.constant 0 : i32
        %dma_start3A_42 = tpu.memref_slice %arg4[%arg0, %mul3A_2, %dma_start3A] : memref<2x80x128xf32, #tpu.memory_space<hbm>> -> memref<1x8x128xf32, #tpu.memory_space<hbm>>
        %dma_start3A_43 = tpu.memref_squeeze %dma_start3A_42 : memref<1x8x128xf32, #tpu.memory_space<hbm>> -> memref<8x128xf32, #tpu.memory_space<hbm>>
        %dma_start3A_44 = arith.constant 0 : i32
        %dma_start3A_45 = tpu.memref_slice %arg7[%mul3A_2, %dma_start3A_44] : memref<80x128xf32, #tpu.memory_space<vmem_shared>> -> memref<8x128xf32, #tpu.memory_space<vmem_shared>>
        tpu.enqueue_dma source(%dma_start3A_45 : memref<8x128xf32, #tpu.memory_space<vmem_shared>>) target(%dma_start3A_43 : memref<8x128xf32, #tpu.memory_space<hbm>>) target_semaphore(%run_scoped3A : memref<!tpu.dma_semaphore, #tpu.memory_space<semaphore_mem>>)
        %dma_wait3A = arith.constant 0 : i32
        %dma_wait3A_46 = tpu.memref_slice %arg4[%arg0, %mul3A_2, %dma_wait3A] : memref<2x80x128xf32, #tpu.memory_space<hbm>> -> memref<1x8x128xf32, #tpu.memory_space<hbm>>
        %dma_wait3A_47 = tpu.memref_squeeze %dma_wait3A_46 : memref<1x8x128xf32, #tpu.memory_space<hbm>> -> memref<8x128xf32, #tpu.memory_space<hbm>>
        %dma_wait3A_48 = arith.constant 0 : i32
        %dma_wait3A_49 = tpu.memref_slice %arg7[%mul3A_2, %dma_wait3A_48] : memref<80x128xf32, #tpu.memory_space<vmem_shared>> -> memref<8x128xf32, #tpu.memory_space<vmem_shared>>
        tpu.wait_dma2 semaphore(%run_scoped3A : memref<!tpu.dma_semaphore, #tpu.memory_space<semaphore_mem>>) src(%dma_wait3A_49 : memref<8x128xf32, #tpu.memory_space<vmem_shared>>) dst(%dma_wait3A_47 : memref<8x128xf32, #tpu.memory_space<hbm>>)
        tpu.yield
      }) : () -> ()
    } else {
    }
    return
  }
}

#map = affine_map<(d0, d1) -> (0, 0)>
#map1 = affine_map<(d0, d1) -> (0, 0, 0, 0)>
#map2 = affine_map<(d0, d1) -> (0, 0, 0)>
module attributes {stable_mosaic.version = 14 : i64} {
  func.func @k(%arg0: i32, %arg1: i32, %arg2: memref<10240x128xf32, #tpu.memory_space<hbm>>, %arg3: memref<32x80x2x128xi32, #tpu.memory_space<hbm>>, %arg4: memref<2x10240x128xf32, #tpu.memory_space<hbm>>, %arg5: memref<2x2x2x128xi32, #tpu.memory_space<vmem>>, %arg6: memref<2x128x128xf32, #tpu.memory_space<vmem>>, %arg7: memref<10240x128xf32, #tpu.memory_space<vmem_shared>>, %arg8: memref<!tpu.dma_semaphore, #tpu.memory_space<semaphore_mem>>, %arg9: memref<!tpu.dma_semaphore, #tpu.memory_space<semaphore_mem>>, %arg10: memref<!tpu.dma_semaphore, #tpu.memory_space<semaphore_mem>>) attributes {dimension_semantics = [#tpu.dimension_semantics<core_parallel>, #tpu.dimension_semantics<subcore_parallel>], iteration_bounds = array<i64: 2, 16>, scalar_prefetch = 0 : i64, scratch_operands = 6 : i64, tpu.core_type = #tpu.core_type<sc_vector_subcore>, window_params = [{transform_indices = #map}, {transform_indices = #map1}, {transform_indices = #map2}]} {
    %mul3A = arith.constant 16 : i32
    %mul3A_0 = arith.muli %arg0, %mul3A : i32
    %add3A = arith.addi %mul3A_0, %arg1 : i32
    %mul3A_1 = arith.constant 640 : i32
    %mul3A_2 = arith.muli %arg1, %mul3A_1 : i32
    "tpu.region"() ({
      %run_scoped3A_35 = tpu.sem_alloc : memref<!tpu.dma_semaphore, #tpu.memory_space<semaphore_mem>>
      %dma_start3A_36 = arith.constant 0 : i32
      %dma_start3A_37 = tpu.memref_slice %arg7[%mul3A_2, %dma_start3A_36] : memref<10240x128xf32, #tpu.memory_space<vmem_shared>> -> memref<640x128xf32, #tpu.memory_space<vmem_shared>>
      %dma_start3A_38 = arith.constant 0 : i32
      %dma_start3A_39 = tpu.memref_slice %arg2[%mul3A_2, %dma_start3A_38] : memref<10240x128xf32, #tpu.memory_space<hbm>> -> memref<640x128xf32, #tpu.memory_space<hbm>>
      tpu.enqueue_dma source(%dma_start3A_39 : memref<640x128xf32, #tpu.memory_space<hbm>>) target(%dma_start3A_37 : memref<640x128xf32, #tpu.memory_space<vmem_shared>>) target_semaphore(%run_scoped3A_35 : memref<!tpu.dma_semaphore, #tpu.memory_space<semaphore_mem>>)
      %dma_wait3A_40 = arith.constant 0 : i32
      %dma_wait3A_41 = tpu.memref_slice %arg7[%mul3A_2, %dma_wait3A_40] : memref<10240x128xf32, #tpu.memory_space<vmem_shared>> -> memref<640x128xf32, #tpu.memory_space<vmem_shared>>
      %dma_wait3A_42 = arith.constant 0 : i32
      %dma_wait3A_43 = tpu.memref_slice %arg2[%mul3A_2, %dma_wait3A_42] : memref<10240x128xf32, #tpu.memory_space<hbm>> -> memref<640x128xf32, #tpu.memory_space<hbm>>
      tpu.wait_dma2 semaphore(%run_scoped3A_35 : memref<!tpu.dma_semaphore, #tpu.memory_space<semaphore_mem>>) src(%dma_wait3A_43 : memref<640x128xf32, #tpu.memory_space<hbm>>) dst(%dma_wait3A_41 : memref<640x128xf32, #tpu.memory_space<vmem_shared>>)
      tpu.yield
    }) : () -> ()
    %run_scoped3A = arith.constant 0 : i32
    "tpu.region"() ({
      %run_scoped3A_35 = tpu.sem_alloc : memref<!tpu.dma_semaphore, #tpu.memory_space<semaphore_mem>>
      %dma_start3A_36 = arith.constant 0 : i32
      %dma_start3A_37 = arith.constant 0 : i32
      %dma_start3A_38 = arith.constant 0 : i32
      %dma_start3A_39 = tpu.memref_slice %arg5[%run_scoped3A, %dma_start3A_36, %dma_start3A_37, %dma_start3A_38] : memref<2x2x2x128xi32, #tpu.memory_space<vmem>> -> memref<1x2x2x128xi32, #tpu.memory_space<vmem>>
      %dma_start3A_40 = tpu.memref_squeeze %dma_start3A_39 : memref<1x2x2x128xi32, #tpu.memory_space<vmem>> -> memref<2x2x128xi32, #tpu.memory_space<vmem>>
      %dma_start3A_41 = arith.constant 0 : i32
      %dma_start3A_42 = arith.constant 0 : i32
      %dma_start3A_43 = arith.constant 0 : i32
      %dma_start3A_44 = tpu.memref_slice %arg3[%add3A, %dma_start3A_41, %dma_start3A_42, %dma_start3A_43] : memref<32x80x2x128xi32, #tpu.memory_space<hbm>> -> memref<1x2x2x128xi32, #tpu.memory_space<hbm>>
      %dma_start3A_45 = tpu.memref_squeeze %dma_start3A_44 : memref<1x2x2x128xi32, #tpu.memory_space<hbm>> -> memref<2x2x128xi32, #tpu.memory_space<hbm>>
      %dma_start3A_46 = arith.constant 0 : i32
      %dma_start3A_47 = arith.constant 0 : i32
      %dma_start3A_48 = arith.constant 0 : i32
      %dma_start3A_49 = tpu.memref_slice %arg5[%run_scoped3A, %dma_start3A_46, %dma_start3A_47, %dma_start3A_48] : memref<2x2x2x128xi32, #tpu.memory_space<vmem>> -> memref<1x2x2x128xi32, #tpu.memory_space<vmem>>
      %dma_start3A_50 = tpu.memref_squeeze %dma_start3A_49 : memref<1x2x2x128xi32, #tpu.memory_space<vmem>> -> memref<2x2x128xi32, #tpu.memory_space<vmem>>
      %dma_start3A_51 = arith.constant 0 : i32
      %dma_start3A_52 = arith.constant 0 : i32
      %dma_start3A_53 = arith.constant 0 : i32
      %dma_start3A_54 = tpu.memref_slice %arg3[%add3A, %dma_start3A_51, %dma_start3A_52, %dma_start3A_53] : memref<32x80x2x128xi32, #tpu.memory_space<hbm>> -> memref<1x2x2x128xi32, #tpu.memory_space<hbm>>
      %dma_start3A_55 = tpu.memref_squeeze %dma_start3A_54 : memref<1x2x2x128xi32, #tpu.memory_space<hbm>> -> memref<2x2x128xi32, #tpu.memory_space<hbm>>
      tpu.enqueue_dma source(%dma_start3A_55 : memref<2x2x128xi32, #tpu.memory_space<hbm>>) target(%dma_start3A_50 : memref<2x2x128xi32, #tpu.memory_space<vmem>>) target_semaphore(%run_scoped3A_35 : memref<!tpu.dma_semaphore, #tpu.memory_space<semaphore_mem>>)
      %dma_wait3A_56 = arith.constant 0 : i32
      %dma_wait3A_57 = arith.constant 0 : i32
      %dma_wait3A_58 = arith.constant 0 : i32
      %dma_wait3A_59 = tpu.memref_slice %arg5[%run_scoped3A, %dma_wait3A_56, %dma_wait3A_57, %dma_wait3A_58] : memref<2x2x2x128xi32, #tpu.memory_space<vmem>> -> memref<1x2x2x128xi32, #tpu.memory_space<vmem>>
      %dma_wait3A_60 = tpu.memref_squeeze %dma_wait3A_59 : memref<1x2x2x128xi32, #tpu.memory_space<vmem>> -> memref<2x2x128xi32, #tpu.memory_space<vmem>>
      %dma_wait3A_61 = arith.constant 0 : i32
      %dma_wait3A_62 = arith.constant 0 : i32
      %dma_wait3A_63 = arith.constant 0 : i32
      %dma_wait3A_64 = tpu.memref_slice %arg3[%add3A, %dma_wait3A_61, %dma_wait3A_62, %dma_wait3A_63] : memref<32x80x2x128xi32, #tpu.memory_space<hbm>> -> memref<1x2x2x128xi32, #tpu.memory_space<hbm>>
      %dma_wait3A_65 = tpu.memref_squeeze %dma_wait3A_64 : memref<1x2x2x128xi32, #tpu.memory_space<hbm>> -> memref<2x2x128xi32, #tpu.memory_space<hbm>>
      %dma_wait3A_66 = arith.constant 0 : i32
      %dma_wait3A_67 = arith.constant 0 : i32
      %dma_wait3A_68 = arith.constant 0 : i32
      %dma_wait3A_69 = tpu.memref_slice %arg5[%run_scoped3A, %dma_wait3A_66, %dma_wait3A_67, %dma_wait3A_68] : memref<2x2x2x128xi32, #tpu.memory_space<vmem>> -> memref<1x2x2x128xi32, #tpu.memory_space<vmem>>
      %dma_wait3A_70 = tpu.memref_squeeze %dma_wait3A_69 : memref<1x2x2x128xi32, #tpu.memory_space<vmem>> -> memref<2x2x128xi32, #tpu.memory_space<vmem>>
      %dma_wait3A_71 = arith.constant 0 : i32
      %dma_wait3A_72 = arith.constant 0 : i32
      %dma_wait3A_73 = arith.constant 0 : i32
      %dma_wait3A_74 = tpu.memref_slice %arg3[%add3A, %dma_wait3A_71, %dma_wait3A_72, %dma_wait3A_73] : memref<32x80x2x128xi32, #tpu.memory_space<hbm>> -> memref<1x2x2x128xi32, #tpu.memory_space<hbm>>
      %dma_wait3A_75 = tpu.memref_squeeze %dma_wait3A_74 : memref<1x2x2x128xi32, #tpu.memory_space<hbm>> -> memref<2x2x128xi32, #tpu.memory_space<hbm>>
      tpu.wait_dma2 semaphore(%run_scoped3A_35 : memref<!tpu.dma_semaphore, #tpu.memory_space<semaphore_mem>>) src(%dma_wait3A_75 : memref<2x2x128xi32, #tpu.memory_space<hbm>>) dst(%dma_wait3A_70 : memref<2x2x128xi32, #tpu.memory_space<vmem>>)
      tpu.yield
    }) : () -> ()
    %barrier3A = arith.constant 0 : index
    tpu.barrier barrier_id(%barrier3A)
    %dma_start3A = arith.constant 0 : i32
    %dma_start3A_3 = arith.constant 0 : i32
    %dma_start3A_4 = arith.constant 0 : i32
    %dma_start3A_5 = arith.constant 0 : i32
    %dma_start3A_6 = arith.constant 0 : i32
    %dma_start3A_7 = arith.constant 0 : i32
    %dma_start3A_8 = tpu.memref_slice %arg6[%dma_start3A_5, %dma_start3A_6, %dma_start3A_7] : memref<2x128x128xf32, #tpu.memory_space<vmem>> -> memref<1x128x128xf32, #tpu.memory_space<vmem>>
    %dma_start3A_9 = tpu.memref_squeeze %dma_start3A_8 : memref<1x128x128xf32, #tpu.memory_space<vmem>> -> memref<128x128xf32, #tpu.memory_space<vmem>>
    %dma_start3A_10 = arith.constant 0 : i32
    %dma_start3A_11 = tpu.memref_slice %arg5[%dma_start3A, %dma_start3A_3, %dma_start3A_4, %dma_start3A_10] : memref<2x2x2x128xi32, #tpu.memory_space<vmem>> -> memref<1x1x1x128xi32, #tpu.memory_space<vmem>>
    %dma_start3A_12 = tpu.memref_squeeze %dma_start3A_11 : memref<1x1x1x128xi32, #tpu.memory_space<vmem>> -> memref<128xi32, #tpu.memory_space<vmem>>
    %dma_start3A_13 = arith.constant 0 : i32
    %dma_start3A_14 = arith.constant 0 : i32
    %dma_start3A_15 = tpu.memref_slice %arg2[%dma_start3A_13, %dma_start3A_14] : memref<10240x128xf32, #tpu.memory_space<hbm>> -> memref<10240x128xf32, #tpu.memory_space<hbm>>
    tpu.enqueue_indirect_dma source(%dma_start3A_15 : memref<10240x128xf32, #tpu.memory_space<hbm>>) target(%dma_start3A_9 : memref<128x128xf32, #tpu.memory_space<vmem>>) offsets(%dma_start3A_12 : memref<128xi32, #tpu.memory_space<vmem>>) semaphore(%arg8 : memref<!tpu.dma_semaphore, #tpu.memory_space<semaphore_mem>>)
    %scan3A = arith.constant 0 : i32
    %scan3A_16 = arith.constant 0 : i32
    %scan3A_17 = arith.constant 20 : i32
    %scan3A_18 = arith.addi %scan3A_16, %scan3A_17 : i32
    %scan3A_19 = arith.constant 1 : i32
    scf.for %scan3A_35 = %scan3A_16 to %scan3A_18 step %scan3A_19  : i32 {
      %mul3A_36 = arith.constant 4 : i32
      %mul3A_37 = arith.muli %mul3A_36, %scan3A_35 : i32
      %dma_wait3A_38 = arith.constant 0 : i32
      %dma_wait3A_39 = arith.constant 0 : i32
      %dma_wait3A_40 = arith.constant 0 : i32
      %dma_wait3A_41 = arith.constant 0 : i32
      %dma_wait3A_42 = arith.constant 0 : i32
      %dma_wait3A_43 = arith.constant 0 : i32
      %dma_wait3A_44 = tpu.memref_slice %arg6[%dma_wait3A_41, %dma_wait3A_42, %dma_wait3A_43] : memref<2x128x128xf32, #tpu.memory_space<vmem>> -> memref<1x128x128xf32, #tpu.memory_space<vmem>>
      %dma_wait3A_45 = tpu.memref_squeeze %dma_wait3A_44 : memref<1x128x128xf32, #tpu.memory_space<vmem>> -> memref<128x128xf32, #tpu.memory_space<vmem>>
      %dma_wait3A_46 = arith.constant 0 : i32
      %dma_wait3A_47 = tpu.memref_slice %arg5[%dma_wait3A_38, %dma_wait3A_39, %dma_wait3A_40, %dma_wait3A_46] : memref<2x2x2x128xi32, #tpu.memory_space<vmem>> -> memref<1x1x1x128xi32, #tpu.memory_space<vmem>>
      %dma_wait3A_48 = tpu.memref_squeeze %dma_wait3A_47 : memref<1x1x1x128xi32, #tpu.memory_space<vmem>> -> memref<128xi32, #tpu.memory_space<vmem>>
      %dma_wait3A_49 = arith.constant 0 : i32
      %dma_wait3A_50 = arith.constant 0 : i32
      %dma_wait3A_51 = tpu.memref_slice %arg2[%dma_wait3A_49, %dma_wait3A_50] : memref<10240x128xf32, #tpu.memory_space<hbm>> -> memref<10240x128xf32, #tpu.memory_space<hbm>>
      tpu.wait_indirect_dma semaphore(%arg8 : memref<!tpu.dma_semaphore, #tpu.memory_space<semaphore_mem>>) src(%dma_wait3A_51 : memref<10240x128xf32, #tpu.memory_space<hbm>>) dst(%dma_wait3A_45 : memref<128x128xf32, #tpu.memory_space<vmem>>)
      %dma_start3A_52 = arith.constant 0 : i32
      %dma_start3A_53 = arith.constant 0 : i32
      %dma_start3A_54 = arith.constant 0 : i32
      %dma_start3A_55 = arith.constant 1 : i32
      %dma_start3A_56 = arith.constant 0 : i32
      %dma_start3A_57 = arith.constant 0 : i32
      %dma_start3A_58 = tpu.memref_slice %arg6[%dma_start3A_52, %dma_start3A_56, %dma_start3A_57] : memref<2x128x128xf32, #tpu.memory_space<vmem>> -> memref<1x128x128xf32, #tpu.memory_space<vmem>>
      %dma_start3A_59 = tpu.memref_squeeze %dma_start3A_58 : memref<1x128x128xf32, #tpu.memory_space<vmem>> -> memref<128x128xf32, #tpu.memory_space<vmem>>
      %dma_start3A_60 = arith.constant 0 : i32
      %dma_start3A_61 = tpu.memref_slice %arg5[%dma_start3A_53, %dma_start3A_54, %dma_start3A_55, %dma_start3A_60] : memref<2x2x2x128xi32, #tpu.memory_space<vmem>> -> memref<1x1x1x128xi32, #tpu.memory_space<vmem>>
      %dma_start3A_62 = tpu.memref_squeeze %dma_start3A_61 : memref<1x1x1x128xi32, #tpu.memory_space<vmem>> -> memref<128xi32, #tpu.memory_space<vmem>>
      %dma_start3A_63 = arith.constant 0 : i32
      %dma_start3A_64 = arith.constant 0 : i32
      %dma_start3A_65 = tpu.memref_slice %arg7[%dma_start3A_63, %dma_start3A_64] : memref<10240x128xf32, #tpu.memory_space<vmem_shared>> -> memref<10240x128xf32, #tpu.memory_space<vmem_shared>>
      tpu.enqueue_indirect_dma source(%dma_start3A_59 : memref<128x128xf32, #tpu.memory_space<vmem>>) target(%dma_start3A_65 : memref<10240x128xf32, #tpu.memory_space<vmem_shared>>) offsets(%dma_start3A_62 : memref<128xi32, #tpu.memory_space<vmem>>) semaphore(%arg8 : memref<!tpu.dma_semaphore, #tpu.memory_space<semaphore_mem>>) {add = true}
      %gt3A = arith.constant 0 : i32
      %gt3A_66 = arith.cmpi sgt, %scan3A_35, %gt3A : i32
      %convert_element_type3A = arith.extui %gt3A_66 : i1 to i32
      %cond3A = arith.constant 0 : i32
      %cond3A_67 = arith.cmpi ne, %convert_element_type3A, %cond3A : i32
      scf.if %cond3A_67 {
        %dma_wait3A_291 = arith.constant 1 : i32
        %dma_wait3A_292 = arith.constant 1 : i32
        %dma_wait3A_293 = arith.constant 1 : i32
        %dma_wait3A_294 = arith.constant 1 : i32
        %dma_wait3A_295 = arith.constant 0 : i32
        %dma_wait3A_296 = arith.constant 0 : i32
        %dma_wait3A_297 = tpu.memref_slice %arg6[%dma_wait3A_291, %dma_wait3A_295, %dma_wait3A_296] : memref<2x128x128xf32, #tpu.memory_space<vmem>> -> memref<1x128x128xf32, #tpu.memory_space<vmem>>
        %dma_wait3A_298 = tpu.memref_squeeze %dma_wait3A_297 : memref<1x128x128xf32, #tpu.memory_space<vmem>> -> memref<128x128xf32, #tpu.memory_space<vmem>>
        %dma_wait3A_299 = arith.constant 0 : i32
        %dma_wait3A_300 = tpu.memref_slice %arg5[%dma_wait3A_292, %dma_wait3A_293, %dma_wait3A_294, %dma_wait3A_299] : memref<2x2x2x128xi32, #tpu.memory_space<vmem>> -> memref<1x1x1x128xi32, #tpu.memory_space<vmem>>
        %dma_wait3A_301 = tpu.memref_squeeze %dma_wait3A_300 : memref<1x1x1x128xi32, #tpu.memory_space<vmem>> -> memref<128xi32, #tpu.memory_space<vmem>>
        %dma_wait3A_302 = arith.constant 0 : i32
        %dma_wait3A_303 = arith.constant 0 : i32
        %dma_wait3A_304 = tpu.memref_slice %arg7[%dma_wait3A_302, %dma_wait3A_303] : memref<10240x128xf32, #tpu.memory_space<vmem_shared>> -> memref<10240x128xf32, #tpu.memory_space<vmem_shared>>
        tpu.wait_indirect_dma semaphore(%arg9 : memref<!tpu.dma_semaphore, #tpu.memory_space<semaphore_mem>>) src(%dma_wait3A_298 : memref<128x128xf32, #tpu.memory_space<vmem>>) dst(%dma_wait3A_304 : memref<10240x128xf32, #tpu.memory_space<vmem_shared>>)
      } else {
      }
      %add3A_68 = arith.constant 2 : i32
      %add3A_69 = arith.addi %mul3A_37, %add3A_68 : i32
      %dma_start3A_70 = arith.constant 1 : i32
      %dma_start3A_71 = arith.constant 0 : i32
      %dma_start3A_72 = arith.constant 0 : i32
      %dma_start3A_73 = arith.constant 0 : i32
      %dma_start3A_74 = tpu.memref_slice %arg5[%dma_start3A_70, %dma_start3A_71, %dma_start3A_72, %dma_start3A_73] : memref<2x2x2x128xi32, #tpu.memory_space<vmem>> -> memref<1x2x2x128xi32, #tpu.memory_space<vmem>>
      %dma_start3A_75 = tpu.memref_squeeze %dma_start3A_74 : memref<1x2x2x128xi32, #tpu.memory_space<vmem>> -> memref<2x2x128xi32, #tpu.memory_space<vmem>>
      %dma_start3A_76 = arith.constant 0 : i32
      %dma_start3A_77 = arith.constant 0 : i32
      %dma_start3A_78 = tpu.memref_slice %arg3[%add3A, %add3A_69, %dma_start3A_76, %dma_start3A_77] : memref<32x80x2x128xi32, #tpu.memory_space<hbm>> -> memref<1x2x2x128xi32, #tpu.memory_space<hbm>>
      %dma_start3A_79 = tpu.memref_squeeze %dma_start3A_78 : memref<1x2x2x128xi32, #tpu.memory_space<hbm>> -> memref<2x2x128xi32, #tpu.memory_space<hbm>>
      %dma_start3A_80 = arith.constant 0 : i32
      %dma_start3A_81 = arith.constant 0 : i32
      %dma_start3A_82 = arith.constant 0 : i32
      %dma_start3A_83 = tpu.memref_slice %arg5[%dma_start3A_70, %dma_start3A_80, %dma_start3A_81, %dma_start3A_82] : memref<2x2x2x128xi32, #tpu.memory_space<vmem>> -> memref<1x2x2x128xi32, #tpu.memory_space<vmem>>
      %dma_start3A_84 = tpu.memref_squeeze %dma_start3A_83 : memref<1x2x2x128xi32, #tpu.memory_space<vmem>> -> memref<2x2x128xi32, #tpu.memory_space<vmem>>
      %dma_start3A_85 = arith.constant 0 : i32
      %dma_start3A_86 = arith.constant 0 : i32
      %dma_start3A_87 = tpu.memref_slice %arg3[%add3A, %add3A_69, %dma_start3A_85, %dma_start3A_86] : memref<32x80x2x128xi32, #tpu.memory_space<hbm>> -> memref<1x2x2x128xi32, #tpu.memory_space<hbm>>
      %dma_start3A_88 = tpu.memref_squeeze %dma_start3A_87 : memref<1x2x2x128xi32, #tpu.memory_space<hbm>> -> memref<2x2x128xi32, #tpu.memory_space<hbm>>
      tpu.enqueue_dma source(%dma_start3A_88 : memref<2x2x128xi32, #tpu.memory_space<hbm>>) target(%dma_start3A_84 : memref<2x2x128xi32, #tpu.memory_space<vmem>>) target_semaphore(%arg10 : memref<!tpu.dma_semaphore, #tpu.memory_space<semaphore_mem>>)
      %dma_start3A_89 = arith.constant 0 : i32
      %dma_start3A_90 = arith.constant 1 : i32
      %dma_start3A_91 = arith.constant 0 : i32
      %dma_start3A_92 = arith.constant 1 : i32
      %dma_start3A_93 = arith.constant 0 : i32
      %dma_start3A_94 = arith.constant 0 : i32
      %dma_start3A_95 = tpu.memref_slice %arg6[%dma_start3A_92, %dma_start3A_93, %dma_start3A_94] : memref<2x128x128xf32, #tpu.memory_space<vmem>> -> memref<1x128x128xf32, #tpu.memory_space<vmem>>
      %dma_start3A_96 = tpu.memref_squeeze %dma_start3A_95 : memref<1x128x128xf32, #tpu.memory_space<vmem>> -> memref<128x128xf32, #tpu.memory_space<vmem>>
      %dma_start3A_97 = arith.constant 0 : i32
      %dma_start3A_98 = tpu.memref_slice %arg5[%dma_start3A_89, %dma_start3A_90, %dma_start3A_91, %dma_start3A_97] : memref<2x2x2x128xi32, #tpu.memory_space<vmem>> -> memref<1x1x1x128xi32, #tpu.memory_space<vmem>>
      %dma_start3A_99 = tpu.memref_squeeze %dma_start3A_98 : memref<1x1x1x128xi32, #tpu.memory_space<vmem>> -> memref<128xi32, #tpu.memory_space<vmem>>
      %dma_start3A_100 = arith.constant 0 : i32
      %dma_start3A_101 = arith.constant 0 : i32
      %dma_start3A_102 = tpu.memref_slice %arg2[%dma_start3A_100, %dma_start3A_101] : memref<10240x128xf32, #tpu.memory_space<hbm>> -> memref<10240x128xf32, #tpu.memory_space<hbm>>
      tpu.enqueue_indirect_dma source(%dma_start3A_102 : memref<10240x128xf32, #tpu.memory_space<hbm>>) target(%dma_start3A_96 : memref<128x128xf32, #tpu.memory_space<vmem>>) offsets(%dma_start3A_99 : memref<128xi32, #tpu.memory_space<vmem>>) semaphore(%arg9 : memref<!tpu.dma_semaphore, #tpu.memory_space<semaphore_mem>>)
      %dma_wait3A_103 = arith.constant 0 : i32
      %dma_wait3A_104 = arith.constant 1 : i32
      %dma_wait3A_105 = arith.constant 0 : i32
      %dma_wait3A_106 = arith.constant 1 : i32
      %dma_wait3A_107 = arith.constant 0 : i32
      %dma_wait3A_108 = arith.constant 0 : i32
      %dma_wait3A_109 = tpu.memref_slice %arg6[%dma_wait3A_106, %dma_wait3A_107, %dma_wait3A_108] : memref<2x128x128xf32, #tpu.memory_space<vmem>> -> memref<1x128x128xf32, #tpu.memory_space<vmem>>
      %dma_wait3A_110 = tpu.memref_squeeze %dma_wait3A_109 : memref<1x128x128xf32, #tpu.memory_space<vmem>> -> memref<128x128xf32, #tpu.memory_space<vmem>>
      %dma_wait3A_111 = arith.constant 0 : i32
      %dma_wait3A_112 = tpu.memref_slice %arg5[%dma_wait3A_103, %dma_wait3A_104, %dma_wait3A_105, %dma_wait3A_111] : memref<2x2x2x128xi32, #tpu.memory_space<vmem>> -> memref<1x1x1x128xi32, #tpu.memory_space<vmem>>
      %dma_wait3A_113 = tpu.memref_squeeze %dma_wait3A_112 : memref<1x1x1x128xi32, #tpu.memory_space<vmem>> -> memref<128xi32, #tpu.memory_space<vmem>>
      %dma_wait3A_114 = arith.constant 0 : i32
      %dma_wait3A_115 = arith.constant 0 : i32
      %dma_wait3A_116 = tpu.memref_slice %arg2[%dma_wait3A_114, %dma_wait3A_115] : memref<10240x128xf32, #tpu.memory_space<hbm>> -> memref<10240x128xf32, #tpu.memory_space<hbm>>
      tpu.wait_indirect_dma semaphore(%arg9 : memref<!tpu.dma_semaphore, #tpu.memory_space<semaphore_mem>>) src(%dma_wait3A_116 : memref<10240x128xf32, #tpu.memory_space<hbm>>) dst(%dma_wait3A_110 : memref<128x128xf32, #tpu.memory_space<vmem>>)
      %dma_start3A_117 = arith.constant 1 : i32
      %dma_start3A_118 = arith.constant 0 : i32
      %dma_start3A_119 = arith.constant 1 : i32
      %dma_start3A_120 = arith.constant 1 : i32
      %dma_start3A_121 = arith.constant 0 : i32
      %dma_start3A_122 = arith.constant 0 : i32
      %dma_start3A_123 = tpu.memref_slice %arg6[%dma_start3A_117, %dma_start3A_121, %dma_start3A_122] : memref<2x128x128xf32, #tpu.memory_space<vmem>> -> memref<1x128x128xf32, #tpu.memory_space<vmem>>
      %dma_start3A_124 = tpu.memref_squeeze %dma_start3A_123 : memref<1x128x128xf32, #tpu.memory_space<vmem>> -> memref<128x128xf32, #tpu.memory_space<vmem>>
      %dma_start3A_125 = arith.constant 0 : i32
      %dma_start3A_126 = tpu.memref_slice %arg5[%dma_start3A_118, %dma_start3A_119, %dma_start3A_120, %dma_start3A_125] : memref<2x2x2x128xi32, #tpu.memory_space<vmem>> -> memref<1x1x1x128xi32, #tpu.memory_space<vmem>>
      %dma_start3A_127 = tpu.memref_squeeze %dma_start3A_126 : memref<1x1x1x128xi32, #tpu.memory_space<vmem>> -> memref<128xi32, #tpu.memory_space<vmem>>
      %dma_start3A_128 = arith.constant 0 : i32
      %dma_start3A_129 = arith.constant 0 : i32
      %dma_start3A_130 = tpu.memref_slice %arg7[%dma_start3A_128, %dma_start3A_129] : memref<10240x128xf32, #tpu.memory_space<vmem_shared>> -> memref<10240x128xf32, #tpu.memory_space<vmem_shared>>
      tpu.enqueue_indirect_dma source(%dma_start3A_124 : memref<128x128xf32, #tpu.memory_space<vmem>>) target(%dma_start3A_130 : memref<10240x128xf32, #tpu.memory_space<vmem_shared>>) offsets(%dma_start3A_127 : memref<128xi32, #tpu.memory_space<vmem>>) semaphore(%arg9 : memref<!tpu.dma_semaphore, #tpu.memory_space<semaphore_mem>>) {add = true}
      %dma_wait3A_131 = arith.constant 0 : i32
      %dma_wait3A_132 = arith.constant 0 : i32
      %dma_wait3A_133 = arith.constant 0 : i32
      %dma_wait3A_134 = arith.constant 1 : i32
      %dma_wait3A_135 = arith.constant 0 : i32
      %dma_wait3A_136 = arith.constant 0 : i32
      %dma_wait3A_137 = tpu.memref_slice %arg6[%dma_wait3A_131, %dma_wait3A_135, %dma_wait3A_136] : memref<2x128x128xf32, #tpu.memory_space<vmem>> -> memref<1x128x128xf32, #tpu.memory_space<vmem>>
      %dma_wait3A_138 = tpu.memref_squeeze %dma_wait3A_137 : memref<1x128x128xf32, #tpu.memory_space<vmem>> -> memref<128x128xf32, #tpu.memory_space<vmem>>
      %dma_wait3A_139 = arith.constant 0 : i32
      %dma_wait3A_140 = tpu.memref_slice %arg5[%dma_wait3A_132, %dma_wait3A_133, %dma_wait3A_134, %dma_wait3A_139] : memref<2x2x2x128xi32, #tpu.memory_space<vmem>> -> memref<1x1x1x128xi32, #tpu.memory_space<vmem>>
      %dma_wait3A_141 = tpu.memref_squeeze %dma_wait3A_140 : memref<1x1x1x128xi32, #tpu.memory_space<vmem>> -> memref<128xi32, #tpu.memory_space<vmem>>
      %dma_wait3A_142 = arith.constant 0 : i32
      %dma_wait3A_143 = arith.constant 0 : i32
      %dma_wait3A_144 = tpu.memref_slice %arg7[%dma_wait3A_142, %dma_wait3A_143] : memref<10240x128xf32, #tpu.memory_space<vmem_shared>> -> memref<10240x128xf32, #tpu.memory_space<vmem_shared>>
      tpu.wait_indirect_dma semaphore(%arg8 : memref<!tpu.dma_semaphore, #tpu.memory_space<semaphore_mem>>) src(%dma_wait3A_138 : memref<128x128xf32, #tpu.memory_space<vmem>>) dst(%dma_wait3A_144 : memref<10240x128xf32, #tpu.memory_space<vmem_shared>>)
      %add3A_145 = arith.constant 2 : i32
      %add3A_146 = arith.addi %mul3A_37, %add3A_145 : i32
      %dma_wait3A_147 = arith.constant 1 : i32
      %dma_wait3A_148 = arith.constant 0 : i32
      %dma_wait3A_149 = arith.constant 0 : i32
      %dma_wait3A_150 = arith.constant 0 : i32
      %dma_wait3A_151 = tpu.memref_slice %arg5[%dma_wait3A_147, %dma_wait3A_148, %dma_wait3A_149, %dma_wait3A_150] : memref<2x2x2x128xi32, #tpu.memory_space<vmem>> -> memref<1x2x2x128xi32, #tpu.memory_space<vmem>>
      %dma_wait3A_152 = tpu.memref_squeeze %dma_wait3A_151 : memref<1x2x2x128xi32, #tpu.memory_space<vmem>> -> memref<2x2x128xi32, #tpu.memory_space<vmem>>
      %dma_wait3A_153 = arith.constant 0 : i32
      %dma_wait3A_154 = arith.constant 0 : i32
      %dma_wait3A_155 = tpu.memref_slice %arg3[%add3A, %add3A_146, %dma_wait3A_153, %dma_wait3A_154] : memref<32x80x2x128xi32, #tpu.memory_space<hbm>> -> memref<1x2x2x128xi32, #tpu.memory_space<hbm>>
      %dma_wait3A_156 = tpu.memref_squeeze %dma_wait3A_155 : memref<1x2x2x128xi32, #tpu.memory_space<hbm>> -> memref<2x2x128xi32, #tpu.memory_space<hbm>>
      %dma_wait3A_157 = arith.constant 0 : i32
      %dma_wait3A_158 = arith.constant 0 : i32
      %dma_wait3A_159 = arith.constant 0 : i32
      %dma_wait3A_160 = tpu.memref_slice %arg5[%dma_wait3A_147, %dma_wait3A_157, %dma_wait3A_158, %dma_wait3A_159] : memref<2x2x2x128xi32, #tpu.memory_space<vmem>> -> memref<1x2x2x128xi32, #tpu.memory_space<vmem>>
      %dma_wait3A_161 = tpu.memref_squeeze %dma_wait3A_160 : memref<1x2x2x128xi32, #tpu.memory_space<vmem>> -> memref<2x2x128xi32, #tpu.memory_space<vmem>>
      %dma_wait3A_162 = arith.constant 0 : i32
      %dma_wait3A_163 = arith.constant 0 : i32
      %dma_wait3A_164 = tpu.memref_slice %arg3[%add3A, %add3A_146, %dma_wait3A_162, %dma_wait3A_163] : memref<32x80x2x128xi32, #tpu.memory_space<hbm>> -> memref<1x2x2x128xi32, #tpu.memory_space<hbm>>
      %dma_wait3A_165 = tpu.memref_squeeze %dma_wait3A_164 : memref<1x2x2x128xi32, #tpu.memory_space<hbm>> -> memref<2x2x128xi32, #tpu.memory_space<hbm>>
      tpu.wait_dma2 semaphore(%arg10 : memref<!tpu.dma_semaphore, #tpu.memory_space<semaphore_mem>>) src(%dma_wait3A_165 : memref<2x2x128xi32, #tpu.memory_space<hbm>>) dst(%dma_wait3A_161 : memref<2x2x128xi32, #tpu.memory_space<vmem>>)
      %dma_start3A_166 = arith.constant 1 : i32
      %dma_start3A_167 = arith.constant 0 : i32
      %dma_start3A_168 = arith.constant 0 : i32
      %dma_start3A_169 = arith.constant 0 : i32
      %dma_start3A_170 = arith.constant 0 : i32
      %dma_start3A_171 = arith.constant 0 : i32
      %dma_start3A_172 = tpu.memref_slice %arg6[%dma_start3A_169, %dma_start3A_170, %dma_start3A_171] : memref<2x128x128xf32, #tpu.memory_space<vmem>> -> memref<1x128x128xf32, #tpu.memory_space<vmem>>
      %dma_start3A_173 = tpu.memref_squeeze %dma_start3A_172 : memref<1x128x128xf32, #tpu.memory_space<vmem>> -> memref<128x128xf32, #tpu.memory_space<vmem>>
      %dma_start3A_174 = arith.constant 0 : i32
      %dma_start3A_175 = tpu.memref_slice %arg5[%dma_start3A_166, %dma_start3A_167, %dma_start3A_168, %dma_start3A_174] : memref<2x2x2x128xi32, #tpu.memory_space<vmem>> -> memref<1x1x1x128xi32, #tpu.memory_space<vmem>>
      %dma_start3A_176 = tpu.memref_squeeze %dma_start3A_175 : memref<1x1x1x128xi32, #tpu.memory_space<vmem>> -> memref<128xi32, #tpu.memory_space<vmem>>
      %dma_start3A_177 = arith.constant 0 : i32
      %dma_start3A_178 = arith.constant 0 : i32
      %dma_start3A_179 = tpu.memref_slice %arg2[%dma_start3A_177, %dma_start3A_178] : memref<10240x128xf32, #tpu.memory_space<hbm>> -> memref<10240x128xf32, #tpu.memory_space<hbm>>
      tpu.enqueue_indirect_dma source(%dma_start3A_179 : memref<10240x128xf32, #tpu.memory_space<hbm>>) target(%dma_start3A_173 : memref<128x128xf32, #tpu.memory_space<vmem>>) offsets(%dma_start3A_176 : memref<128xi32, #tpu.memory_space<vmem>>) semaphore(%arg8 : memref<!tpu.dma_semaphore, #tpu.memory_space<semaphore_mem>>)
      %dma_wait3A_180 = arith.constant 1 : i32
      %dma_wait3A_181 = arith.constant 0 : i32
      %dma_wait3A_182 = arith.constant 0 : i32
      %dma_wait3A_183 = arith.constant 0 : i32
      %dma_wait3A_184 = arith.constant 0 : i32
      %dma_wait3A_185 = arith.constant 0 : i32
      %dma_wait3A_186 = tpu.memref_slice %arg6[%dma_wait3A_183, %dma_wait3A_184, %dma_wait3A_185] : memref<2x128x128xf32, #tpu.memory_space<vmem>> -> memref<1x128x128xf32, #tpu.memory_space<vmem>>
      %dma_wait3A_187 = tpu.memref_squeeze %dma_wait3A_186 : memref<1x128x128xf32, #tpu.memory_space<vmem>> -> memref<128x128xf32, #tpu.memory_space<vmem>>
      %dma_wait3A_188 = arith.constant 0 : i32
      %dma_wait3A_189 = tpu.memref_slice %arg5[%dma_wait3A_180, %dma_wait3A_181, %dma_wait3A_182, %dma_wait3A_188] : memref<2x2x2x128xi32, #tpu.memory_space<vmem>> -> memref<1x1x1x128xi32, #tpu.memory_space<vmem>>
      %dma_wait3A_190 = tpu.memref_squeeze %dma_wait3A_189 : memref<1x1x1x128xi32, #tpu.memory_space<vmem>> -> memref<128xi32, #tpu.memory_space<vmem>>
      %dma_wait3A_191 = arith.constant 0 : i32
      %dma_wait3A_192 = arith.constant 0 : i32
      %dma_wait3A_193 = tpu.memref_slice %arg2[%dma_wait3A_191, %dma_wait3A_192] : memref<10240x128xf32, #tpu.memory_space<hbm>> -> memref<10240x128xf32, #tpu.memory_space<hbm>>
      tpu.wait_indirect_dma semaphore(%arg8 : memref<!tpu.dma_semaphore, #tpu.memory_space<semaphore_mem>>) src(%dma_wait3A_193 : memref<10240x128xf32, #tpu.memory_space<hbm>>) dst(%dma_wait3A_187 : memref<128x128xf32, #tpu.memory_space<vmem>>)
      %dma_start3A_194 = arith.constant 0 : i32
      %dma_start3A_195 = arith.constant 1 : i32
      %dma_start3A_196 = arith.constant 0 : i32
      %dma_start3A_197 = arith.constant 1 : i32
      %dma_start3A_198 = arith.constant 0 : i32
      %dma_start3A_199 = arith.constant 0 : i32
      %dma_start3A_200 = tpu.memref_slice %arg6[%dma_start3A_194, %dma_start3A_198, %dma_start3A_199] : memref<2x128x128xf32, #tpu.memory_space<vmem>> -> memref<1x128x128xf32, #tpu.memory_space<vmem>>
      %dma_start3A_201 = tpu.memref_squeeze %dma_start3A_200 : memref<1x128x128xf32, #tpu.memory_space<vmem>> -> memref<128x128xf32, #tpu.memory_space<vmem>>
      %dma_start3A_202 = arith.constant 0 : i32
      %dma_start3A_203 = tpu.memref_slice %arg5[%dma_start3A_195, %dma_start3A_196, %dma_start3A_197, %dma_start3A_202] : memref<2x2x2x128xi32, #tpu.memory_space<vmem>> -> memref<1x1x1x128xi32, #tpu.memory_space<vmem>>
      %dma_start3A_204 = tpu.memref_squeeze %dma_start3A_203 : memref<1x1x1x128xi32, #tpu.memory_space<vmem>> -> memref<128xi32, #tpu.memory_space<vmem>>
      %dma_start3A_205 = arith.constant 0 : i32
      %dma_start3A_206 = arith.constant 0 : i32
      %dma_start3A_207 = tpu.memref_slice %arg7[%dma_start3A_205, %dma_start3A_206] : memref<10240x128xf32, #tpu.memory_space<vmem_shared>> -> memref<10240x128xf32, #tpu.memory_space<vmem_shared>>
      tpu.enqueue_indirect_dma source(%dma_start3A_201 : memref<128x128xf32, #tpu.memory_space<vmem>>) target(%dma_start3A_207 : memref<10240x128xf32, #tpu.memory_space<vmem_shared>>) offsets(%dma_start3A_204 : memref<128xi32, #tpu.memory_space<vmem>>) semaphore(%arg8 : memref<!tpu.dma_semaphore, #tpu.memory_space<semaphore_mem>>) {add = true}
      %dma_wait3A_208 = arith.constant 1 : i32
      %dma_wait3A_209 = arith.constant 0 : i32
      %dma_wait3A_210 = arith.constant 1 : i32
      %dma_wait3A_211 = arith.constant 1 : i32
      %dma_wait3A_212 = arith.constant 0 : i32
      %dma_wait3A_213 = arith.constant 0 : i32
      %dma_wait3A_214 = tpu.memref_slice %arg6[%dma_wait3A_208, %dma_wait3A_212, %dma_wait3A_213] : memref<2x128x128xf32, #tpu.memory_space<vmem>> -> memref<1x128x128xf32, #tpu.memory_space<vmem>>
      %dma_wait3A_215 = tpu.memref_squeeze %dma_wait3A_214 : memref<1x128x128xf32, #tpu.memory_space<vmem>> -> memref<128x128xf32, #tpu.memory_space<vmem>>
      %dma_wait3A_216 = arith.constant 0 : i32
      %dma_wait3A_217 = tpu.memref_slice %arg5[%dma_wait3A_209, %dma_wait3A_210, %dma_wait3A_211, %dma_wait3A_216] : memref<2x2x2x128xi32, #tpu.memory_space<vmem>> -> memref<1x1x1x128xi32, #tpu.memory_space<vmem>>
      %dma_wait3A_218 = tpu.memref_squeeze %dma_wait3A_217 : memref<1x1x1x128xi32, #tpu.memory_space<vmem>> -> memref<128xi32, #tpu.memory_space<vmem>>
      %dma_wait3A_219 = arith.constant 0 : i32
      %dma_wait3A_220 = arith.constant 0 : i32
      %dma_wait3A_221 = tpu.memref_slice %arg7[%dma_wait3A_219, %dma_wait3A_220] : memref<10240x128xf32, #tpu.memory_space<vmem_shared>> -> memref<10240x128xf32, #tpu.memory_space<vmem_shared>>
      tpu.wait_indirect_dma semaphore(%arg9 : memref<!tpu.dma_semaphore, #tpu.memory_space<semaphore_mem>>) src(%dma_wait3A_215 : memref<128x128xf32, #tpu.memory_space<vmem>>) dst(%dma_wait3A_221 : memref<10240x128xf32, #tpu.memory_space<vmem_shared>>)
      %add3A_222 = arith.constant 1 : i32
      %add3A_223 = arith.addi %scan3A_35, %add3A_222 : i32
      %lt3A = arith.constant 20 : i32
      %lt3A_224 = arith.cmpi slt, %add3A_223, %lt3A : i32
      %convert_element_type3A_225 = arith.extui %lt3A_224 : i1 to i32
      %cond3A_226 = arith.constant 0 : i32
      %cond3A_227 = arith.cmpi ne, %convert_element_type3A_225, %cond3A_226 : i32
      scf.if %cond3A_227 {
        %add3A_291 = arith.constant 4 : i32
        %add3A_292 = arith.addi %mul3A_37, %add3A_291 : i32
        %dma_start3A_293 = arith.constant 0 : i32
        %dma_start3A_294 = arith.constant 0 : i32
        %dma_start3A_295 = arith.constant 0 : i32
        %dma_start3A_296 = arith.constant 0 : i32
        %dma_start3A_297 = tpu.memref_slice %arg5[%dma_start3A_293, %dma_start3A_294, %dma_start3A_295, %dma_start3A_296] : memref<2x2x2x128xi32, #tpu.memory_space<vmem>> -> memref<1x2x2x128xi32, #tpu.memory_space<vmem>>
        %dma_start3A_298 = tpu.memref_squeeze %dma_start3A_297 : memref<1x2x2x128xi32, #tpu.memory_space<vmem>> -> memref<2x2x128xi32, #tpu.memory_space<vmem>>
        %dma_start3A_299 = arith.constant 0 : i32
        %dma_start3A_300 = arith.constant 0 : i32
        %dma_start3A_301 = tpu.memref_slice %arg3[%add3A, %add3A_292, %dma_start3A_299, %dma_start3A_300] : memref<32x80x2x128xi32, #tpu.memory_space<hbm>> -> memref<1x2x2x128xi32, #tpu.memory_space<hbm>>
        %dma_start3A_302 = tpu.memref_squeeze %dma_start3A_301 : memref<1x2x2x128xi32, #tpu.memory_space<hbm>> -> memref<2x2x128xi32, #tpu.memory_space<hbm>>
        %dma_start3A_303 = arith.constant 0 : i32
        %dma_start3A_304 = arith.constant 0 : i32
        %dma_start3A_305 = arith.constant 0 : i32
        %dma_start3A_306 = tpu.memref_slice %arg5[%dma_start3A_293, %dma_start3A_303, %dma_start3A_304, %dma_start3A_305] : memref<2x2x2x128xi32, #tpu.memory_space<vmem>> -> memref<1x2x2x128xi32, #tpu.memory_space<vmem>>
        %dma_start3A_307 = tpu.memref_squeeze %dma_start3A_306 : memref<1x2x2x128xi32, #tpu.memory_space<vmem>> -> memref<2x2x128xi32, #tpu.memory_space<vmem>>
        %dma_start3A_308 = arith.constant 0 : i32
        %dma_start3A_309 = arith.constant 0 : i32
        %dma_start3A_310 = tpu.memref_slice %arg3[%add3A, %add3A_292, %dma_start3A_308, %dma_start3A_309] : memref<32x80x2x128xi32, #tpu.memory_space<hbm>> -> memref<1x2x2x128xi32, #tpu.memory_space<hbm>>
        %dma_start3A_311 = tpu.memref_squeeze %dma_start3A_310 : memref<1x2x2x128xi32, #tpu.memory_space<hbm>> -> memref<2x2x128xi32, #tpu.memory_space<hbm>>
        tpu.enqueue_dma source(%dma_start3A_311 : memref<2x2x128xi32, #tpu.memory_space<hbm>>) target(%dma_start3A_307 : memref<2x2x128xi32, #tpu.memory_space<vmem>>) target_semaphore(%arg10 : memref<!tpu.dma_semaphore, #tpu.memory_space<semaphore_mem>>)
      } else {
      }
      %dma_start3A_228 = arith.constant 1 : i32
      %dma_start3A_229 = arith.constant 1 : i32
      %dma_start3A_230 = arith.constant 0 : i32
      %dma_start3A_231 = arith.constant 1 : i32
      %dma_start3A_232 = arith.constant 0 : i32
      %dma_start3A_233 = arith.constant 0 : i32
      %dma_start3A_234 = tpu.memref_slice %arg6[%dma_start3A_231, %dma_start3A_232, %dma_start3A_233] : memref<2x128x128xf32, #tpu.memory_space<vmem>> -> memref<1x128x128xf32, #tpu.memory_space<vmem>>
      %dma_start3A_235 = tpu.memref_squeeze %dma_start3A_234 : memref<1x128x128xf32, #tpu.memory_space<vmem>> -> memref<128x128xf32, #tpu.memory_space<vmem>>
      %dma_start3A_236 = arith.constant 0 : i32
      %dma_start3A_237 = tpu.memref_slice %arg5[%dma_start3A_228, %dma_start3A_229, %dma_start3A_230, %dma_start3A_236] : memref<2x2x2x128xi32, #tpu.memory_space<vmem>> -> memref<1x1x1x128xi32, #tpu.memory_space<vmem>>
      %dma_start3A_238 = tpu.memref_squeeze %dma_start3A_237 : memref<1x1x1x128xi32, #tpu.memory_space<vmem>> -> memref<128xi32, #tpu.memory_space<vmem>>
      %dma_start3A_239 = arith.constant 0 : i32
      %dma_start3A_240 = arith.constant 0 : i32
      %dma_start3A_241 = tpu.memref_slice %arg2[%dma_start3A_239, %dma_start3A_240] : memref<10240x128xf32, #tpu.memory_space<hbm>> -> memref<10240x128xf32, #tpu.memory_space<hbm>>
      tpu.enqueue_indirect_dma source(%dma_start3A_241 : memref<10240x128xf32, #tpu.memory_space<hbm>>) target(%dma_start3A_235 : memref<128x128xf32, #tpu.memory_space<vmem>>) offsets(%dma_start3A_238 : memref<128xi32, #tpu.memory_space<vmem>>) semaphore(%arg9 : memref<!tpu.dma_semaphore, #tpu.memory_space<semaphore_mem>>)
      %dma_wait3A_242 = arith.constant 1 : i32
      %dma_wait3A_243 = arith.constant 1 : i32
      %dma_wait3A_244 = arith.constant 0 : i32
      %dma_wait3A_245 = arith.constant 1 : i32
      %dma_wait3A_246 = arith.constant 0 : i32
      %dma_wait3A_247 = arith.constant 0 : i32
      %dma_wait3A_248 = tpu.memref_slice %arg6[%dma_wait3A_245, %dma_wait3A_246, %dma_wait3A_247] : memref<2x128x128xf32, #tpu.memory_space<vmem>> -> memref<1x128x128xf32, #tpu.memory_space<vmem>>
      %dma_wait3A_249 = tpu.memref_squeeze %dma_wait3A_248 : memref<1x128x128xf32, #tpu.memory_space<vmem>> -> memref<128x128xf32, #tpu.memory_space<vmem>>
      %dma_wait3A_250 = arith.constant 0 : i32
      %dma_wait3A_251 = tpu.memref_slice %arg5[%dma_wait3A_242, %dma_wait3A_243, %dma_wait3A_244, %dma_wait3A_250] : memref<2x2x2x128xi32, #tpu.memory_space<vmem>> -> memref<1x1x1x128xi32, #tpu.memory_space<vmem>>
      %dma_wait3A_252 = tpu.memref_squeeze %dma_wait3A_251 : memref<1x1x1x128xi32, #tpu.memory_space<vmem>> -> memref<128xi32, #tpu.memory_space<vmem>>
      %dma_wait3A_253 = arith.constant 0 : i32
      %dma_wait3A_254 = arith.constant 0 : i32
      %dma_wait3A_255 = tpu.memref_slice %arg2[%dma_wait3A_253, %dma_wait3A_254] : memref<10240x128xf32, #tpu.memory_space<hbm>> -> memref<10240x128xf32, #tpu.memory_space<hbm>>
      tpu.wait_indirect_dma semaphore(%arg9 : memref<!tpu.dma_semaphore, #tpu.memory_space<semaphore_mem>>) src(%dma_wait3A_255 : memref<10240x128xf32, #tpu.memory_space<hbm>>) dst(%dma_wait3A_249 : memref<128x128xf32, #tpu.memory_space<vmem>>)
      %dma_start3A_256 = arith.constant 1 : i32
      %dma_start3A_257 = arith.constant 1 : i32
      %dma_start3A_258 = arith.constant 1 : i32
      %dma_start3A_259 = arith.constant 1 : i32
      %dma_start3A_260 = arith.constant 0 : i32
      %dma_start3A_261 = arith.constant 0 : i32
      %dma_start3A_262 = tpu.memref_slice %arg6[%dma_start3A_256, %dma_start3A_260, %dma_start3A_261] : memref<2x128x128xf32, #tpu.memory_space<vmem>> -> memref<1x128x128xf32, #tpu.memory_space<vmem>>
      %dma_start3A_263 = tpu.memref_squeeze %dma_start3A_262 : memref<1x128x128xf32, #tpu.memory_space<vmem>> -> memref<128x128xf32, #tpu.memory_space<vmem>>
      %dma_start3A_264 = arith.constant 0 : i32
      %dma_start3A_265 = tpu.memref_slice %arg5[%dma_start3A_257, %dma_start3A_258, %dma_start3A_259, %dma_start3A_264] : memref<2x2x2x128xi32, #tpu.memory_space<vmem>> -> memref<1x1x1x128xi32, #tpu.memory_space<vmem>>
      %dma_start3A_266 = tpu.memref_squeeze %dma_start3A_265 : memref<1x1x1x128xi32, #tpu.memory_space<vmem>> -> memref<128xi32, #tpu.memory_space<vmem>>
      %dma_start3A_267 = arith.constant 0 : i32
      %dma_start3A_268 = arith.constant 0 : i32
      %dma_start3A_269 = tpu.memref_slice %arg7[%dma_start3A_267, %dma_start3A_268] : memref<10240x128xf32, #tpu.memory_space<vmem_shared>> -> memref<10240x128xf32, #tpu.memory_space<vmem_shared>>
      tpu.enqueue_indirect_dma source(%dma_start3A_263 : memref<128x128xf32, #tpu.memory_space<vmem>>) target(%dma_start3A_269 : memref<10240x128xf32, #tpu.memory_space<vmem_shared>>) offsets(%dma_start3A_266 : memref<128xi32, #tpu.memory_space<vmem>>) semaphore(%arg9 : memref<!tpu.dma_semaphore, #tpu.memory_space<semaphore_mem>>) {add = true}
      %dma_wait3A_270 = arith.constant 0 : i32
      %dma_wait3A_271 = arith.constant 1 : i32
      %dma_wait3A_272 = arith.constant 0 : i32
      %dma_wait3A_273 = arith.constant 1 : i32
      %dma_wait3A_274 = arith.constant 0 : i32
      %dma_wait3A_275 = arith.constant 0 : i32
      %dma_wait3A_276 = tpu.memref_slice %arg6[%dma_wait3A_270, %dma_wait3A_274, %dma_wait3A_275] : memref<2x128x128xf32, #tpu.memory_space<vmem>> -> memref<1x128x128xf32, #tpu.memory_space<vmem>>
      %dma_wait3A_277 = tpu.memref_squeeze %dma_wait3A_276 : memref<1x128x128xf32, #tpu.memory_space<vmem>> -> memref<128x128xf32, #tpu.memory_space<vmem>>
      %dma_wait3A_278 = arith.constant 0 : i32
      %dma_wait3A_279 = tpu.memref_slice %arg5[%dma_wait3A_271, %dma_wait3A_272, %dma_wait3A_273, %dma_wait3A_278] : memref<2x2x2x128xi32, #tpu.memory_space<vmem>> -> memref<1x1x1x128xi32, #tpu.memory_space<vmem>>
      %dma_wait3A_280 = tpu.memref_squeeze %dma_wait3A_279 : memref<1x1x1x128xi32, #tpu.memory_space<vmem>> -> memref<128xi32, #tpu.memory_space<vmem>>
      %dma_wait3A_281 = arith.constant 0 : i32
      %dma_wait3A_282 = arith.constant 0 : i32
      %dma_wait3A_283 = tpu.memref_slice %arg7[%dma_wait3A_281, %dma_wait3A_282] : memref<10240x128xf32, #tpu.memory_space<vmem_shared>> -> memref<10240x128xf32, #tpu.memory_space<vmem_shared>>
      tpu.wait_indirect_dma semaphore(%arg8 : memref<!tpu.dma_semaphore, #tpu.memory_space<semaphore_mem>>) src(%dma_wait3A_277 : memref<128x128xf32, #tpu.memory_space<vmem>>) dst(%dma_wait3A_283 : memref<10240x128xf32, #tpu.memory_space<vmem_shared>>)
      %add3A_284 = arith.constant 1 : i32
      %add3A_285 = arith.addi %scan3A_35, %add3A_284 : i32
      %lt3A_286 = arith.constant 20 : i32
      %lt3A_287 = arith.cmpi slt, %add3A_285, %lt3A_286 : i32
      %convert_element_type3A_288 = arith.extui %lt3A_287 : i1 to i32
      %cond3A_289 = arith.constant 0 : i32
      %cond3A_290 = arith.cmpi ne, %convert_element_type3A_288, %cond3A_289 : i32
      scf.if %cond3A_290 {
        %add3A_291 = arith.constant 4 : i32
        %add3A_292 = arith.addi %mul3A_37, %add3A_291 : i32
        %dma_wait3A_293 = arith.constant 0 : i32
        %dma_wait3A_294 = arith.constant 0 : i32
        %dma_wait3A_295 = arith.constant 0 : i32
        %dma_wait3A_296 = arith.constant 0 : i32
        %dma_wait3A_297 = tpu.memref_slice %arg5[%dma_wait3A_293, %dma_wait3A_294, %dma_wait3A_295, %dma_wait3A_296] : memref<2x2x2x128xi32, #tpu.memory_space<vmem>> -> memref<1x2x2x128xi32, #tpu.memory_space<vmem>>
        %dma_wait3A_298 = tpu.memref_squeeze %dma_wait3A_297 : memref<1x2x2x128xi32, #tpu.memory_space<vmem>> -> memref<2x2x128xi32, #tpu.memory_space<vmem>>
        %dma_wait3A_299 = arith.constant 0 : i32
        %dma_wait3A_300 = arith.constant 0 : i32
        %dma_wait3A_301 = tpu.memref_slice %arg3[%add3A, %add3A_292, %dma_wait3A_299, %dma_wait3A_300] : memref<32x80x2x128xi32, #tpu.memory_space<hbm>> -> memref<1x2x2x128xi32, #tpu.memory_space<hbm>>
        %dma_wait3A_302 = tpu.memref_squeeze %dma_wait3A_301 : memref<1x2x2x128xi32, #tpu.memory_space<hbm>> -> memref<2x2x128xi32, #tpu.memory_space<hbm>>
        %dma_wait3A_303 = arith.constant 0 : i32
        %dma_wait3A_304 = arith.constant 0 : i32
        %dma_wait3A_305 = arith.constant 0 : i32
        %dma_wait3A_306 = tpu.memref_slice %arg5[%dma_wait3A_293, %dma_wait3A_303, %dma_wait3A_304, %dma_wait3A_305] : memref<2x2x2x128xi32, #tpu.memory_space<vmem>> -> memref<1x2x2x128xi32, #tpu.memory_space<vmem>>
        %dma_wait3A_307 = tpu.memref_squeeze %dma_wait3A_306 : memref<1x2x2x128xi32, #tpu.memory_space<vmem>> -> memref<2x2x128xi32, #tpu.memory_space<vmem>>
        %dma_wait3A_308 = arith.constant 0 : i32
        %dma_wait3A_309 = arith.constant 0 : i32
        %dma_wait3A_310 = tpu.memref_slice %arg3[%add3A, %add3A_292, %dma_wait3A_308, %dma_wait3A_309] : memref<32x80x2x128xi32, #tpu.memory_space<hbm>> -> memref<1x2x2x128xi32, #tpu.memory_space<hbm>>
        %dma_wait3A_311 = tpu.memref_squeeze %dma_wait3A_310 : memref<1x2x2x128xi32, #tpu.memory_space<hbm>> -> memref<2x2x128xi32, #tpu.memory_space<hbm>>
        tpu.wait_dma2 semaphore(%arg10 : memref<!tpu.dma_semaphore, #tpu.memory_space<semaphore_mem>>) src(%dma_wait3A_311 : memref<2x2x128xi32, #tpu.memory_space<hbm>>) dst(%dma_wait3A_307 : memref<2x2x128xi32, #tpu.memory_space<vmem>>)
        %dma_start3A_312 = arith.constant 0 : i32
        %dma_start3A_313 = arith.constant 0 : i32
        %dma_start3A_314 = arith.constant 0 : i32
        %dma_start3A_315 = arith.constant 0 : i32
        %dma_start3A_316 = arith.constant 0 : i32
        %dma_start3A_317 = arith.constant 0 : i32
        %dma_start3A_318 = tpu.memref_slice %arg6[%dma_start3A_315, %dma_start3A_316, %dma_start3A_317] : memref<2x128x128xf32, #tpu.memory_space<vmem>> -> memref<1x128x128xf32, #tpu.memory_space<vmem>>
        %dma_start3A_319 = tpu.memref_squeeze %dma_start3A_318 : memref<1x128x128xf32, #tpu.memory_space<vmem>> -> memref<128x128xf32, #tpu.memory_space<vmem>>
        %dma_start3A_320 = arith.constant 0 : i32
        %dma_start3A_321 = tpu.memref_slice %arg5[%dma_start3A_312, %dma_start3A_313, %dma_start3A_314, %dma_start3A_320] : memref<2x2x2x128xi32, #tpu.memory_space<vmem>> -> memref<1x1x1x128xi32, #tpu.memory_space<vmem>>
        %dma_start3A_322 = tpu.memref_squeeze %dma_start3A_321 : memref<1x1x1x128xi32, #tpu.memory_space<vmem>> -> memref<128xi32, #tpu.memory_space<vmem>>
        %dma_start3A_323 = arith.constant 0 : i32
        %dma_start3A_324 = arith.constant 0 : i32
        %dma_start3A_325 = tpu.memref_slice %arg2[%dma_start3A_323, %dma_start3A_324] : memref<10240x128xf32, #tpu.memory_space<hbm>> -> memref<10240x128xf32, #tpu.memory_space<hbm>>
        tpu.enqueue_indirect_dma source(%dma_start3A_325 : memref<10240x128xf32, #tpu.memory_space<hbm>>) target(%dma_start3A_319 : memref<128x128xf32, #tpu.memory_space<vmem>>) offsets(%dma_start3A_322 : memref<128xi32, #tpu.memory_space<vmem>>) semaphore(%arg8 : memref<!tpu.dma_semaphore, #tpu.memory_space<semaphore_mem>>)
      } else {
      }
    }
    %scan3A_20 = arith.constant 20 : i32
    %dma_wait3A = arith.constant 1 : i32
    %dma_wait3A_21 = arith.constant 1 : i32
    %dma_wait3A_22 = arith.constant 1 : i32
    %dma_wait3A_23 = arith.constant 1 : i32
    %dma_wait3A_24 = arith.constant 0 : i32
    %dma_wait3A_25 = arith.constant 0 : i32
    %dma_wait3A_26 = tpu.memref_slice %arg6[%dma_wait3A, %dma_wait3A_24, %dma_wait3A_25] : memref<2x128x128xf32, #tpu.memory_space<vmem>> -> memref<1x128x128xf32, #tpu.memory_space<vmem>>
    %dma_wait3A_27 = tpu.memref_squeeze %dma_wait3A_26 : memref<1x128x128xf32, #tpu.memory_space<vmem>> -> memref<128x128xf32, #tpu.memory_space<vmem>>
    %dma_wait3A_28 = arith.constant 0 : i32
    %dma_wait3A_29 = tpu.memref_slice %arg5[%dma_wait3A_21, %dma_wait3A_22, %dma_wait3A_23, %dma_wait3A_28] : memref<2x2x2x128xi32, #tpu.memory_space<vmem>> -> memref<1x1x1x128xi32, #tpu.memory_space<vmem>>
    %dma_wait3A_30 = tpu.memref_squeeze %dma_wait3A_29 : memref<1x1x1x128xi32, #tpu.memory_space<vmem>> -> memref<128xi32, #tpu.memory_space<vmem>>
    %dma_wait3A_31 = arith.constant 0 : i32
    %dma_wait3A_32 = arith.constant 0 : i32
    %dma_wait3A_33 = tpu.memref_slice %arg7[%dma_wait3A_31, %dma_wait3A_32] : memref<10240x128xf32, #tpu.memory_space<vmem_shared>> -> memref<10240x128xf32, #tpu.memory_space<vmem_shared>>
    tpu.wait_indirect_dma semaphore(%arg9 : memref<!tpu.dma_semaphore, #tpu.memory_space<semaphore_mem>>) src(%dma_wait3A_27 : memref<128x128xf32, #tpu.memory_space<vmem>>) dst(%dma_wait3A_33 : memref<10240x128xf32, #tpu.memory_space<vmem_shared>>)
    %barrier3A_34 = arith.constant 0 : index
    tpu.barrier barrier_id(%barrier3A_34)
    "tpu.region"() ({
      %run_scoped3A_35 = tpu.sem_alloc : memref<!tpu.dma_semaphore, #tpu.memory_space<semaphore_mem>>
      %dma_start3A_36 = arith.constant 0 : i32
      %dma_start3A_37 = tpu.memref_slice %arg4[%arg0, %mul3A_2, %dma_start3A_36] : memref<2x10240x128xf32, #tpu.memory_space<hbm>> -> memref<1x640x128xf32, #tpu.memory_space<hbm>>
      %dma_start3A_38 = tpu.memref_squeeze %dma_start3A_37 : memref<1x640x128xf32, #tpu.memory_space<hbm>> -> memref<640x128xf32, #tpu.memory_space<hbm>>
      %dma_start3A_39 = arith.constant 0 : i32
      %dma_start3A_40 = tpu.memref_slice %arg7[%mul3A_2, %dma_start3A_39] : memref<10240x128xf32, #tpu.memory_space<vmem_shared>> -> memref<640x128xf32, #tpu.memory_space<vmem_shared>>
      tpu.enqueue_dma source(%dma_start3A_40 : memref<640x128xf32, #tpu.memory_space<vmem_shared>>) target(%dma_start3A_38 : memref<640x128xf32, #tpu.memory_space<hbm>>) target_semaphore(%run_scoped3A_35 : memref<!tpu.dma_semaphore, #tpu.memory_space<semaphore_mem>>)
      %dma_wait3A_41 = arith.constant 0 : i32
      %dma_wait3A_42 = tpu.memref_slice %arg4[%arg0, %mul3A_2, %dma_wait3A_41] : memref<2x10240x128xf32, #tpu.memory_space<hbm>> -> memref<1x640x128xf32, #tpu.memory_space<hbm>>
      %dma_wait3A_43 = tpu.memref_squeeze %dma_wait3A_42 : memref<1x640x128xf32, #tpu.memory_space<hbm>> -> memref<640x128xf32, #tpu.memory_space<hbm>>
      %dma_wait3A_44 = arith.constant 0 : i32
      %dma_wait3A_45 = tpu.memref_slice %arg7[%mul3A_2, %dma_wait3A_44] : memref<10240x128xf32, #tpu.memory_space<vmem_shared>> -> memref<640x128xf32, #tpu.memory_space<vmem_shared>>
      tpu.wait_dma2 semaphore(%run_scoped3A_35 : memref<!tpu.dma_semaphore, #tpu.memory_space<semaphore_mem>>) src(%dma_wait3A_45 : memref<640x128xf32, #tpu.memory_space<vmem_shared>>) dst(%dma_wait3A_43 : memref<640x128xf32, #tpu.memory_space<hbm>>)
      tpu.yield
    }) : () -> ()
    return
  }
}

module attributes {stable_mosaic.version = 14 : i64} {
  func.func @body(%arg0: i32, %arg1: memref<512x128xf32, #tpu.memory_space<vmem>>, %arg2: memref<128x128xf32, #tpu.memory_space<vmem>>, %arg3: memref<512x1xf32, #tpu.memory_space<vmem>>, %arg4: memref<512x128xf32, #tpu.memory_space<vmem>>) attributes {dimension_semantics = [#tpu.dimension_semantics<arbitrary>], iteration_bounds = array<i64: 20>, scalar_prefetch = 0 : i64, scratch_operands = 0 : i64, tpu.core_type = #tpu.core_type<tc>, window_params = [{transform_indices = @transform_0, window_bounds = array<i64: 512, 128>}, {pipeline_mode = #tpu.pipeline_mode<synchronous>, transform_indices = @transform_1, window_bounds = array<i64: 128, 128>}, {transform_indices = @transform_2, window_bounds = array<i64: 512, 1>}, {transform_indices = @transform_3, window_bounds = array<i64: 512, 128>}]} {
    %get3A = arith.constant 0 : index
    %get3A_0 = arith.constant 0 : index
    %get3A_1 = vector.load %arg3[%get3A, %get3A_0] : memref<512x1xf32, #tpu.memory_space<vmem>>, vector<512x1xf32>
    %add3A = arith.constant 1.000000e+00 : f32
    %add3A_2 = vector.broadcast %add3A : f32 to vector<512x1xf32>
    %add3A_3 = arith.addf %get3A_1, %add3A_2 : vector<512x1xf32>
    %rsqrt3A = math.rsqrt %add3A_3 : vector<512x1xf32>
    %get3A_4 = arith.constant 0 : index
    %get3A_5 = arith.constant 0 : index
    %get3A_6 = vector.load %arg1[%get3A_4, %get3A_5] : memref<512x128xf32, #tpu.memory_space<vmem>>, vector<512x128xf32>
    %get3A_7 = arith.constant 0 : index
    %get3A_8 = arith.constant 0 : index
    %get3A_9 = vector.load %arg2[%get3A_7, %get3A_8] : memref<128x128xf32, #tpu.memory_space<vmem>>, vector<128x128xf32>
    %dot_general3A = arith.constant dense<0.000000e+00> : vector<512x128xf32>
    %dot_general3A_10 = tpu.matmul %get3A_6, %get3A_9, %dot_general3A {dimension_numbers = #tpu.dot_dimension_numbers<[1], [0], [0], [1], [0, 0, 1, 1], [], []>, transpose_lhs_hint = false} : vector<512x128xf32>, vector<128x128xf32>, vector<512x128xf32> -> vector<512x128xf32>
    %mul3A = vector.broadcast %rsqrt3A : vector<512x1xf32> to vector<512x128xf32>
    %mul3A_11 = arith.mulf %dot_general3A_10, %mul3A : vector<512x128xf32>
    %swap3A = arith.constant 0 : index
    %swap3A_12 = arith.constant 0 : index
    %swap3A_13 = vector.load %arg4[%swap3A, %swap3A_12] : memref<512x128xf32, #tpu.memory_space<vmem>>, vector<512x128xf32>
    tpu.vector_store %arg4[%swap3A, %swap3A_12], %mul3A_11 {strides = array<i32>} : memref<512x128xf32, #tpu.memory_space<vmem>>, vector<512x128xf32>,
    return
  }
  func.func @transform_0(%arg0: i32) -> (i32, i32) {
    %c0_i32 = arith.constant 0 : i32
    %c0_i32_0 = arith.constant 0 : i32
    return %arg0, %c0_i32 : i32, i32
  }
  func.func @transform_1(%arg0: i32) -> (i32, i32) {
    %c0_i32 = arith.constant 0 : i32
    %c0_i32_0 = arith.constant 0 : i32
    %c0_i32_1 = arith.constant 0 : i32
    return %c0_i32, %c0_i32_0 : i32, i32
  }
  func.func @transform_2(%arg0: i32) -> (i32, i32) {
    %c0_i32 = arith.constant 0 : i32
    %c0_i32_0 = arith.constant 0 : i32
    return %arg0, %c0_i32 : i32, i32
  }
  func.func @transform_3(%arg0: i32) -> (i32, i32) {
    %c0_i32 = arith.constant 0 : i32
    %c0_i32_0 = arith.constant 0 : i32
    return %arg0, %c0_i32 : i32, i32
  }
}

module attributes {stable_mosaic.version = 14 : i64} {
  func.func @body(%arg0: i32, %arg1: memref<2x512x128xf32, #tpu.memory_space<vmem>>, %arg2: memref<512x128xf32, #tpu.memory_space<vmem>>, %arg3: memref<512x1xf32, #tpu.memory_space<vmem>>, %arg4: memref<1x128xf32, #tpu.memory_space<vmem>>, %arg5: memref<512x128xf32, #tpu.memory_space<vmem>>) attributes {dimension_semantics = [#tpu.dimension_semantics<arbitrary>], iteration_bounds = array<i64: 20>, scalar_prefetch = 0 : i64, scratch_operands = 0 : i64, tpu.core_type = #tpu.core_type<tc>, window_params = [{transform_indices = @transform_0, window_bounds = array<i64: 2, 512, 128>}, {transform_indices = @transform_1, window_bounds = array<i64: 512, 128>}, {transform_indices = @transform_2, window_bounds = array<i64: 512, 1>}, {pipeline_mode = #tpu.pipeline_mode<synchronous>, transform_indices = @transform_3, window_bounds = array<i64: 1, 128>}, {transform_indices = @transform_4, window_bounds = array<i64: 512, 128>}]} {
    %get3A = arith.constant 0 : index
    %get3A_0 = arith.constant 0 : index
    %get3A_1 = vector.load %arg3[%get3A, %get3A_0] : memref<512x1xf32, #tpu.memory_space<vmem>>, vector<512x1xf32>
    %add3A = arith.constant 1.000000e+00 : f32
    %add3A_2 = vector.broadcast %add3A : f32 to vector<512x1xf32>
    %add3A_3 = arith.addf %get3A_1, %add3A_2 : vector<512x1xf32>
    %rsqrt3A = math.rsqrt %add3A_3 : vector<512x1xf32>
    %get3A_4 = arith.constant 0 : index
    %get3A_5 = arith.constant 0 : index
    %get3A_6 = arith.constant 0 : index
    %get3A_7 = vector.load %arg1[%get3A_4, %get3A_5, %get3A_6] : memref<2x512x128xf32, #tpu.memory_space<vmem>>, vector<1x512x128xf32>
    %get3A_8 = vector.shape_cast %get3A_7 : vector<1x512x128xf32> to vector<512x128xf32>
    %get3A_9 = arith.constant 1 : index
    %get3A_10 = arith.constant 0 : index
    %get3A_11 = arith.constant 0 : index
    %get3A_12 = vector.load %arg1[%get3A_9, %get3A_10, %get3A_11] : memref<2x512x128xf32, #tpu.memory_space<vmem>>, vector<1x512x128xf32>
    %get3A_13 = vector.shape_cast %get3A_12 : vector<1x512x128xf32> to vector<512x128xf32>
    %add3A_14 = arith.addf %get3A_8, %get3A_13 : vector<512x128xf32>
    %get3A_15 = arith.constant 0 : index
    %get3A_16 = arith.constant 0 : index
    %get3A_17 = vector.load %arg2[%get3A_15, %get3A_16] : memref<512x128xf32, #tpu.memory_space<vmem>>, vector<512x128xf32>
    %sub3A = arith.subf %add3A_14, %get3A_17 : vector<512x128xf32>
    %mul3A = vector.broadcast %rsqrt3A : vector<512x1xf32> to vector<512x128xf32>
    %mul3A_18 = arith.mulf %sub3A, %mul3A : vector<512x128xf32>
    %get3A_19 = arith.constant 0 : index
    %get3A_20 = arith.constant 0 : index
    %get3A_21 = vector.load %arg4[%get3A_19, %get3A_20] : memref<1x128xf32, #tpu.memory_space<vmem>>, vector<1x128xf32>
    %add3A_22 = vector.broadcast %get3A_21 : vector<1x128xf32> to vector<512x128xf32>
    %add3A_23 = arith.addf %mul3A_18, %add3A_22 : vector<512x128xf32>
    %max3A = arith.constant 0.000000e+00 : f32
    %max3A_24 = vector.broadcast %max3A : f32 to vector<512x128xf32>
    %max3A_25 = arith.maximumf %add3A_23, %max3A_24 : vector<512x128xf32>
    %mul3A_26 = vector.broadcast %rsqrt3A : vector<512x1xf32> to vector<512x128xf32>
    %mul3A_27 = arith.mulf %max3A_25, %mul3A_26 : vector<512x128xf32>
    %swap3A = arith.constant 0 : index
    %swap3A_28 = arith.constant 0 : index
    %swap3A_29 = vector.load %arg5[%swap3A, %swap3A_28] : memref<512x128xf32, #tpu.memory_space<vmem>>, vector<512x128xf32>
    tpu.vector_store %arg5[%swap3A, %swap3A_28], %mul3A_27 {strides = array<i32>} : memref<512x128xf32, #tpu.memory_space<vmem>>, vector<512x128xf32>,
    return
  }
  func.func @transform_0(%arg0: i32) -> (i32, i32, i32) {
    %c0_i32 = arith.constant 0 : i32
    %c0_i32_0 = arith.constant 0 : i32
    %c0_i32_1 = arith.constant 0 : i32
    return %c0_i32, %arg0, %c0_i32_0 : i32, i32, i32
  }
  func.func @transform_1(%arg0: i32) -> (i32, i32) {
    %c0_i32 = arith.constant 0 : i32
    %c0_i32_0 = arith.constant 0 : i32
    return %arg0, %c0_i32 : i32, i32
  }
  func.func @transform_2(%arg0: i32) -> (i32, i32) {
    %c0_i32 = arith.constant 0 : i32
    %c0_i32_0 = arith.constant 0 : i32
    return %arg0, %c0_i32 : i32, i32
  }
  func.func @transform_3(%arg0: i32) -> (i32, i32) {
    %c0_i32 = arith.constant 0 : i32
    %c0_i32_0 = arith.constant 0 : i32
    %c0_i32_1 = arith.constant 0 : i32
    return %c0_i32, %c0_i32_0 : i32, i32
  }
  func.func @transform_4(%arg0: i32) -> (i32, i32) {
    %c0_i32 = arith.constant 0 : i32
    %c0_i32_0 = arith.constant 0 : i32
    return %arg0, %c0_i32 : i32, i32
  }
}

module attributes {stable_mosaic.version = 14 : i64} {
  func.func @body(%arg0: i32, %arg1: memref<2x512x128xf32, #tpu.memory_space<vmem>>, %arg2: memref<512x128xf32, #tpu.memory_space<vmem>>, %arg3: memref<512x1xf32, #tpu.memory_space<vmem>>, %arg4: memref<128x64xf32, #tpu.memory_space<vmem>>, %arg5: memref<1x64xf32, #tpu.memory_space<vmem>>, %arg6: memref<512x64xf32, #tpu.memory_space<vmem>>) attributes {dimension_semantics = [#tpu.dimension_semantics<arbitrary>], iteration_bounds = array<i64: 20>, scalar_prefetch = 0 : i64, scratch_operands = 0 : i64, tpu.core_type = #tpu.core_type<tc>, window_params = [{transform_indices = @transform_0, window_bounds = array<i64: 2, 512, 128>}, {transform_indices = @transform_1, window_bounds = array<i64: 512, 128>}, {transform_indices = @transform_2, window_bounds = array<i64: 512, 1>}, {pipeline_mode = #tpu.pipeline_mode<synchronous>, transform_indices = @transform_3, window_bounds = array<i64: 128, 64>}, {pipeline_mode = #tpu.pipeline_mode<synchronous>, transform_indices = @transform_4, window_bounds = array<i64: 1, 64>}, {transform_indices = @transform_5, window_bounds = array<i64: 512, 64>}]} {
    %get3A = arith.constant 0 : index
    %get3A_0 = arith.constant 0 : index
    %get3A_1 = vector.load %arg3[%get3A, %get3A_0] : memref<512x1xf32, #tpu.memory_space<vmem>>, vector<512x1xf32>
    %add3A = arith.constant 1.000000e+00 : f32
    %add3A_2 = vector.broadcast %add3A : f32 to vector<512x1xf32>
    %add3A_3 = arith.addf %get3A_1, %add3A_2 : vector<512x1xf32>
    %rsqrt3A = math.rsqrt %add3A_3 : vector<512x1xf32>
    %get3A_4 = arith.constant 0 : index
    %get3A_5 = arith.constant 0 : index
    %get3A_6 = arith.constant 0 : index
    %get3A_7 = vector.load %arg1[%get3A_4, %get3A_5, %get3A_6] : memref<2x512x128xf32, #tpu.memory_space<vmem>>, vector<1x512x128xf32>
    %get3A_8 = vector.shape_cast %get3A_7 : vector<1x512x128xf32> to vector<512x128xf32>
    %get3A_9 = arith.constant 1 : index
    %get3A_10 = arith.constant 0 : index
    %get3A_11 = arith.constant 0 : index
    %get3A_12 = vector.load %arg1[%get3A_9, %get3A_10, %get3A_11] : memref<2x512x128xf32, #tpu.memory_space<vmem>>, vector<1x512x128xf32>
    %get3A_13 = vector.shape_cast %get3A_12 : vector<1x512x128xf32> to vector<512x128xf32>
    %add3A_14 = arith.addf %get3A_8, %get3A_13 : vector<512x128xf32>
    %get3A_15 = arith.constant 0 : index
    %get3A_16 = arith.constant 0 : index
    %get3A_17 = vector.load %arg2[%get3A_15, %get3A_16] : memref<512x128xf32, #tpu.memory_space<vmem>>, vector<512x128xf32>
    %sub3A = arith.subf %add3A_14, %get3A_17 : vector<512x128xf32>
    %mul3A = vector.broadcast %rsqrt3A : vector<512x1xf32> to vector<512x128xf32>
    %mul3A_18 = arith.mulf %sub3A, %mul3A : vector<512x128xf32>
    %get3A_19 = arith.constant 0 : index
    %get3A_20 = arith.constant 0 : index
    %get3A_21 = vector.load %arg4[%get3A_19, %get3A_20] : memref<128x64xf32, #tpu.memory_space<vmem>>, vector<128x64xf32>
    %dot_general3A = arith.constant dense<0.000000e+00> : vector<512x64xf32>
    %dot_general3A_22 = tpu.matmul %mul3A_18, %get3A_21, %dot_general3A {dimension_numbers = #tpu.dot_dimension_numbers<[1], [0], [0], [1], [0, 0, 1, 1], [], []>, transpose_lhs_hint = false} : vector<512x128xf32>, vector<128x64xf32>, vector<512x64xf32> -> vector<512x64xf32>
    %get3A_23 = arith.constant 0 : index
    %get3A_24 = arith.constant 0 : index
    %get3A_25 = vector.load %arg5[%get3A_23, %get3A_24] : memref<1x64xf32, #tpu.memory_space<vmem>>, vector<1x64xf32>
    %add3A_26 = vector.broadcast %get3A_25 : vector<1x64xf32> to vector<512x64xf32>
    %add3A_27 = arith.addf %dot_general3A_22, %add3A_26 : vector<512x64xf32>
    %swap3A = arith.constant 0 : index
    %swap3A_28 = arith.constant 0 : index
    %swap3A_29 = vector.load %arg6[%swap3A, %swap3A_28] : memref<512x64xf32, #tpu.memory_space<vmem>>, vector<512x64xf32>
    tpu.vector_store %arg6[%swap3A, %swap3A_28], %add3A_27 {strides = array<i32>} : memref<512x64xf32, #tpu.memory_space<vmem>>, vector<512x64xf32>,
    return
  }
  func.func @transform_0(%arg0: i32) -> (i32, i32, i32) {
    %c0_i32 = arith.constant 0 : i32
    %c0_i32_0 = arith.constant 0 : i32
    %c0_i32_1 = arith.constant 0 : i32
    return %c0_i32, %arg0, %c0_i32_0 : i32, i32, i32
  }
  func.func @transform_1(%arg0: i32) -> (i32, i32) {
    %c0_i32 = arith.constant 0 : i32
    %c0_i32_0 = arith.constant 0 : i32
    return %arg0, %c0_i32 : i32, i32
  }
  func.func @transform_2(%arg0: i32) -> (i32, i32) {
    %c0_i32 = arith.constant 0 : i32
    %c0_i32_0 = arith.constant 0 : i32
    return %arg0, %c0_i32 : i32, i32
  }
  func.func @transform_3(%arg0: i32) -> (i32, i32) {
    %c0_i32 = arith.constant 0 : i32
    %c0_i32_0 = arith.constant 0 : i32
    %c0_i32_1 = arith.constant 0 : i32
    return %c0_i32, %c0_i32_0 : i32, i32
  }
  func.func @transform_4(%arg0: i32) -> (i32, i32) {
    %c0_i32 = arith.constant 0 : i32
    %c0_i32_0 = arith.constant 0 : i32
    %c0_i32_1 = arith.constant 0 : i32
    return %c0_i32, %c0_i32_0 : i32, i32
  }
  func.func @transform_5(%arg0: i32) -> (i32, i32) {
    %c0_i32 = arith.constant 0 : i32
    %c0_i32_0 = arith.constant 0 : i32
    return %arg0, %c0_i32 : i32, i32
  }
}

</mosaic_0001>

<sc_bundles>
// kernel: kernel.11.cloned.1.call-start
scs
__scs_entry_jumppad:
0x0: {  	(pc) =	sbr.rel $0x88, $3  }
0x1: {  	(tag) =	ssettag $0x0;
	lr =	simm.s32 $0x1  }
0x2: {  	[smem:$0x3F9B] =	sst lr;
	_ =	strace $0xD0000000  }
0x3: {  	_ = 	snop  }
0x4: {  	_ = 	snop  }
0x5: {  	_ = 	snop  }
0x6: {  	_ = 	snop  }
0x7: {  	_ = 	snop  }
__scs_overlays_trampoline_lowered:
0x8: {  	[smem:$0x3FAA] =	sst s0  }
0x9: {  	[smem:$0x3FAB] =	sst s1  }
0xa: {  	[smem:$0x3FAC] =	sst s2  }
0xb: {  	[smem:$0x3FAD] =	sst s3  }
0xc: {  	[smem:$0x3FAE] =	sst s4  }
0xd: {  	[smem:$0x3FAF] =	sst s5  }
0xe: {  	[smem:$0x3FB0] =	sst s6  }
0xf: {  	[smem:$0x3FB1] =	sst s7  }
0x10: {  	[smem:$0x3FB2] =	sst s8  }
0x11: {  	[smem:$0x3FB3] =	sst s9;
	s0 =	simm.s32 @!p0 $0x0  }
0x12: {  	s1 =	sld [smem:$0x3F99];
	s0 =	simm.s32 @p0 $0x1  }
0x13: {  	[smem:$0x3FB4] =	sst s0;
	s0 =	simm.s32 @!p1 $0x0  }
0x14: {  	s2 =	sld [smem:$0x3F98];
	s0 =	simm.s32 @p1 $0x1  }
0x15: {  	[smem:$0x3FB5] =	sst s0;
	s0 =	simm.s32 @!p2 $0x0  }
0x16: {  	s3 =	sld [smem:$0x3FDB];
	s0 =	simm.s32 @p2 $0x1  }
0x17: {  	s4 =	simm.s32 $0x1BF5;
	[smem:$0x3FB7] =	sst s0  }
0x18: {  	s0 =	sld [smem:$0x3F9A];
	_ =	swait.ge [sflag:s4], $0x0  }
0x19: {  	s7 =	sld [smem:$0x3F9B]  }
0x1a: {  	s8 =	sadd.s32 $0xFFFFE003, lr  }
0x1b: {  	s9 =	sadd.s32 $0xFFFFFEF7, lr;
	s5 =	simm.s32 $0xFFFFFFFF;
	p2 =	slt.u32 s8, $0xFFFFF086  }
0x1c: {  	p1 =	slt.u32 s9, $0xF7A;
	s5 =	simm.s32 @!p2 $0x0  }
0x1d: {  	s5 =	simm.s32 @p1 $0x1;
	p0 =	seq.s32 s7, s2  }
0x1e: {  	s7 =	smul.u32 @!p0 $0xF7A, s2;
	p2 =	seq.s32 @!p0 s5, $0x0  }
0x1f: {  	s9 =	smul.u32 $0xF7A, s1;
	s8 =	simm.s32 @!p0 $0x1BF5;
	p2 =	por !p2, p0  }
0x20: {  	[sflag:s8] =	ssyncset.s32 @!p0 $0xFFFFF086;
	s6 =	sadd.s32 @!p0 s3, s7;
	s7 =	simm.s32 @!p0 $0x108  }
0x21: {  	s3 =	sadd.s32 s3, s9;
	s6 =	sadd.s32 @!p0 $0x88, s6;
	s7 =	simm.s32 @p2 $0x1082  }
0x22: {  	[simem:s7], [sflag:s8] =	dma.local @!p0 [hbm:s6], $0xF7A  }
0x23: {  	s9 =	sor.u32 $0xD0000000, s2;
	s6 =	simm.s32 $0x108;
	_ =	swait.ge @!p0 [sflag:s8], $0x0  }
0x24: {  	s3 =	sadd.s32 $0x88, s3;
	s6 =	simm.s32 @!p1 $0x1082;
	[sflag:s4] =	ssyncset.s32 $0xFFFFF086  }
0x25: {  	[simem:s6], [sflag:s4] =	dma.local [hbm:s3], $0xF7A  }
0x26: {  	[smem:$0x3F9B] =	sst s1;
	(tag) =	ssettag s2;
	_ =	strace s9  }
0x27: {  	s1 =	sld [smem:$0x3FAB]  }
0x28: {  	s2 =	sld [smem:$0x3FAC]  }
0x29: {  	s4 =	sld [smem:$0x3FAE]  }
0x2a: {  	p0 =	seq.s32 s5, $0x0;
	s5 =	sld [smem:$0x3FAF]  }
0x2b: {  	s6 =	sld [smem:$0x3FB0]  }
0x2c: {  	s7 =	sld [smem:$0x3FB1]  }
0x2d: {  	s3 =	simm.s32 $0x108;
	s8 =	sld [smem:$0x3FB2]  }
0x2e: {  	s3 =	simm.s32 @!p0 $0x1082;
	s9 =	sld [smem:$0x3FB3]  }
0x2f: {  	lr =	sadd.s32 s0, s3;
	s0 =	sld [smem:$0x3FAA]  }
0x30: {  	s3 =	sld [smem:$0x3FAD]  }
0x31: {  	[smem:$0x3FB6] =	sst s10  }
0x32: {  	s10 =	sld [smem:$0x3FB4];
	_ =	sdelay $0x3  }
0x33: {  	p0 =	seq.s32 s10, $0x1;
	s10 =	sld [smem:$0x3FB6];
	_ =	sdelay $0x3  }
0x34: {  	[smem:$0x3FB6] =	sst s10  }
0x35: {  	s10 =	sld [smem:$0x3FB5];
	_ =	sdelay $0x3  }
0x36: {  	p1 =	seq.s32 s10, $0x1;
	s10 =	sld [smem:$0x3FB6];
	_ =	sdelay $0x3  }
0x37: {  	[smem:$0x3FB6] =	sst s10  }
0x38: {  	s10 =	sld [smem:$0x3FB7]  }
0x39: {  	_ = 	snop;
	(pc) =	sbr.ind lr, $3  }
0x3a: {  	_ = 	snop  }
0x3b: {  	_ = 	snop  }
0x3c: {  	p2 =	seq.s32 s10, $0x1;
	s10 =	sld [smem:$0x3FB6]  }
0x3d: {  	_ =	shalt  }
0x3e: {  	_ =	shalt  }
0x3f: {  	_ =	shalt  }
0x40: {  	_ =	shalt  }
0x41: {  	_ =	shalt  }
0x42: {  	_ =	shalt  }
0x43: {  	_ =	shalt  }
0x44: {  	_ =	shalt  }
0x45: {  	_ =	shalt  }
0x46: {  	_ =	shalt  }
0x47: {  	_ =	shalt  }
0x48: {  	_ =	shalt  }
0x49: {  	_ =	shalt  }
0x4a: {  	_ =	shalt  }
0x4b: {  	_ =	shalt  }
0x4c: {  	_ =	shalt  }
0x4d: {  	_ =	shalt  }
0x4e: {  	_ =	shalt  }
0x4f: {  	_ =	shalt  }
0x50: {  	_ =	shalt  }
0x51: {  	_ =	shalt  }
0x52: {  	_ =	shalt  }
0x53: {  	_ =	shalt  }
0x54: {  	_ =	shalt  }
0x55: {  	_ =	shalt  }
0x56: {  	_ =	shalt  }
0x57: {  	_ =	shalt  }
0x58: {  	_ =	shalt  }
0x59: {  	_ =	shalt  }
0x5a: {  	_ =	shalt  }
0x5b: {  	_ =	shalt  }
0x5c: {  	_ =	shalt  }
0x5d: {  	_ =	shalt  }
0x5e: {  	_ =	shalt  }
0x5f: {  	_ =	shalt  }
0x60: {  	_ =	shalt  }
0x61: {  	_ =	shalt  }
0x62: {  	_ =	shalt  }
0x63: {  	_ =	shalt  }
0x64: {  	_ =	shalt  }
0x65: {  	_ =	shalt  }
0x66: {  	_ =	shalt  }
0x67: {  	_ =	shalt  }
0x68: {  	_ =	shalt  }
0x69: {  	_ =	shalt  }
0x6a: {  	_ =	shalt  }
0x6b: {  	_ =	shalt  }
0x6c: {  	_ =	shalt  }
0x6d: {  	_ =	shalt  }
0x6e: {  	_ =	shalt  }
0x6f: {  	_ =	shalt  }
0x70: {  	_ =	shalt  }
0x71: {  	_ =	shalt  }
0x72: {  	_ =	shalt  }
0x73: {  	_ =	shalt  }
0x74: {  	_ =	shalt  }
0x75: {  	_ =	shalt  }
0x76: {  	_ =	shalt  }
0x77: {  	_ =	shalt  }
0x78: {  	_ =	shalt  }
0x79: {  	_ =	shalt  }
0x7a: {  	_ =	shalt  }
0x7b: {  	_ =	shalt  }
0x7c: {  	_ =	shalt  }
0x7d: {  	_ =	shalt  }
0x7e: {  	_ =	shalt  }
0x7f: {  	_ =	shalt  }
0x80: {  	_ =	shalt  }
0x81: {  	_ =	shalt  }
0x82: {  	_ =	shalt  }
0x83: {  	_ =	shalt  }
0x84: {  	_ =	shalt  }
0x85: {  	_ =	shalt  }
0x86: {  	_ =	shalt  }
0x87: {  	_ =	shalt  }
.Lfunc_end0:
.L_simem_size_0:
called_computation.1_lowered:
.L_overlay_start_0:
0x88: {  	s2 =	sld [smem:$0x3FD9]  }
0x89: {  	s3 =	sld [smem:$0x3FFE];
	_ =	sdelay $0x1  }
0x8a: {  	s1 =	srdreg.scid  }
0x8b: {  	s0 =	sand.u32 $0x1, s1  }
0x8c: {  	s16 =	sshll.u32 s0, $0xA;
	s2 =	sadd.s32 s3, s2  }
0x8d: {  	s2 =	sadd.s32 s2, s16  }
0x8e: {  	[smem:$0x3FC2] =	sst s2  }
0x8f: {  	_ = 	snop  }
0x90: {  	(tm) =	ssettm $0x1  }
0x91: {  	s17 =	sld [smem:$0x3FFB];
	_ =	sdelay $0x3  }
0x92: {  	_ =	strace s17  }
0x93: {  	s2 =	sld [smem:$0x3FFC];
	_ =	sdelay $0x3  }
0x94: {  	_ =	strace s2  }
0x95: {  	s2 =	sld [smem:$0x3FFD];
	_ =	sdelay $0x3  }
0x96: {  	_ =	strace s2  }
0x97: {  	_ =	strace $0x8FFFFFFF  }
0x98: {  	s18 =	sld [smem:$0x3FDB];
	_ =	sdelay $0x1  }
0x99: {  	s19 =	simm.s32 $_scs_section_size  }
0x9a: {  	s4 =	simm.s32 $_size__tile_overlayer_lowered;
	s5 =	simm.s32 $_tile_overlayer_lowered  }
0x9b: {  	s22 =	simm.s32 $0x1BFF;
	s21 =	sshll.u32 s5, $0x1;
	s2 =	sadd.s32 s19, s18  }
0x9c: {  	s6 =	simm.s32 $0x0;
	s20 =	sshll.u32 s4, $0x1;
	s4 =	sadd.s32 s21, s2  }
0x9d: {  	[timem:s6], [sflag:s22] =	dma.local [hbm:s4], s20  }
0x9e: {  	_ =	swait.ge [sflag:s22], s20  }
0x9f: {  	s3 =	ssub.s32 $0x0, s20;
	[sflag:s22] =	ssyncset.done $0x0  }
0xa0: {  	[sflag:s22] =	ssyncadd.s32 s3;
	_ =	sdelay $0x1  }
0xa1: {  	s23 =	simm.s32 $0x1B8B  }
0xa2: {  	_ =	swait.ge [sflag:s23], $0x1  }
0xa3: {  	[sflag:s23] =	ssyncset.done $0x0  }
0xa4: {  	s25 =	simm.s32 $0x1B8E;
	s24 =	sld [smem:$0x3FFE];
	[sflag:s23] =	ssyncadd.s32 $0xFFFFFFFF  }
0xa5: {  	s26 =	simm.s32 $execute0_lowered;
	[smem:$0x3FD2] =	sst s25  }
0xa6: {  	s4 =	sshll.u32 s26, $0x1;
	_ =	strace $0x80000049;
	[dreg:$0x1] =	wrdreg $0xFFFFFFFF  }
0xa7: {  	s28 =	simm.s32 $_size_execute0_lowered;
	s2 =	sadd.s32 s2, s4;
	[dreg:$0x0] =	wrdreg $0x0  }
0xa8: {  	s4 =	sshll.u32 s28, $0x1;
	[dreg:$0x2] =	wrdreg s2  }
0xa9: {  	[dreg:$0x3] =	wrdreg s4  }
0xaa: {  	[dreg:$0x4] =	wrdreg $0xC0  }
0xab: {  	_ =	task [dreg:s6], $0x5FFFF  }
0xac: {  	[dreg:$0x1] =	wrdreg $0xFFFFFFFF  }
0xad: {  	[dreg:$0x0] =	wrdreg $0x60  }
0xae: {  	[dreg:$0x2] =	wrdreg s24  }
0xaf: {  	[dreg:$0x3] =	wrdreg $0x84000  }
0xb0: {  	[dreg:$0x4] =	wrdreg $0x9  }
0xb1: {  	_ =	task.clear_ibuf [dreg:s6], $0x5FFFF;
	_ =	strace $0x90000049  }
0xb2: {  	s29 =	simm.s32 $0x9;
	_ =	strace $0x8000004B  }
0xb3: {  	_ =	swait.ge [sflag:s29], $0x1  }
0xb4: {  	[sflag:s29] =	ssyncadd.s32 $0xFFFFFFFF  }
0xb5: {  	_ =	strace $0x9000004B  }
0xb6: {  	_ =	sfence  }
0xb7: {  	s30 =	sld [smem:$0x0];
	_ =	sdelay $0x2  }
0xb8: {  	s31 =	sshll.u32 s1, $0xD;
	s1 =	sshrl.u32 s1, $0x2  }
0xb9: {  	s3 =	sand.u32 $0x4000, s31;
	s1 =	sadd.s32 s1, s30  }
0xba: {  	s0 =	sor.u32 s3, s0;
	s1 =	sshll.u32 s1, $0x11  }
0xbb: {  	s0 =	sor.u32 s1, s0  }
0xbc: {  	s0 =	sadd.s32 $0x8F2B, s0  }
0xbd: {  	[sflag:s0] =	ssyncadd.remote.s32 $0x1  }
0xbe: {  	_ =	sfence.sel $0xFFFF  }
0xbf: {  	[dreg:$0x0] =	wrdreg $0xFFFFFFFF;
	(pc) =	sbr.abs _section_cstart, $3  }
0xc0: {  	[dreg:$0x1] =	wrdreg $0xFFFFFFFF  }
0xc1: {  	_ =	task.clear_ibuf [dreg:s6], $0x2FFFF;
	_ =	strace $0x9FFFFFFF  }
0xc2: {  	(tm) =	ssettm $0x7FFFFFFF  }
0xc3: {  	_ =	shalt  }
tec
execute0_lowered:
.L_overlay_start_1:
0x0: {  	(tag) =	ssettag $0x1  }
0x1: {  	s5 =	rddreg [dreg:$0x0];
	s1 =	srdreg.scid  }
0x2: {  	s0 =	stileid.u32;
	s2 =	rddreg [dreg:$0x1]  }
0x3: {  	s3 =	simm.s32 $0x0;
	s17 =	simm.s32 $0x400;
	s18 =	simm.s32 $0x1  }
0x4: {  	s19 =	simm.s32 $0x200;
	s20 =	simm.s32 $0x100;
	s21 =	simm.s32 $0x4400  }
0x5: {  	s22 =	simm.s32 $0x2;
	s23 =	simm.s32 $0x180;
	s28 =	simm.s32 $0x380  }
0x6: {  	s6 =	sand.u32 $0x1, s1;
	s7 =	smul.u32 $0x14000, s0;
	s1 =	rddreg [dreg:$0x2]  }
0x7: {  	s29 =	simm.s32 $0x0;
	[smem:$0x7FF] =	sst s3;
	s10 =	smul.u32 $0x50000, s0  }
0x8: {  	s13 =	sadd.s32 $0x3000, s5;
	s25 =	sshll.u32 s0, $0x6;
	s30 =	smul.u32 $0x5000, s0  }
0x9: {  	s4 =	smul.u32 $0x140000, s6;
	_ =	strace $0x8000004A;
	s9 =	ssub.s32 $0x2, s6  }
0xa: {  	s11 =	sshll.u32 s6, $0x4;
	s12 =	smul.u32 $0x50000, s6;
	s6 =	sor.u32 $0x1C04, s25  }
0xb: {  	s25 =	simm.s32 $0x280;
	s24 =	sshrl.u32 s9, $0x1;
	s11 =	sor.u32 s0, s11  }
0xc: {  	s10 =	sshrl.u32 s10, $0x2;
	s8 =	sadd.s32 s7, s4;
	s4 =	sadd.s32 $0x17000, s5  }
0xd: {  	s7 =	sshrl.u32 s7, $0x3;
	s11 =	smul.u32 $0x5000, s11;
	s9 =	ssub.s32 s9, s24  }
0xe: {  	s14 =	sadd.s32 s10, s2;
	s12 =	sadd.s32 s30, s12;
	s24 =	simm.s32 $0x3  }
0xf: {  	s8 =	sshrl.u32 s8, $0x3;
	s9 =	smax.u32 s9, $0x1;
	s31 =	sor.u32 $0x800, s12  }
0x10: {  	s12 =	sor.u32 $0x600, s12;
	s14 =	sshrl.u32 s14, $0x3;
	s8 =	sadd.s32 s8, s5  }
0x11: {  	s5 =	sadd.s32 s4, s7;
	s26 =	sshrl.u32 s11, $0x3;
	s15 =	sor.u32 $0x200, s11  }
.Ltmp0:
0x12: {  	s11 =	sor.u32 $0x400, s11;
	s16 =	sshrl.u32 s12, $0x3;
	(pc) =	sbr.rel .LBB2_1-.Ltmp0, $4  }
0x13: {  	s7 =	sadd.s32 s13, s26;
	s8 =	sadd.s32 $0x3F000, s8;
	s15 =	sshrl.u32 s15, $0x3  }
0x14: {  	s11 =	sshrl.u32 s11, $0x3;
	s10 =	sadd.s32 s13, s15;
	s15 =	sshrl.u32 s31, $0x3  }
0x15: {  	s26 =	simm.s32 $0x300;
	s11 =	sadd.s32 s13, s11;
	s12 =	sadd.s32 s15, s13  }
0x16: {  	s13 =	sadd.s32 s16, s13;
	s15 =	simm.s32 $0x4;
	s16 =	simm.s32 $0x80  }
.LBB2_3:
0x17: {  	[tilespmem:s21], [sflag:$0x2] =	stream.indirect.gather [hbm4b:s4+s16], $0x80, s26, s16, $0xb8;
	[tilespmem:$0x1C400] =	vst v63  }
0x18: {  	_ =	swait.ge [sflag:s22], $0x4000  }
0x19: {  	[sflag:s22] =	ssyncset.done $0x0  }
0x1a: {  	[sflag:s22] =	ssyncadd.s32 $0xFFFFC000  }
0x1b: {  	[spmem:s2] =	stream.indirect.scatter.add.f32 [tilespmem:s21], [sflag:$0x2], $0x80, s28, s16, $0xb8;
	[tilespmem:$0x1C400] =	vst v63  }
0x1c: {  	_ =	swait.ge [sflag:s18], $0x4000  }
0x1d: {  	[sflag:s18] =	ssyncset.done $0x0  }
0x1e: {  	[sflag:s18] =	ssyncadd.s32 $0xFFFFC000  }
.LBB2_5:
0x1f: {  	_ =	swait.ge [sflag:s22], $0x4000  }
0x20: {  	s29 =	sadd.s32 $0x1, s29;
	[sflag:s22] =	ssyncset.done $0x0  }
0x21: {  	p0 =	sne.s32 s29, s9;
	[sflag:s22] =	ssyncadd.s32 $0xFFFFC000  }
.Ltmp1:
0x22: {  	[bflag:$0x0] =	sbarrier.arrive $0xFFFF;
	(pc) =	sbr.rel @!p0 .LBB2_6-.Ltmp1, $4  }
0x23: {  	[hbm:s8], [sflag:s6] =	dma.local [spmem:s14], $0x2800  }
0x24: {  	_ =	swait.ge [sflag:s15], $0x2800  }
0x25: {  	[sflag:s15] =	ssyncset.done $0x0  }
0x26: {  	[sflag:s15] =	ssyncadd.s32 $0xFFFFD800  }
.LBB2_1:
0x27: {  	[spmem:s14], [sflag:s6] =	dma.local [hbm:s5], $0x2800  }
0x28: {  	_ =	swait.ge [sflag:s15], $0x2800  }
0x29: {  	[sflag:s15] =	ssyncset.done $0x0  }
0x2a: {  	[sflag:s15] =	ssyncadd.s32 $0xFFFFD800  }
0x2b: {  	[tilespmem:s3], [sflag:$0x4] =	stream.linear.gather [hbm4b:s7+s3], $0x200, $0x38;
	[tilespmem:$0x1C400] =	vst v63  }
0x2c: {  	_ =	swait.ge [sflag:s15], $0x200  }
0x2d: {  	[sflag:s15] =	ssyncset.done $0x0  }
0x2e: {  	[sflag:s15] =	ssyncadd.s32 $0xFFFFFE00  }
0x2f: {  	[bflag:$0x0] =	sbarrier.arrive $0xFFFF  }
0x30: {  	[tilespmem:s17], [sflag:$0x1] =	stream.indirect.gather [hbm4b:s4+s16], $0x80, s3, s16, $0xb8;
	[tilespmem:$0x1C400] =	vst v63  }
0x31: {  	_ =	swait.ge [sflag:s18], $0x4000  }
0x32: {  	[sflag:s18] =	ssyncset.done $0x0  }
0x33: {  	[sflag:s18] =	ssyncadd.s32 $0xFFFFC000  }
0x34: {  	[spmem:s2] =	stream.indirect.scatter.add.f32 [tilespmem:s17], [sflag:$0x1], $0x80, s16, s16, $0xb8;
	[tilespmem:$0x1C400] =	vst v63  }
0x35: {  	_ = 	snop  }
0x36: {  	[tilespmem:s19], [sflag:$0x3] =	stream.linear.gather [hbm4b:s10+s3], $0x200, $0x38;
	[tilespmem:$0x1C400] =	vst v63  }
0x37: {  	_ = 	snop  }
0x38: {  	[tilespmem:s21], [sflag:$0x2] =	stream.indirect.gather [hbm4b:s4+s16], $0x80, s20, s16, $0xb8;
	[tilespmem:$0x1C400] =	vst v63  }
0x39: {  	_ =	swait.ge [sflag:s22], $0x4000  }
0x3a: {  	[sflag:s22] =	ssyncset.done $0x0  }
0x3b: {  	[sflag:s22] =	ssyncadd.s32 $0xFFFFC000  }
0x3c: {  	[spmem:s2] =	stream.indirect.scatter.add.f32 [tilespmem:s21], [sflag:$0x2], $0x80, s23, s16, $0xb8;
	[tilespmem:$0x1C400] =	vst v63  }
0x3d: {  	_ =	swait.ge [sflag:s18], $0x4000  }
0x3e: {  	[sflag:s18] =	ssyncset.done $0x0  }
0x3f: {  	[sflag:s18] =	ssyncadd.s32 $0xFFFFC000  }
0x40: {  	_ =	swait.ge [sflag:s24], $0x200  }
0x41: {  	[sflag:s24] =	ssyncset.done $0x0  }
0x42: {  	[sflag:s24] =	ssyncadd.s32 $0xFFFFFE00  }
0x43: {  	[tilespmem:s17], [sflag:$0x1] =	stream.indirect.gather [hbm4b:s4+s16], $0x80, s19, s16, $0xb8;
	[tilespmem:$0x1C400] =	vst v63  }
0x44: {  	_ =	swait.ge [sflag:s18], $0x4000  }
0x45: {  	[sflag:s18] =	ssyncset.done $0x0  }
0x46: {  	[sflag:s18] =	ssyncadd.s32 $0xFFFFC000  }
0x47: {  	[spmem:s2] =	stream.indirect.scatter.add.f32 [tilespmem:s17], [sflag:$0x1], $0x80, s25, s16, $0xb8;
	[tilespmem:$0x1C400] =	vst v63  }
0x48: {  	_ =	swait.ge [sflag:s22], $0x4000  }
0x49: {  	[sflag:s22] =	ssyncset.done $0x0  }
0x4a: {  	[sflag:s22] =	ssyncadd.s32 $0xFFFFC000  }
0x4b: {  	[tilespmem:s3], [sflag:$0x3] =	stream.linear.gather [hbm4b:s11+s3], $0x200, $0x38;
	[tilespmem:$0x1C400] =	vst v63  }
0x4c: {  	_ = 	snop  }
0x4d: {  	[tilespmem:s21], [sflag:$0x2] =	stream.indirect.gather [hbm4b:s4+s16], $0x80, s26, s16, $0xb8;
	[tilespmem:$0x1C400] =	vst v63  }
0x4e: {  	_ =	swait.ge [sflag:s22], $0x4000  }
0x4f: {  	[sflag:s22] =	ssyncset.done $0x0  }
0x50: {  	[sflag:s22] =	ssyncadd.s32 $0xFFFFC000  }
0x51: {  	[spmem:s2] =	stream.indirect.scatter.add.f32 [tilespmem:s21], [sflag:$0x2], $0x80, s28, s16, $0xb8;
	[tilespmem:$0x1C400] =	vst v63  }
0x52: {  	_ =	swait.ge [sflag:s18], $0x4000  }
0x53: {  	[sflag:s18] =	ssyncset.done $0x0  }
0x54: {  	[sflag:s18] =	ssyncadd.s32 $0xFFFFC000  }
0x55: {  	_ =	swait.ge [sflag:s24], $0x200  }
0x56: {  	[sflag:s24] =	ssyncset.done $0x0  }
0x57: {  	s30 =	simm.s32 $0x0;
	[sflag:s24] =	ssyncadd.s32 $0xFFFFFE00  }
0x58: {  	[tilespmem:s17], [sflag:$0x1] =	stream.indirect.gather [hbm4b:s4+s16], $0x80, s3, s16, $0xb8;
	[tilespmem:$0x1C400] =	vst v63  }
.LBB2_2:
0x59: {  	_ =	swait.ge [sflag:s18], $0x4000  }
0x5a: {  	[sflag:s18] =	ssyncset.done $0x0  }
0x5b: {  	[sflag:s18] =	ssyncadd.s32 $0xFFFFC000  }
0x5c: {  	[spmem:s2] =	stream.indirect.scatter.add.f32 [tilespmem:s17], [sflag:$0x1], $0x80, s16, s16, $0xb8;
	[tilespmem:$0x1C400] =	vst v63  }
0x5d: {  	_ =	swait.ge [sflag:s22], $0x4000  }
0x5e: {  	[sflag:s22] =	ssyncset.done $0x0  }
0x5f: {  	s31 =	sadd.s32 s30, s13;
	[sflag:s22] =	ssyncadd.s32 $0xFFFFC000  }
0x60: {  	[tilespmem:s19], [sflag:$0x3] =	stream.linear.gather [hbm4b:s31+s3], $0x200, $0x38;
	[tilespmem:$0x1C400] =	vst v63  }
0x61: {  	_ = 	snop  }
0x62: {  	[tilespmem:s21], [sflag:$0x2] =	stream.indirect.gather [hbm4b:s4+s16], $0x80, s20, s16, $0xb8;
	[tilespmem:$0x1C400] =	vst v63  }
0x63: {  	_ =	swait.ge [sflag:s22], $0x4000  }
0x64: {  	[sflag:s22] =	ssyncset.done $0x0  }
0x65: {  	[sflag:s22] =	ssyncadd.s32 $0xFFFFC000  }
0x66: {  	[spmem:s2] =	stream.indirect.scatter.add.f32 [tilespmem:s21], [sflag:$0x2], $0x80, s23, s16, $0xb8;
	[tilespmem:$0x1C400] =	vst v63  }
0x67: {  	_ =	swait.ge [sflag:s18], $0x4000  }
0x68: {  	[sflag:s18] =	ssyncset.done $0x0  }
0x69: {  	[sflag:s18] =	ssyncadd.s32 $0xFFFFC000  }
0x6a: {  	_ =	swait.ge [sflag:s24], $0x200  }
0x6b: {  	[sflag:s24] =	ssyncset.done $0x0  }
0x6c: {  	[sflag:s24] =	ssyncadd.s32 $0xFFFFFE00  }
0x6d: {  	[tilespmem:s17], [sflag:$0x1] =	stream.indirect.gather [hbm4b:s4+s16], $0x80, s19, s16, $0xb8;
	[tilespmem:$0x1C400] =	vst v63  }
0x6e: {  	_ =	swait.ge [sflag:s18], $0x4000  }
0x6f: {  	p0 =	sne.s32 s30, $0x900;
	[sflag:s18] =	ssyncset.done $0x0  }
.Ltmp2:
0x70: {  	[sflag:s18] =	ssyncadd.s32 $0xFFFFC000;
	(pc) =	sbr.rel @!p0 .LBB2_3-.Ltmp2, $4  }
0x71: {  	[spmem:s2] =	stream.indirect.scatter.add.f32 [tilespmem:s17], [sflag:$0x1], $0x80, s25, s16, $0xb8;
	[tilespmem:$0x1C400] =	vst v63  }
0x72: {  	_ =	swait.ge [sflag:s22], $0x4000  }
0x73: {  	[sflag:s22] =	ssyncset.done $0x0  }
0x74: {  	[sflag:s22] =	ssyncadd.s32 $0xFFFFC000  }
0x75: {  	s31 =	sadd.s32 s30, s12  }
0x76: {  	[tilespmem:s3], [sflag:$0x3] =	stream.linear.gather [hbm4b:s31+s3], $0x200, $0x38;
	[tilespmem:$0x1C400] =	vst v63  }
0x77: {  	_ = 	snop  }
0x78: {  	[tilespmem:s21], [sflag:$0x2] =	stream.indirect.gather [hbm4b:s4+s16], $0x80, s26, s16, $0xb8;
	[tilespmem:$0x1C400] =	vst v63  }
0x79: {  	_ =	swait.ge [sflag:s22], $0x4000  }
0x7a: {  	[sflag:s22] =	ssyncset.done $0x0  }
0x7b: {  	[sflag:s22] =	ssyncadd.s32 $0xFFFFC000  }
0x7c: {  	[spmem:s2] =	stream.indirect.scatter.add.f32 [tilespmem:s21], [sflag:$0x2], $0x80, s28, s16, $0xb8;
	[tilespmem:$0x1C400] =	vst v63  }
0x7d: {  	s30 =	sadd.s32 $0x80, s30;
	_ =	swait.ge [sflag:s18], $0x4000  }
0x7e: {  	p0 =	sne.s32 s30, $0x980;
	[sflag:s18] =	ssyncset.done $0x0  }
.Ltmp3:
0x7f: {  	[sflag:s18] =	ssyncadd.s32 $0xFFFFC000;
	(pc) =	sbr.rel @p0 .LBB2_2-.Ltmp3, $4  }
.Ltmp4:
0x80: {  	_ =	swait.ge [sflag:s24], $0x200;
	(pc) =	sbr.rel @!p0 .LBB2_5-.Ltmp4, $4  }
0x81: {  	[sflag:s24] =	ssyncset.done $0x0  }
0x82: {  	[sflag:s24] =	ssyncadd.s32 $0xFFFFFE00  }
0x83: {  	[tilespmem:s17], [sflag:$0x1] =	stream.indirect.gather [hbm4b:s4+s16], $0x80, s3, s16, $0xb8;
	[tilespmem:$0x1C400] =	vst v63  }
0x84: {  	_ = 	snop  }
.LBB2_6:
0x85: {  	_ =	sfence.sel $0x180000  }
0x86: {  	[bflag:$0x0] =	sbarrier.arrive $0xFFFF  }
0x87: {  	p0 =	sne.s32 s0, $0x0;
	_ =	strace $0x9000004A  }
0x88: {  	s0 =	sadd.s32 @!p0 $0x100000, s1;
	[bflag:$0x2] =	sbarrier.arrive $0xFFFF  }
0x89: {  	[sflag:s0] =	ssyncadd.tile.s32 @!p0 $0x1;
	_ =	shalt  }
.Lfunc_end2:
_tile_overlayer_lowered:
.L_overlay_start_2:
0x8a: {  	(tag) =	ssettag $0x2  }
0x8b: {  	s0 =	rddreg [dreg:$0x0];
	s2 =	stileid.u32  }
0x8c: {  	s1 =	rddreg [dreg:$0x1];
	p0 =	sne.s32 s2, $0x0  }
0x8d: {  	s3 =	rddreg [dreg:$0x2];
	[bflag:$0x3] =	sbarrier.arrive $0xFFFF;
	s2 =	simm.s32 @!p0 $0x1C04  }
0x8e: {  	[timem:s3], [sflag:s2] =	dma.local @!p0 [hbm:s0], s1  }
0x8f: {  	s0 =	simm.s32 @!p0 $0x4  }
0x90: {  	_ =	swait.ge @!p0 [sflag:s0], s1  }
0x91: {  	s1 =	ssub.s32 @!p0 $0x0, s1;
	[sflag:s0] =	ssyncset.done @!p0 $0x0  }
0x92: {  	[sflag:s0] =	ssyncadd.s32 @!p0 s1  }
0x93: {  	[bflag:$0x3] =	sbarrier.arrive $0xFFFF  }
0x94: {  	_ =	shalt  }

// kernel: kernel.14.cloned.1.call-start
scs
__scs_entry_jumppad:
0x0: {  	(pc) =	sbr.rel $0x88, $3  }
0x1: {  	(tag) =	ssettag $0x0;
	lr =	simm.s32 $0x1  }
0x2: {  	[smem:$0x3F9B] =	sst lr;
	_ =	strace $0xD0000000  }
0x3: {  	_ = 	snop  }
0x4: {  	_ = 	snop  }
0x5: {  	_ = 	snop  }
0x6: {  	_ = 	snop  }
0x7: {  	_ = 	snop  }
__scs_overlays_trampoline_lowered:
0x8: {  	[smem:$0x3FAA] =	sst s0  }
0x9: {  	[smem:$0x3FAB] =	sst s1  }
0xa: {  	[smem:$0x3FAC] =	sst s2  }
0xb: {  	[smem:$0x3FAD] =	sst s3  }
0xc: {  	[smem:$0x3FAE] =	sst s4  }
0xd: {  	[smem:$0x3FAF] =	sst s5  }
0xe: {  	[smem:$0x3FB0] =	sst s6  }
0xf: {  	[smem:$0x3FB1] =	sst s7  }
0x10: {  	[smem:$0x3FB2] =	sst s8  }
0x11: {  	[smem:$0x3FB3] =	sst s9;
	s0 =	simm.s32 @!p0 $0x0  }
0x12: {  	s1 =	sld [smem:$0x3F99];
	s0 =	simm.s32 @p0 $0x1  }
0x13: {  	[smem:$0x3FB4] =	sst s0;
	s0 =	simm.s32 @!p1 $0x0  }
0x14: {  	s2 =	sld [smem:$0x3F98];
	s0 =	simm.s32 @p1 $0x1  }
0x15: {  	[smem:$0x3FB5] =	sst s0;
	s0 =	simm.s32 @!p2 $0x0  }
0x16: {  	s3 =	sld [smem:$0x3FDB];
	s0 =	simm.s32 @p2 $0x1  }
0x17: {  	s4 =	simm.s32 $0x1BF5;
	[smem:$0x3FB7] =	sst s0  }
0x18: {  	s0 =	sld [smem:$0x3F9A];
	_ =	swait.ge [sflag:s4], $0x0  }
0x19: {  	s7 =	sld [smem:$0x3F9B]  }
0x1a: {  	s8 =	sadd.s32 $0xFFFFE003, lr  }
0x1b: {  	s9 =	sadd.s32 $0xFFFFFEF7, lr;
	s5 =	simm.s32 $0xFFFFFFFF;
	p2 =	slt.u32 s8, $0xFFFFF086  }
0x1c: {  	p1 =	slt.u32 s9, $0xF7A;
	s5 =	simm.s32 @!p2 $0x0  }
0x1d: {  	s5 =	simm.s32 @p1 $0x1;
	p0 =	seq.s32 s7, s2  }
0x1e: {  	s7 =	smul.u32 @!p0 $0xF7A, s2;
	p2 =	seq.s32 @!p0 s5, $0x0  }
0x1f: {  	s9 =	smul.u32 $0xF7A, s1;
	s8 =	simm.s32 @!p0 $0x1BF5;
	p2 =	por !p2, p0  }
0x20: {  	[sflag:s8] =	ssyncset.s32 @!p0 $0xFFFFF086;
	s6 =	sadd.s32 @!p0 s3, s7;
	s7 =	simm.s32 @!p0 $0x108  }
0x21: {  	s3 =	sadd.s32 s3, s9;
	s6 =	sadd.s32 @!p0 $0x88, s6;
	s7 =	simm.s32 @p2 $0x1082  }
0x22: {  	[simem:s7], [sflag:s8] =	dma.local @!p0 [hbm:s6], $0xF7A  }
0x23: {  	s9 =	sor.u32 $0xD0000000, s2;
	s6 =	simm.s32 $0x108;
	_ =	swait.ge @!p0 [sflag:s8], $0x0  }
0x24: {  	s3 =	sadd.s32 $0x88, s3;
	s6 =	simm.s32 @!p1 $0x1082;
	[sflag:s4] =	ssyncset.s32 $0xFFFFF086  }
0x25: {  	[simem:s6], [sflag:s4] =	dma.local [hbm:s3], $0xF7A  }
0x26: {  	[smem:$0x3F9B] =	sst s1;
	(tag) =	ssettag s2;
	_ =	strace s9  }
0x27: {  	s1 =	sld [smem:$0x3FAB]  }
0x28: {  	s2 =	sld [smem:$0x3FAC]  }
0x29: {  	s4 =	sld [smem:$0x3FAE]  }
0x2a: {  	p0 =	seq.s32 s5, $0x0;
	s5 =	sld [smem:$0x3FAF]  }
0x2b: {  	s6 =	sld [smem:$0x3FB0]  }
0x2c: {  	s7 =	sld [smem:$0x3FB1]  }
0x2d: {  	s3 =	simm.s32 $0x108;
	s8 =	sld [smem:$0x3FB2]  }
0x2e: {  	s3 =	simm.s32 @!p0 $0x1082;
	s9 =	sld [smem:$0x3FB3]  }
0x2f: {  	lr =	sadd.s32 s0, s3;
	s0 =	sld [smem:$0x3FAA]  }
0x30: {  	s3 =	sld [smem:$0x3FAD]  }
0x31: {  	[smem:$0x3FB6] =	sst s10  }
0x32: {  	s10 =	sld [smem:$0x3FB4];
	_ =	sdelay $0x3  }
0x33: {  	p0 =	seq.s32 s10, $0x1;
	s10 =	sld [smem:$0x3FB6];
	_ =	sdelay $0x3  }
0x34: {  	[smem:$0x3FB6] =	sst s10  }
0x35: {  	s10 =	sld [smem:$0x3FB5];
	_ =	sdelay $0x3  }
0x36: {  	p1 =	seq.s32 s10, $0x1;
	s10 =	sld [smem:$0x3FB6];
	_ =	sdelay $0x3  }
0x37: {  	[smem:$0x3FB6] =	sst s10  }
0x38: {  	s10 =	sld [smem:$0x3FB7]  }
0x39: {  	_ = 	snop;
	(pc) =	sbr.ind lr, $3  }
0x3a: {  	_ = 	snop  }
0x3b: {  	_ = 	snop  }
0x3c: {  	p2 =	seq.s32 s10, $0x1;
	s10 =	sld [smem:$0x3FB6]  }
0x3d: {  	_ =	shalt  }
0x3e: {  	_ =	shalt  }
0x3f: {  	_ =	shalt  }
0x40: {  	_ =	shalt  }
0x41: {  	_ =	shalt  }
0x42: {  	_ =	shalt  }
0x43: {  	_ =	shalt  }
0x44: {  	_ =	shalt  }
0x45: {  	_ =	shalt  }
0x46: {  	_ =	shalt  }
0x47: {  	_ =	shalt  }
0x48: {  	_ =	shalt  }
0x49: {  	_ =	shalt  }
0x4a: {  	_ =	shalt  }
0x4b: {  	_ =	shalt  }
0x4c: {  	_ =	shalt  }
0x4d: {  	_ =	shalt  }
0x4e: {  	_ =	shalt  }
0x4f: {  	_ =	shalt  }
0x50: {  	_ =	shalt  }
0x51: {  	_ =	shalt  }
0x52: {  	_ =	shalt  }
0x53: {  	_ =	shalt  }
0x54: {  	_ =	shalt  }
0x55: {  	_ =	shalt  }
0x56: {  	_ =	shalt  }
0x57: {  	_ =	shalt  }
0x58: {  	_ =	shalt  }
0x59: {  	_ =	shalt  }
0x5a: {  	_ =	shalt  }
0x5b: {  	_ =	shalt  }
0x5c: {  	_ =	shalt  }
0x5d: {  	_ =	shalt  }
0x5e: {  	_ =	shalt  }
0x5f: {  	_ =	shalt  }
0x60: {  	_ =	shalt  }
0x61: {  	_ =	shalt  }
0x62: {  	_ =	shalt  }
0x63: {  	_ =	shalt  }
0x64: {  	_ =	shalt  }
0x65: {  	_ =	shalt  }
0x66: {  	_ =	shalt  }
0x67: {  	_ =	shalt  }
0x68: {  	_ =	shalt  }
0x69: {  	_ =	shalt  }
0x6a: {  	_ =	shalt  }
0x6b: {  	_ =	shalt  }
0x6c: {  	_ =	shalt  }
0x6d: {  	_ =	shalt  }
0x6e: {  	_ =	shalt  }
0x6f: {  	_ =	shalt  }
0x70: {  	_ =	shalt  }
0x71: {  	_ =	shalt  }
0x72: {  	_ =	shalt  }
0x73: {  	_ =	shalt  }
0x74: {  	_ =	shalt  }
0x75: {  	_ =	shalt  }
0x76: {  	_ =	shalt  }
0x77: {  	_ =	shalt  }
0x78: {  	_ =	shalt  }
0x79: {  	_ =	shalt  }
0x7a: {  	_ =	shalt  }
0x7b: {  	_ =	shalt  }
0x7c: {  	_ =	shalt  }
0x7d: {  	_ =	shalt  }
0x7e: {  	_ =	shalt  }
0x7f: {  	_ =	shalt  }
0x80: {  	_ =	shalt  }
0x81: {  	_ =	shalt  }
0x82: {  	_ =	shalt  }
0x83: {  	_ =	shalt  }
0x84: {  	_ =	shalt  }
0x85: {  	_ =	shalt  }
0x86: {  	_ =	shalt  }
0x87: {  	_ =	shalt  }
.Lfunc_end0:
.L_simem_size_0:
called_computation.2_lowered:
.L_overlay_start_0:
0x88: {  	s2 =	sld [smem:$0x3FD9]  }
0x89: {  	s3 =	sld [smem:$0x3FFE];
	_ =	sdelay $0x1  }
0x8a: {  	s1 =	srdreg.scid  }
0x8b: {  	s0 =	sand.u32 $0x1, s1  }
0x8c: {  	s16 =	sshll.u32 s0, $0xA;
	s2 =	sadd.s32 s3, s2  }
0x8d: {  	s2 =	sadd.s32 s2, s16  }
0x8e: {  	[smem:$0x3FC2] =	sst s2  }
0x8f: {  	_ = 	snop  }
0x90: {  	(tm) =	ssettm $0x1  }
0x91: {  	s17 =	sld [smem:$0x3FFB];
	_ =	sdelay $0x3  }
0x92: {  	_ =	strace s17  }
0x93: {  	s2 =	sld [smem:$0x3FFC];
	_ =	sdelay $0x3  }
0x94: {  	_ =	strace s2  }
0x95: {  	s2 =	sld [smem:$0x3FFD];
	_ =	sdelay $0x3  }
0x96: {  	_ =	strace s2  }
0x97: {  	_ =	strace $0x8FFFFFFF  }
0x98: {  	s18 =	sld [smem:$0x3FDB];
	_ =	sdelay $0x1  }
0x99: {  	s19 =	simm.s32 $_scs_section_size  }
0x9a: {  	s4 =	simm.s32 $_size__tile_overlayer_lowered;
	s5 =	simm.s32 $_tile_overlayer_lowered  }
0x9b: {  	s22 =	simm.s32 $0x1BFF;
	s21 =	sshll.u32 s5, $0x1;
	s2 =	sadd.s32 s19, s18  }
0x9c: {  	s6 =	simm.s32 $0x0;
	s20 =	sshll.u32 s4, $0x1;
	s4 =	sadd.s32 s21, s2  }
0x9d: {  	[timem:s6], [sflag:s22] =	dma.local [hbm:s4], s20  }
0x9e: {  	_ =	swait.ge [sflag:s22], s20  }
0x9f: {  	s3 =	ssub.s32 $0x0, s20;
	[sflag:s22] =	ssyncset.done $0x0  }
0xa0: {  	[sflag:s22] =	ssyncadd.s32 s3;
	_ =	sdelay $0x1  }
0xa1: {  	s23 =	simm.s32 $0x1B8B  }
0xa2: {  	_ =	swait.ge [sflag:s23], $0x1  }
0xa3: {  	[sflag:s23] =	ssyncset.done $0x0  }
0xa4: {  	s25 =	simm.s32 $0x1B8E;
	s24 =	sld [smem:$0x3FFE];
	[sflag:s23] =	ssyncadd.s32 $0xFFFFFFFF  }
0xa5: {  	s26 =	simm.s32 $execute0_lowered;
	[smem:$0x3FD2] =	sst s25  }
0xa6: {  	s4 =	sshll.u32 s26, $0x1;
	_ =	strace $0x8000004C;
	[dreg:$0x1] =	wrdreg $0xFFFFFFFF  }
0xa7: {  	s28 =	simm.s32 $_size_execute0_lowered;
	s2 =	sadd.s32 s2, s4;
	[dreg:$0x0] =	wrdreg $0x0  }
0xa8: {  	s4 =	sshll.u32 s28, $0x1;
	[dreg:$0x2] =	wrdreg s2  }
0xa9: {  	[dreg:$0x3] =	wrdreg s4  }
0xaa: {  	[dreg:$0x4] =	wrdreg $0xC0  }
0xab: {  	_ =	task [dreg:s6], $0x5FFFF  }
0xac: {  	[dreg:$0x1] =	wrdreg $0xFFFFFFFF  }
0xad: {  	[dreg:$0x0] =	wrdreg $0x60  }
0xae: {  	[dreg:$0x2] =	wrdreg s24  }
0xaf: {  	[dreg:$0x3] =	wrdreg $0x84000  }
0xb0: {  	[dreg:$0x4] =	wrdreg $0x9  }
0xb1: {  	_ =	task.clear_ibuf [dreg:s6], $0x5FFFF;
	_ =	strace $0x9000004C  }
0xb2: {  	s29 =	simm.s32 $0x9;
	_ =	strace $0x8000004E  }
0xb3: {  	_ =	swait.ge [sflag:s29], $0x1  }
0xb4: {  	[sflag:s29] =	ssyncadd.s32 $0xFFFFFFFF  }
0xb5: {  	_ =	strace $0x9000004E  }
0xb6: {  	_ =	sfence  }
0xb7: {  	s30 =	sld [smem:$0x0];
	_ =	sdelay $0x2  }
0xb8: {  	s31 =	sshll.u32 s1, $0xD;
	s1 =	sshrl.u32 s1, $0x2  }
0xb9: {  	s3 =	sand.u32 $0x4000, s31;
	s1 =	sadd.s32 s1, s30  }
0xba: {  	s0 =	sor.u32 s3, s0;
	s1 =	sshll.u32 s1, $0x11  }
0xbb: {  	s0 =	sor.u32 s1, s0  }
0xbc: {  	s0 =	sadd.s32 $0x8F2B, s0  }
0xbd: {  	[sflag:s0] =	ssyncadd.remote.s32 $0x1  }
0xbe: {  	_ =	sfence.sel $0xFFFF  }
0xbf: {  	[dreg:$0x0] =	wrdreg $0xFFFFFFFF;
	(pc) =	sbr.abs _section_cstart, $3  }
0xc0: {  	[dreg:$0x1] =	wrdreg $0xFFFFFFFF  }
0xc1: {  	_ =	task.clear_ibuf [dreg:s6], $0x2FFFF;
	_ =	strace $0x9FFFFFFF  }
0xc2: {  	(tm) =	ssettm $0x7FFFFFFF  }
0xc3: {  	_ =	shalt  }
tec
execute0_lowered:
.L_overlay_start_1:
0x0: {  	(tag) =	ssettag $0x1  }
0x1: {  	s5 =	rddreg [dreg:$0x0];
	s1 =	srdreg.scid  }
0x2: {  	s0 =	stileid.u32;
	s2 =	rddreg [dreg:$0x1]  }
0x3: {  	s3 =	simm.s32 $0x0;
	s17 =	simm.s32 $0x400;
	s18 =	simm.s32 $0x1  }
0x4: {  	s19 =	simm.s32 $0x200;
	s20 =	simm.s32 $0x100;
	s21 =	simm.s32 $0x4400  }
0x5: {  	s22 =	simm.s32 $0x2;
	s23 =	simm.s32 $0x180;
	s28 =	simm.s32 $0x380  }
0x6: {  	s6 =	sand.u32 $0x1, s1;
	s7 =	smul.u32 $0x14000, s0;
	s1 =	rddreg [dreg:$0x2]  }
0x7: {  	s29 =	simm.s32 $0x0;
	[smem:$0x7FF] =	sst s3;
	s10 =	smul.u32 $0x50000, s0  }
0x8: {  	s13 =	sadd.s32 $0x3000, s5;
	s25 =	sshll.u32 s0, $0x6;
	s30 =	smul.u32 $0x5000, s0  }
0x9: {  	s4 =	smul.u32 $0x140000, s6;
	_ =	strace $0x8000004D;
	s9 =	ssub.s32 $0x2, s6  }
0xa: {  	s11 =	sshll.u32 s6, $0x4;
	s12 =	smul.u32 $0x50000, s6;
	s6 =	sor.u32 $0x1C04, s25  }
0xb: {  	s25 =	simm.s32 $0x280;
	s24 =	sshrl.u32 s9, $0x1;
	s11 =	sor.u32 s0, s11  }
0xc: {  	s10 =	sshrl.u32 s10, $0x2;
	s8 =	sadd.s32 s7, s4;
	s4 =	sadd.s32 $0x17000, s5  }
0xd: {  	s7 =	sshrl.u32 s7, $0x3;
	s11 =	smul.u32 $0x5000, s11;
	s9 =	ssub.s32 s9, s24  }
0xe: {  	s14 =	sadd.s32 s10, s2;
	s12 =	sadd.s32 s30, s12;
	s24 =	simm.s32 $0x3  }
0xf: {  	s8 =	sshrl.u32 s8, $0x3;
	s9 =	smax.u32 s9, $0x1;
	s31 =	sor.u32 $0x800, s12  }
0x10: {  	s12 =	sor.u32 $0x600, s12;
	s14 =	sshrl.u32 s14, $0x3;
	s8 =	sadd.s32 s8, s5  }
0x11: {  	s5 =	sadd.s32 s4, s7;
	s26 =	sshrl.u32 s11, $0x3;
	s15 =	sor.u32 $0x200, s11  }
.Ltmp0:
0x12: {  	s11 =	sor.u32 $0x400, s11;
	s16 =	sshrl.u32 s12, $0x3;
	(pc) =	sbr.rel .LBB2_1-.Ltmp0, $4  }
0x13: {  	s7 =	sadd.s32 s13, s26;
	s8 =	sadd.s32 $0x3F000, s8;
	s15 =	sshrl.u32 s15, $0x3  }
0x14: {  	s11 =	sshrl.u32 s11, $0x3;
	s10 =	sadd.s32 s13, s15;
	s15 =	sshrl.u32 s31, $0x3  }
0x15: {  	s26 =	simm.s32 $0x300;
	s11 =	sadd.s32 s13, s11;
	s12 =	sadd.s32 s15, s13  }
0x16: {  	s13 =	sadd.s32 s16, s13;
	s15 =	simm.s32 $0x4;
	s16 =	simm.s32 $0x80  }
.LBB2_3:
0x17: {  	[tilespmem:s21], [sflag:$0x2] =	stream.indirect.gather [hbm4b:s4+s16], $0x80, s26, s16, $0xb8;
	[tilespmem:$0x1C400] =	vst v63  }
0x18: {  	_ =	swait.ge [sflag:s22], $0x4000  }
0x19: {  	[sflag:s22] =	ssyncset.done $0x0  }
0x1a: {  	[sflag:s22] =	ssyncadd.s32 $0xFFFFC000  }
0x1b: {  	[spmem:s2] =	stream.indirect.scatter.add.f32 [tilespmem:s21], [sflag:$0x2], $0x80, s28, s16, $0xb8;
	[tilespmem:$0x1C400] =	vst v63  }
0x1c: {  	_ =	swait.ge [sflag:s18], $0x4000  }
0x1d: {  	[sflag:s18] =	ssyncset.done $0x0  }
0x1e: {  	[sflag:s18] =	ssyncadd.s32 $0xFFFFC000  }
.LBB2_5:
0x1f: {  	_ =	swait.ge [sflag:s22], $0x4000  }
0x20: {  	s29 =	sadd.s32 $0x1, s29;
	[sflag:s22] =	ssyncset.done $0x0  }
0x21: {  	p0 =	sne.s32 s29, s9;
	[sflag:s22] =	ssyncadd.s32 $0xFFFFC000  }
.Ltmp1:
0x22: {  	[bflag:$0x0] =	sbarrier.arrive $0xFFFF;
	(pc) =	sbr.rel @!p0 .LBB2_6-.Ltmp1, $4  }
0x23: {  	[hbm:s8], [sflag:s6] =	dma.local [spmem:s14], $0x2800  }
0x24: {  	_ =	swait.ge [sflag:s15], $0x2800  }
0x25: {  	[sflag:s15] =	ssyncset.done $0x0  }
0x26: {  	[sflag:s15] =	ssyncadd.s32 $0xFFFFD800  }
.LBB2_1:
0x27: {  	[spmem:s14], [sflag:s6] =	dma.local [hbm:s5], $0x2800  }
0x28: {  	_ =	swait.ge [sflag:s15], $0x2800  }
0x29: {  	[sflag:s15] =	ssyncset.done $0x0  }
0x2a: {  	[sflag:s15] =	ssyncadd.s32 $0xFFFFD800  }
0x2b: {  	[tilespmem:s3], [sflag:$0x4] =	stream.linear.gather [hbm4b:s7+s3], $0x200, $0x38;
	[tilespmem:$0x1C400] =	vst v63  }
0x2c: {  	_ =	swait.ge [sflag:s15], $0x200  }
0x2d: {  	[sflag:s15] =	ssyncset.done $0x0  }
0x2e: {  	[sflag:s15] =	ssyncadd.s32 $0xFFFFFE00  }
0x2f: {  	[bflag:$0x0] =	sbarrier.arrive $0xFFFF  }
0x30: {  	[tilespmem:s17], [sflag:$0x1] =	stream.indirect.gather [hbm4b:s4+s16], $0x80, s3, s16, $0xb8;
	[tilespmem:$0x1C400] =	vst v63  }
0x31: {  	_ =	swait.ge [sflag:s18], $0x4000  }
0x32: {  	[sflag:s18] =	ssyncset.done $0x0  }
0x33: {  	[sflag:s18] =	ssyncadd.s32 $0xFFFFC000  }
0x34: {  	[spmem:s2] =	stream.indirect.scatter.add.f32 [tilespmem:s17], [sflag:$0x1], $0x80, s16, s16, $0xb8;
	[tilespmem:$0x1C400] =	vst v63  }
0x35: {  	_ = 	snop  }
0x36: {  	[tilespmem:s19], [sflag:$0x3] =	stream.linear.gather [hbm4b:s10+s3], $0x200, $0x38;
	[tilespmem:$0x1C400] =	vst v63  }
0x37: {  	_ = 	snop  }
0x38: {  	[tilespmem:s21], [sflag:$0x2] =	stream.indirect.gather [hbm4b:s4+s16], $0x80, s20, s16, $0xb8;
	[tilespmem:$0x1C400] =	vst v63  }
0x39: {  	_ =	swait.ge [sflag:s22], $0x4000  }
0x3a: {  	[sflag:s22] =	ssyncset.done $0x0  }
0x3b: {  	[sflag:s22] =	ssyncadd.s32 $0xFFFFC000  }
0x3c: {  	[spmem:s2] =	stream.indirect.scatter.add.f32 [tilespmem:s21], [sflag:$0x2], $0x80, s23, s16, $0xb8;
	[tilespmem:$0x1C400] =	vst v63  }
0x3d: {  	_ =	swait.ge [sflag:s18], $0x4000  }
0x3e: {  	[sflag:s18] =	ssyncset.done $0x0  }
0x3f: {  	[sflag:s18] =	ssyncadd.s32 $0xFFFFC000  }
0x40: {  	_ =	swait.ge [sflag:s24], $0x200  }
0x41: {  	[sflag:s24] =	ssyncset.done $0x0  }
0x42: {  	[sflag:s24] =	ssyncadd.s32 $0xFFFFFE00  }
0x43: {  	[tilespmem:s17], [sflag:$0x1] =	stream.indirect.gather [hbm4b:s4+s16], $0x80, s19, s16, $0xb8;
	[tilespmem:$0x1C400] =	vst v63  }
0x44: {  	_ =	swait.ge [sflag:s18], $0x4000  }
0x45: {  	[sflag:s18] =	ssyncset.done $0x0  }
0x46: {  	[sflag:s18] =	ssyncadd.s32 $0xFFFFC000  }
0x47: {  	[spmem:s2] =	stream.indirect.scatter.add.f32 [tilespmem:s17], [sflag:$0x1], $0x80, s25, s16, $0xb8;
	[tilespmem:$0x1C400] =	vst v63  }
0x48: {  	_ =	swait.ge [sflag:s22], $0x4000  }
0x49: {  	[sflag:s22] =	ssyncset.done $0x0  }
0x4a: {  	[sflag:s22] =	ssyncadd.s32 $0xFFFFC000  }
0x4b: {  	[tilespmem:s3], [sflag:$0x3] =	stream.linear.gather [hbm4b:s11+s3], $0x200, $0x38;
	[tilespmem:$0x1C400] =	vst v63  }
0x4c: {  	_ = 	snop  }
0x4d: {  	[tilespmem:s21], [sflag:$0x2] =	stream.indirect.gather [hbm4b:s4+s16], $0x80, s26, s16, $0xb8;
	[tilespmem:$0x1C400] =	vst v63  }
0x4e: {  	_ =	swait.ge [sflag:s22], $0x4000  }
0x4f: {  	[sflag:s22] =	ssyncset.done $0x0  }
0x50: {  	[sflag:s22] =	ssyncadd.s32 $0xFFFFC000  }
0x51: {  	[spmem:s2] =	stream.indirect.scatter.add.f32 [tilespmem:s21], [sflag:$0x2], $0x80, s28, s16, $0xb8;
	[tilespmem:$0x1C400] =	vst v63  }
0x52: {  	_ =	swait.ge [sflag:s18], $0x4000  }
0x53: {  	[sflag:s18] =	ssyncset.done $0x0  }
0x54: {  	[sflag:s18] =	ssyncadd.s32 $0xFFFFC000  }
0x55: {  	_ =	swait.ge [sflag:s24], $0x200  }
0x56: {  	[sflag:s24] =	ssyncset.done $0x0  }
0x57: {  	s30 =	simm.s32 $0x0;
	[sflag:s24] =	ssyncadd.s32 $0xFFFFFE00  }
0x58: {  	[tilespmem:s17], [sflag:$0x1] =	stream.indirect.gather [hbm4b:s4+s16], $0x80, s3, s16, $0xb8;
	[tilespmem:$0x1C400] =	vst v63  }
.LBB2_2:
0x59: {  	_ =	swait.ge [sflag:s18], $0x4000  }
0x5a: {  	[sflag:s18] =	ssyncset.done $0x0  }
0x5b: {  	[sflag:s18] =	ssyncadd.s32 $0xFFFFC000  }
0x5c: {  	[spmem:s2] =	stream.indirect.scatter.add.f32 [tilespmem:s17], [sflag:$0x1], $0x80, s16, s16, $0xb8;
	[tilespmem:$0x1C400] =	vst v63  }
0x5d: {  	_ =	swait.ge [sflag:s22], $0x4000  }
0x5e: {  	[sflag:s22] =	ssyncset.done $0x0  }
0x5f: {  	s31 =	sadd.s32 s30, s13;
	[sflag:s22] =	ssyncadd.s32 $0xFFFFC000  }
0x60: {  	[tilespmem:s19], [sflag:$0x3] =	stream.linear.gather [hbm4b:s31+s3], $0x200, $0x38;
	[tilespmem:$0x1C400] =	vst v63  }
0x61: {  	_ = 	snop  }
0x62: {  	[tilespmem:s21], [sflag:$0x2] =	stream.indirect.gather [hbm4b:s4+s16], $0x80, s20, s16, $0xb8;
	[tilespmem:$0x1C400] =	vst v63  }
0x63: {  	_ =	swait.ge [sflag:s22], $0x4000  }
0x64: {  	[sflag:s22] =	ssyncset.done $0x0  }
0x65: {  	[sflag:s22] =	ssyncadd.s32 $0xFFFFC000  }
0x66: {  	[spmem:s2] =	stream.indirect.scatter.add.f32 [tilespmem:s21], [sflag:$0x2], $0x80, s23, s16, $0xb8;
	[tilespmem:$0x1C400] =	vst v63  }
0x67: {  	_ =	swait.ge [sflag:s18], $0x4000  }
0x68: {  	[sflag:s18] =	ssyncset.done $0x0  }
0x69: {  	[sflag:s18] =	ssyncadd.s32 $0xFFFFC000  }
0x6a: {  	_ =	swait.ge [sflag:s24], $0x200  }
0x6b: {  	[sflag:s24] =	ssyncset.done $0x0  }
0x6c: {  	[sflag:s24] =	ssyncadd.s32 $0xFFFFFE00  }
0x6d: {  	[tilespmem:s17], [sflag:$0x1] =	stream.indirect.gather [hbm4b:s4+s16], $0x80, s19, s16, $0xb8;
	[tilespmem:$0x1C400] =	vst v63  }
0x6e: {  	_ =	swait.ge [sflag:s18], $0x4000  }
0x6f: {  	p0 =	sne.s32 s30, $0x900;
	[sflag:s18] =	ssyncset.done $0x0  }
.Ltmp2:
0x70: {  	[sflag:s18] =	ssyncadd.s32 $0xFFFFC000;
	(pc) =	sbr.rel @!p0 .LBB2_3-.Ltmp2, $4  }
0x71: {  	[spmem:s2] =	stream.indirect.scatter.add.f32 [tilespmem:s17], [sflag:$0x1], $0x80, s25, s16, $0xb8;
	[tilespmem:$0x1C400] =	vst v63  }
0x72: {  	_ =	swait.ge [sflag:s22], $0x4000  }
0x73: {  	[sflag:s22] =	ssyncset.done $0x0  }
0x74: {  	[sflag:s22] =	ssyncadd.s32 $0xFFFFC000  }
0x75: {  	s31 =	sadd.s32 s30, s12  }
0x76: {  	[tilespmem:s3], [sflag:$0x3] =	stream.linear.gather [hbm4b:s31+s3], $0x200, $0x38;
	[tilespmem:$0x1C400] =	vst v63  }
0x77: {  	_ = 	snop  }
0x78: {  	[tilespmem:s21], [sflag:$0x2] =	stream.indirect.gather [hbm4b:s4+s16], $0x80, s26, s16, $0xb8;
	[tilespmem:$0x1C400] =	vst v63  }
0x79: {  	_ =	swait.ge [sflag:s22], $0x4000  }
0x7a: {  	[sflag:s22] =	ssyncset.done $0x0  }
0x7b: {  	[sflag:s22] =	ssyncadd.s32 $0xFFFFC000  }
0x7c: {  	[spmem:s2] =	stream.indirect.scatter.add.f32 [tilespmem:s21], [sflag:$0x2], $0x80, s28, s16, $0xb8;
	[tilespmem:$0x1C400] =	vst v63  }
0x7d: {  	s30 =	sadd.s32 $0x80, s30;
	_ =	swait.ge [sflag:s18], $0x4000  }
0x7e: {  	p0 =	sne.s32 s30, $0x980;
	[sflag:s18] =	ssyncset.done $0x0  }
.Ltmp3:
0x7f: {  	[sflag:s18] =	ssyncadd.s32 $0xFFFFC000;
	(pc) =	sbr.rel @p0 .LBB2_2-.Ltmp3, $4  }
.Ltmp4:
0x80: {  	_ =	swait.ge [sflag:s24], $0x200;
	(pc) =	sbr.rel @!p0 .LBB2_5-.Ltmp4, $4  }
0x81: {  	[sflag:s24] =	ssyncset.done $0x0  }
0x82: {  	[sflag:s24] =	ssyncadd.s32 $0xFFFFFE00  }
0x83: {  	[tilespmem:s17], [sflag:$0x1] =	stream.indirect.gather [hbm4b:s4+s16], $0x80, s3, s16, $0xb8;
	[tilespmem:$0x1C400] =	vst v63  }
0x84: {  	_ = 	snop  }
.LBB2_6:
0x85: {  	_ =	sfence.sel $0x180000  }
0x86: {  	[bflag:$0x0] =	sbarrier.arrive $0xFFFF  }
0x87: {  	p0 =	sne.s32 s0, $0x0;
	_ =	strace $0x9000004D  }
0x88: {  	s0 =	sadd.s32 @!p0 $0x100000, s1;
	[bflag:$0x2] =	sbarrier.arrive $0xFFFF  }
0x89: {  	[sflag:s0] =	ssyncadd.tile.s32 @!p0 $0x1;
	_ =	shalt  }
.Lfunc_end2:
_tile_overlayer_lowered:
.L_overlay_start_2:
0x8a: {  	(tag) =	ssettag $0x2  }
0x8b: {  	s0 =	rddreg [dreg:$0x0];
	s2 =	stileid.u32  }
0x8c: {  	s1 =	rddreg [dreg:$0x1];
	p0 =	sne.s32 s2, $0x0  }
0x8d: {  	s3 =	rddreg [dreg:$0x2];
	[bflag:$0x3] =	sbarrier.arrive $0xFFFF;
	s2 =	simm.s32 @!p0 $0x1C04  }
0x8e: {  	[timem:s3], [sflag:s2] =	dma.local @!p0 [hbm:s0], s1  }
0x8f: {  	s0 =	simm.s32 @!p0 $0x4  }
0x90: {  	_ =	swait.ge @!p0 [sflag:s0], s1  }
0x91: {  	s1 =	ssub.s32 @!p0 $0x0, s1;
	[sflag:s0] =	ssyncset.done @!p0 $0x0  }
0x92: {  	[sflag:s0] =	ssyncadd.s32 @!p0 s1  }
0x93: {  	[bflag:$0x3] =	sbarrier.arrive $0xFFFF  }
0x94: {  	_ =	shalt  }

// kernel: kernel.8.cloned.1.call-start
scs
__scs_entry_jumppad:
0x0: {  	(pc) =	sbr.rel $0x88, $3  }
0x1: {  	(tag) =	ssettag $0x0;
	lr =	simm.s32 $0x1  }
0x2: {  	[smem:$0x3F9B] =	sst lr;
	_ =	strace $0xD0000000  }
0x3: {  	_ = 	snop  }
0x4: {  	_ = 	snop  }
0x5: {  	_ = 	snop  }
0x6: {  	_ = 	snop  }
0x7: {  	_ = 	snop  }
__scs_overlays_trampoline_lowered:
0x8: {  	[smem:$0x3FAA] =	sst s0  }
0x9: {  	[smem:$0x3FAB] =	sst s1  }
0xa: {  	[smem:$0x3FAC] =	sst s2  }
0xb: {  	[smem:$0x3FAD] =	sst s3  }
0xc: {  	[smem:$0x3FAE] =	sst s4  }
0xd: {  	[smem:$0x3FAF] =	sst s5  }
0xe: {  	[smem:$0x3FB0] =	sst s6  }
0xf: {  	[smem:$0x3FB1] =	sst s7  }
0x10: {  	[smem:$0x3FB2] =	sst s8  }
0x11: {  	[smem:$0x3FB3] =	sst s9;
	s0 =	simm.s32 @!p0 $0x0  }
0x12: {  	s1 =	sld [smem:$0x3F99];
	s0 =	simm.s32 @p0 $0x1  }
0x13: {  	[smem:$0x3FB4] =	sst s0;
	s0 =	simm.s32 @!p1 $0x0  }
0x14: {  	s2 =	sld [smem:$0x3F98];
	s0 =	simm.s32 @p1 $0x1  }
0x15: {  	[smem:$0x3FB5] =	sst s0;
	s0 =	simm.s32 @!p2 $0x0  }
0x16: {  	s3 =	sld [smem:$0x3FDB];
	s0 =	simm.s32 @p2 $0x1  }
0x17: {  	s4 =	simm.s32 $0x1BF5;
	[smem:$0x3FB7] =	sst s0  }
0x18: {  	s0 =	sld [smem:$0x3F9A];
	_ =	swait.ge [sflag:s4], $0x0  }
0x19: {  	s7 =	sld [smem:$0x3F9B]  }
0x1a: {  	s8 =	sadd.s32 $0xFFFFE003, lr  }
0x1b: {  	s9 =	sadd.s32 $0xFFFFFEF7, lr;
	s5 =	simm.s32 $0xFFFFFFFF;
	p2 =	slt.u32 s8, $0xFFFFF086  }
0x1c: {  	p1 =	slt.u32 s9, $0xF7A;
	s5 =	simm.s32 @!p2 $0x0  }
0x1d: {  	s5 =	simm.s32 @p1 $0x1;
	p0 =	seq.s32 s7, s2  }
0x1e: {  	s7 =	smul.u32 @!p0 $0xF7A, s2;
	p2 =	seq.s32 @!p0 s5, $0x0  }
0x1f: {  	s9 =	smul.u32 $0xF7A, s1;
	s8 =	simm.s32 @!p0 $0x1BF5;
	p2 =	por !p2, p0  }
0x20: {  	[sflag:s8] =	ssyncset.s32 @!p0 $0xFFFFF086;
	s6 =	sadd.s32 @!p0 s3, s7;
	s7 =	simm.s32 @!p0 $0x108  }
0x21: {  	s3 =	sadd.s32 s3, s9;
	s6 =	sadd.s32 @!p0 $0x88, s6;
	s7 =	simm.s32 @p2 $0x1082  }
0x22: {  	[simem:s7], [sflag:s8] =	dma.local @!p0 [hbm:s6], $0xF7A  }
0x23: {  	s9 =	sor.u32 $0xD0000000, s2;
	s6 =	simm.s32 $0x108;
	_ =	swait.ge @!p0 [sflag:s8], $0x0  }
0x24: {  	s3 =	sadd.s32 $0x88, s3;
	s6 =	simm.s32 @!p1 $0x1082;
	[sflag:s4] =	ssyncset.s32 $0xFFFFF086  }
0x25: {  	[simem:s6], [sflag:s4] =	dma.local [hbm:s3], $0xF7A  }
0x26: {  	[smem:$0x3F9B] =	sst s1;
	(tag) =	ssettag s2;
	_ =	strace s9  }
0x27: {  	s1 =	sld [smem:$0x3FAB]  }
0x28: {  	s2 =	sld [smem:$0x3FAC]  }
0x29: {  	s4 =	sld [smem:$0x3FAE]  }
0x2a: {  	p0 =	seq.s32 s5, $0x0;
	s5 =	sld [smem:$0x3FAF]  }
0x2b: {  	s6 =	sld [smem:$0x3FB0]  }
0x2c: {  	s7 =	sld [smem:$0x3FB1]  }
0x2d: {  	s3 =	simm.s32 $0x108;
	s8 =	sld [smem:$0x3FB2]  }
0x2e: {  	s3 =	simm.s32 @!p0 $0x1082;
	s9 =	sld [smem:$0x3FB3]  }
0x2f: {  	lr =	sadd.s32 s0, s3;
	s0 =	sld [smem:$0x3FAA]  }
0x30: {  	s3 =	sld [smem:$0x3FAD]  }
0x31: {  	[smem:$0x3FB6] =	sst s10  }
0x32: {  	s10 =	sld [smem:$0x3FB4];
	_ =	sdelay $0x3  }
0x33: {  	p0 =	seq.s32 s10, $0x1;
	s10 =	sld [smem:$0x3FB6];
	_ =	sdelay $0x3  }
0x34: {  	[smem:$0x3FB6] =	sst s10  }
0x35: {  	s10 =	sld [smem:$0x3FB5];
	_ =	sdelay $0x3  }
0x36: {  	p1 =	seq.s32 s10, $0x1;
	s10 =	sld [smem:$0x3FB6];
	_ =	sdelay $0x3  }
0x37: {  	[smem:$0x3FB6] =	sst s10  }
0x38: {  	s10 =	sld [smem:$0x3FB7]  }
0x39: {  	_ = 	snop;
	(pc) =	sbr.ind lr, $3  }
0x3a: {  	_ = 	snop  }
0x3b: {  	_ = 	snop  }
0x3c: {  	p2 =	seq.s32 s10, $0x1;
	s10 =	sld [smem:$0x3FB6]  }
0x3d: {  	_ =	shalt  }
0x3e: {  	_ =	shalt  }
0x3f: {  	_ =	shalt  }
0x40: {  	_ =	shalt  }
0x41: {  	_ =	shalt  }
0x42: {  	_ =	shalt  }
0x43: {  	_ =	shalt  }
0x44: {  	_ =	shalt  }
0x45: {  	_ =	shalt  }
0x46: {  	_ =	shalt  }
0x47: {  	_ =	shalt  }
0x48: {  	_ =	shalt  }
0x49: {  	_ =	shalt  }
0x4a: {  	_ =	shalt  }
0x4b: {  	_ =	shalt  }
0x4c: {  	_ =	shalt  }
0x4d: {  	_ =	shalt  }
0x4e: {  	_ =	shalt  }
0x4f: {  	_ =	shalt  }
0x50: {  	_ =	shalt  }
0x51: {  	_ =	shalt  }
0x52: {  	_ =	shalt  }
0x53: {  	_ =	shalt  }
0x54: {  	_ =	shalt  }
0x55: {  	_ =	shalt  }
0x56: {  	_ =	shalt  }
0x57: {  	_ =	shalt  }
0x58: {  	_ =	shalt  }
0x59: {  	_ =	shalt  }
0x5a: {  	_ =	shalt  }
0x5b: {  	_ =	shalt  }
0x5c: {  	_ =	shalt  }
0x5d: {  	_ =	shalt  }
0x5e: {  	_ =	shalt  }
0x5f: {  	_ =	shalt  }
0x60: {  	_ =	shalt  }
0x61: {  	_ =	shalt  }
0x62: {  	_ =	shalt  }
0x63: {  	_ =	shalt  }
0x64: {  	_ =	shalt  }
0x65: {  	_ =	shalt  }
0x66: {  	_ =	shalt  }
0x67: {  	_ =	shalt  }
0x68: {  	_ =	shalt  }
0x69: {  	_ =	shalt  }
0x6a: {  	_ =	shalt  }
0x6b: {  	_ =	shalt  }
0x6c: {  	_ =	shalt  }
0x6d: {  	_ =	shalt  }
0x6e: {  	_ =	shalt  }
0x6f: {  	_ =	shalt  }
0x70: {  	_ =	shalt  }
0x71: {  	_ =	shalt  }
0x72: {  	_ =	shalt  }
0x73: {  	_ =	shalt  }
0x74: {  	_ =	shalt  }
0x75: {  	_ =	shalt  }
0x76: {  	_ =	shalt  }
0x77: {  	_ =	shalt  }
0x78: {  	_ =	shalt  }
0x79: {  	_ =	shalt  }
0x7a: {  	_ =	shalt  }
0x7b: {  	_ =	shalt  }
0x7c: {  	_ =	shalt  }
0x7d: {  	_ =	shalt  }
0x7e: {  	_ =	shalt  }
0x7f: {  	_ =	shalt  }
0x80: {  	_ =	shalt  }
0x81: {  	_ =	shalt  }
0x82: {  	_ =	shalt  }
0x83: {  	_ =	shalt  }
0x84: {  	_ =	shalt  }
0x85: {  	_ =	shalt  }
0x86: {  	_ =	shalt  }
0x87: {  	_ =	shalt  }
.Lfunc_end0:
.L_simem_size_0:
called_computation_lowered:
.L_overlay_start_0:
0x88: {  	s2 =	sld [smem:$0x3FD9]  }
0x89: {  	s3 =	sld [smem:$0x3FFE];
	_ =	sdelay $0x1  }
0x8a: {  	s1 =	srdreg.scid  }
0x8b: {  	s0 =	sand.u32 $0x1, s1  }
0x8c: {  	s17 =	sshll.u32 s0, $0xA;
	s2 =	sadd.s32 s3, s2  }
0x8d: {  	s2 =	sadd.s32 s2, s17  }
0x8e: {  	[smem:$0x3FC2] =	sst s2  }
0x8f: {  	_ = 	snop  }
0x90: {  	s2 =	sld [smem:$0x3FD0];
	(tm) =	ssettm $0x1  }
0x91: {  	s18 =	sld [smem:$0x3FFB];
	_ =	sdelay $0x3  }
0x92: {  	_ =	strace s18  }
0x93: {  	s3 =	sld [smem:$0x3FFC];
	_ =	sdelay $0x3  }
0x94: {  	_ =	strace s3  }
0x95: {  	s3 =	sld [smem:$0x3FFD];
	_ =	sdelay $0x3  }
0x96: {  	_ =	strace s3  }
0x97: {  	_ =	strace $0x8FFFFFFF  }
0x98: {  	s19 =	sld [smem:$0x3FDB];
	_ =	sdelay $0x1  }
0x99: {  	s4 =	simm.s32 $_scs_section_size  }
0x9a: {  	s5 =	simm.s32 $_size__tile_overlayer_lowered;
	s6 =	simm.s32 $_tile_overlayer_lowered  }
0x9b: {  	s22 =	simm.s32 $0x1BFF;
	s21 =	sshll.u32 s6, $0x1;
	s3 =	sadd.s32 s4, s19  }
0x9c: {  	s7 =	simm.s32 $0x0;
	s20 =	sshll.u32 s5, $0x1;
	s5 =	sadd.s32 s21, s3  }
0x9d: {  	[timem:s7], [sflag:s22] =	dma.local [hbm:s5], s20  }
0x9e: {  	_ =	swait.ge [sflag:s22], s20  }
0x9f: {  	s4 =	ssub.s32 $0x0, s20;
	[sflag:s22] =	ssyncset.done $0x0  }
0xa0: {  	[sflag:s22] =	ssyncadd.s32 s4;
	_ =	sdelay $0x1  }
0xa1: {  	s23 =	simm.s32 $0x1B8B  }
0xa2: {  	_ =	swait.ge [sflag:s23], $0x1  }
0xa3: {  	[sflag:s23] =	ssyncset.done $0x0  }
0xa4: {  	s25 =	simm.s32 $0x1B8E;
	s24 =	sld [smem:$0x3FFE];
	[sflag:s23] =	ssyncadd.s32 $0xFFFFFFFF  }
0xa5: {  	s26 =	simm.s32 $execute0_lowered;
	[smem:$0x3FD2] =	sst s25  }
0xa6: {  	s5 =	sshll.u32 s26, $0x1;
	_ =	strace $0x80000046;
	[dreg:$0x1] =	wrdreg $0xFFFFFFFF  }
0xa7: {  	s28 =	simm.s32 $_size_execute0_lowered;
	s3 =	sadd.s32 s3, s5;
	[dreg:$0x0] =	wrdreg $0x0  }
0xa8: {  	s5 =	sshll.u32 s28, $0x1;
	[dreg:$0x2] =	wrdreg s3  }
0xa9: {  	[dreg:$0x3] =	wrdreg s5  }
0xaa: {  	[dreg:$0x4] =	wrdreg $0xC0  }
0xab: {  	_ =	task [dreg:s7], $0x5FFFF  }
0xac: {  	[dreg:$0x1] =	wrdreg $0xFFFFFFFF  }
0xad: {  	[dreg:$0x0] =	wrdreg $0x60  }
0xae: {  	[dreg:$0x2] =	wrdreg s2  }
0xaf: {  	[dreg:$0x3] =	wrdreg s24  }
0xb0: {  	[dreg:$0x4] =	wrdreg $0x50000  }
0xb1: {  	[dreg:$0x5] =	wrdreg $0x9  }
0xb2: {  	_ =	task.clear_ibuf [dreg:s7], $0x6FFFF;
	_ =	strace $0x90000046  }
0xb3: {  	s29 =	simm.s32 $0x9;
	_ =	strace $0x80000048  }
0xb4: {  	_ =	swait.ge [sflag:s29], $0x1  }
0xb5: {  	[sflag:s29] =	ssyncadd.s32 $0xFFFFFFFF  }
0xb6: {  	_ =	strace $0x90000048  }
0xb7: {  	_ =	sfence  }
0xb8: {  	s30 =	sld [smem:$0x0];
	_ =	sdelay $0x2  }
0xb9: {  	s31 =	sshll.u32 s1, $0xD;
	s1 =	sshrl.u32 s1, $0x2  }
0xba: {  	s3 =	sand.u32 $0x4000, s31;
	s1 =	sadd.s32 s1, s30  }
0xbb: {  	s0 =	sor.u32 s3, s0;
	s1 =	sshll.u32 s1, $0x11  }
0xbc: {  	s0 =	sor.u32 s1, s0  }
0xbd: {  	s0 =	sadd.s32 $0x8F2B, s0  }
0xbe: {  	[sflag:s0] =	ssyncadd.remote.s32 $0x1  }
0xbf: {  	_ =	sfence.sel $0xFFFF  }
0xc0: {  	[dreg:$0x0] =	wrdreg $0xFFFFFFFF;
	(pc) =	sbr.abs _section_cstart, $3  }
0xc1: {  	[dreg:$0x1] =	wrdreg $0xFFFFFFFF  }
0xc2: {  	_ =	task.clear_ibuf [dreg:s7], $0x2FFFF;
	_ =	strace $0x9FFFFFFF  }
0xc3: {  	(tm) =	ssettm $0x7FFFFFFF  }
tec
execute0_lowered:
.L_overlay_start_1:
0x0: {  	(tag) =	ssettag $0x1  }
0x1: {  	s5 =	rddreg [dreg:$0x0]  }
0x2: {  	s4 =	rddreg [dreg:$0x1]  }
0x3: {  	s1 =	rddreg [dreg:$0x2]  }
0x4: {  	s0 =	rddreg [dreg:$0x3];
	s3 =	simm.s32 $0x0;
	s6 =	srdreg.scid  }
0x5: {  	s2 =	stileid.u32;
	s12 =	simm.s32 $0x3000;
	s13 =	simm.s32 $0x3800  }
0x6: {  	s14 =	simm.s32 $0x4000;
	s15 =	simm.s32 $0x4800;
	s16 =	simm.s32 $0x0  }
0x7: {  	[smem:$0x7FF] =	sst s3;
	s6 =	sand.u32 $0x1, s6;
	s7 =	sshll.u32 s2, $0x7  }
0x8: {  	s9 =	sshll.u32 s2, $0xA;
	p0 =	sgt.u32 s2, $0x9;
	_ =	strace $0x80000047  }
0x9: {  	s8 =	smul.u32 $0x2800, s6;
	s10 =	sshll.u32 s6, $0x4;
	s6 =	ssub.s32 $0x2, s6  }
0xa: {  	s7 =	sadd.s32 s7, s4;
	s10 =	sor.u32 s2, s10;
	s11 =	sshrl.u32 s6, $0x1  }
0xb: {  	s8 =	sadd.s32 s9, s8;
	s10 =	smul.u32 $0x500, s10;
	s9 =	sadd.s32 s9, s1  }
0xc: {  	s11 =	ssub.s32 s6, s11;
	s8 =	sshrl.u32 s8, $0x3;
	s9 =	sshrl.u32 @!p0 s9, $0x3  }
0xd: {  	v0 =	vimm.f32 $0.0e+00;
	v1 =	vlaneseq.u32;
	s8 =	sadd.s32 s8, s4;
	s4 =	sadd.s32 $0x2000, s7;
	s5 =	sadd.s32 s5, s10  }
0xe: {  	v2 =	vimm.f32 $1.000000000e+00;
	vm0 =	vmmov $0xffff;
	v3 =	vor.u32 $0x10, v1;
	s7 =	smax.u32 s11, $0x1;
	s6 =	sadd.s32 $0x2600, s8;
	s8 =	sshll.u32 @!p0 s2, $0x6  }
0xf: {  	v4 =	vor.u32 $0x20, v1;
	v5 =	vor.u32 $0x30, v1;
	v6 =	vor.u32 $0x40, v1;
	s10 =	simm.s32 $0x1;
	s11 =	simm.s32 $0x2800;
	s8 =	sor.u32 @!p0 $0x1C01, s8  }
.LBB2_1:
0x10: {  	[spmem:s9], [sflag:s8] =	dma.local @!p0 [hbm:s4], $0x80  }
0x11: {  	s17 =	simm.s32 @!p0 $0x1  }
0x12: {  	_ =	swait.ge @!p0 [sflag:s17], $0x80  }
0x13: {  	[sflag:s17] =	ssyncset.done @!p0 $0x0  }
0x14: {  	[sflag:s17] =	ssyncadd.s32 @!p0 $0xFFFFFF80  }
0x15: {  	[tilespmem:s3], [sflag:$0x1] =	stream.linear.gather [hbm4b:s5+s3], $0x2800, $0x38;
	[tilespmem:$0x5280] =	vst v63  }
0x16: {  	_ =	swait.ge [sflag:s10], $0x2800  }
0x17: {  	[sflag:s10] =	ssyncset.done $0x0  }
0x18: {  	s18 =	simm.s32 $0x200;
	s17 =	simm.s32 $0x0;
	[sflag:s10] =	ssyncadd.s32 $0xFFFFD800  }
.LBB2_2:
0x19: {  	p1 =	sne.s32 s18, $0x9E00;
	[tilespmem:s17+$0x2870] =	vst v0  }
0x1a: {  	[tilespmem:s17+$0x2800] =	vst v0  }
0x1b: {  	[tilespmem:s17+$0x2810] =	vst v0  }
.Ltmp0:
0x1c: {  	[tilespmem:s17+$0x2820] =	vst v0;
	(pc) =	sbr.rel @p1 .LBB2_2-.Ltmp0, $4  }
0x1d: {  	[tilespmem:s17+$0x2830] =	vst v0  }
0x1e: {  	[tilespmem:s17+$0x2840] =	vst v0  }
0x1f: {  	[tilespmem:s17+$0x2850] =	vst v0  }
0x20: {  	[tilespmem:s17+$0x2860] =	vst v0;
	s17 =	sshra.s32 s18, $0x2;
	s18 =	sadd.s32 $0x200, s18  }
0x21: {  	[tilespmem:s17+$0x2870] =	vst v0  }
0x22: {  	[tilespmem:s17+$0x2800] =	vst v0  }
0x23: {  	[tilespmem:s17+$0x2810] =	vst v0  }
0x24: {  	[tilespmem:s17+$0x2820] =	vst v0  }
0x25: {  	[tilespmem:s17+$0x2830] =	vst v0  }
0x26: {  	[tilespmem:s17+$0x2840] =	vst v0  }
0x27: {  	[tilespmem:s17+$0x2850] =	vst v0  }
0x28: {  	[tilespmem:s17+$0x2860] =	vst v0;
	s17 =	simm.s32 $0x0  }
.LBB2_4:
0x29: {  	s18 =	sshra.s32 s17, $0x2  }
0x2a: {  	v7 =	vld [tilespmem:s18+$0x0];
	_ =	sdelay $0x7  }
0x2b: {  	[tilespmem:v7+s11+$0x0] =	vst.idx.add.f32.msk $0xffff, v2  }
0x2c: {  	v7 =	vld [tilespmem:s18+$0x10];
	_ =	sdelay $0x7  }
0x2d: {  	[tilespmem:v7+s11+$0x0] =	vst.idx.add.f32.msk $0xffff, v2  }
0x2e: {  	v7 =	vld [tilespmem:s18+$0x20];
	_ =	sdelay $0x7  }
0x2f: {  	[tilespmem:v7+s11+$0x0] =	vst.idx.add.f32.msk $0xffff, v2  }
0x30: {  	v7 =	vld [tilespmem:s18+$0x30];
	_ =	sdelay $0x7  }
0x31: {  	[tilespmem:v7+s11+$0x0] =	vst.idx.add.f32.msk $0xffff, v2  }
0x32: {  	v7 =	vld [tilespmem:s18+$0x40];
	_ =	sdelay $0x7  }
0x33: {  	[tilespmem:v7+s11+$0x0] =	vst.idx.add.f32.msk $0xffff, v2  }
0x34: {  	v7 =	vld [tilespmem:s18+$0x50];
	_ =	sdelay $0x7  }
0x35: {  	[tilespmem:v7+s11+$0x0] =	vst.idx.add.f32.msk $0xffff, v2  }
0x36: {  	v7 =	vld [tilespmem:s18+$0x60];
	_ =	sdelay $0x7  }
0x37: {  	[tilespmem:v7+s11+$0x0] =	vst.idx.add.f32.msk $0xffff, v2  }
0x38: {  	v7 =	vld [tilespmem:s18+$0x70];
	_ =	sdelay $0x2  }
0x39: {  	p1 =	sne.s32 s17, $0x9E00  }
.Ltmp1:
0x3a: {  	_ = 	snop;
	(pc) =	sbr.rel @p1 .LBB2_4-.Ltmp1, $2  }
0x3b: {  	_ =	sdelay $0x2  }
0x3c: {  	s17 =	sadd.s32 $0x200, s17;
	[tilespmem:v7+s11+$0x0] =	vst.idx.add.f32.msk $0xffff, v2  }
0x3d: {  	_ =	sdelay $0x2  }
0x3e: {  	[bflag:$0x0] =	sbarrier.arrive $0xFFFF  }
0x3f: {  	[spmem:s1] =	stream.indirect_vreg.scatter.add.f32 [tilespmem:s11], [sflag:$0x1], $0x80, v1, vm0, $0xb8;
	[tilespmem:$0x5280] =	vst v63  }
0x40: {  	_ =	swait.ge [sflag:s10], $0x800  }
0x41: {  	[sflag:s10] =	ssyncset.done $0x0  }
0x42: {  	[sflag:s10] =	ssyncadd.s32 $0xFFFFF800  }
0x43: {  	[spmem:s1] =	stream.indirect_vreg.scatter.add.f32 [tilespmem:s12], [sflag:$0x1], $0x80, v3, vm0, $0xb8;
	[tilespmem:$0x5280] =	vst v63  }
0x44: {  	_ =	swait.ge [sflag:s10], $0x800  }
0x45: {  	[sflag:s10] =	ssyncset.done $0x0  }
0x46: {  	[sflag:s10] =	ssyncadd.s32 $0xFFFFF800  }
0x47: {  	[spmem:s1] =	stream.indirect_vreg.scatter.add.f32 [tilespmem:s13], [sflag:$0x1], $0x80, v4, vm0, $0xb8;
	[tilespmem:$0x5280] =	vst v63  }
0x48: {  	_ =	swait.ge [sflag:s10], $0x800  }
0x49: {  	[sflag:s10] =	ssyncset.done $0x0  }
0x4a: {  	[sflag:s10] =	ssyncadd.s32 $0xFFFFF800  }
0x4b: {  	[spmem:s1] =	stream.indirect_vreg.scatter.add.f32 [tilespmem:s14], [sflag:$0x1], $0x80, v5, vm0, $0xb8;
	[tilespmem:$0x5280] =	vst v63  }
0x4c: {  	_ =	swait.ge [sflag:s10], $0x800  }
0x4d: {  	[sflag:s10] =	ssyncset.done $0x0  }
0x4e: {  	[sflag:s10] =	ssyncadd.s32 $0xFFFFF800  }
0x4f: {  	[spmem:s1] =	stream.indirect_vreg.scatter.add.f32 [tilespmem:s15], [sflag:$0x1], $0x80, v6, vm0, $0xb8;
	[tilespmem:$0x5280] =	vst v63  }
0x50: {  	_ =	swait.ge [sflag:s10], $0x800  }
0x51: {  	s16 =	sadd.s32 $0x1, s16;
	[sflag:s10] =	ssyncset.done $0x0  }
0x52: {  	p1 =	sne.s32 s16, s7;
	[sflag:s10] =	ssyncadd.s32 $0xFFFFF800  }
.Ltmp2:
0x53: {  	s17 =	simm.s32 @!p0 $0x1;
	[bflag:$0x0] =	sbarrier.arrive $0xFFFF;
	(pc) =	sbr.rel @p1 .LBB2_1-.Ltmp2, $4  }
0x54: {  	[hbm:s6], [sflag:s8] =	dma.local @!p0 [spmem:s9], $0x80  }
0x55: {  	_ =	swait.ge @!p0 [sflag:s17], $0x80  }
0x56: {  	[sflag:s17] =	ssyncset.done @!p0 $0x0  }
0x57: {  	[sflag:s17] =	ssyncadd.s32 @!p0 $0xFFFFFF80  }
0x58: {  	_ =	sfence.sel $0x180000  }
0x59: {  	[bflag:$0x0] =	sbarrier.arrive $0xFFFF  }
0x5a: {  	p0 =	sne.s32 s2, $0x0;
	_ =	strace $0x90000047  }
0x5b: {  	s0 =	sadd.s32 @!p0 $0x100000, s0;
	[bflag:$0x2] =	sbarrier.arrive $0xFFFF  }
0x5c: {  	[sflag:s0] =	ssyncadd.tile.s32 @!p0 $0x1;
	_ =	shalt  }
.Lfunc_end2:
_tile_overlayer_lowered:
.L_overlay_start_2:
0x5d: {  	(tag) =	ssettag $0x2  }
0x5e: {  	s0 =	rddreg [dreg:$0x0];
	s2 =	stileid.u32  }
0x5f: {  	s1 =	rddreg [dreg:$0x1];
	p0 =	sne.s32 s2, $0x0  }
0x60: {  	s3 =	rddreg [dreg:$0x2];
	[bflag:$0x3] =	sbarrier.arrive $0xFFFF;
	s2 =	simm.s32 @!p0 $0x1C01  }
0x61: {  	[timem:s3], [sflag:s2] =	dma.local @!p0 [hbm:s0], s1  }
0x62: {  	s0 =	simm.s32 @!p0 $0x1  }
0x63: {  	_ =	swait.ge @!p0 [sflag:s0], s1  }
0x64: {  	s1 =	ssub.s32 @!p0 $0x0, s1;
	[sflag:s0] =	ssyncset.done @!p0 $0x0  }
0x65: {  	[sflag:s0] =	ssyncadd.s32 @!p0 s1  }
0x66: {  	[bflag:$0x3] =	sbarrier.arrive $0xFFFF  }
0x67: {  	_ =	shalt  }

</sc_bundles>
